<compile_context>
chip_gen: v7x
topology: tpu7x:2x2x1
jax: 0.10.2.dev20260603
libtpu: 0.0.44.dev20260713+nightly
codegen_flags: <defaults>
</compile_context>

<pallas_src>
import functools

import jax
import jax.numpy as jnp
from jax import lax
from jax.experimental import pallas as pl
from jax.experimental.pallas import tpu as pltpu
from jax.experimental.pallas import tpu_sc as plsc

_N = 10000
_E = 320000
_D = 128

_NC = 2
_NS = 16
_L = 16

_EPT = _E // (_NC * _NS)
_K = 80
_NCHUNK = _EPT // _K
_NPAIR = _NCHUNK // 2
_NPAD = 10240
_RPT = _NPAD // _NS
_STG = 80
_NSTG = _RPT // _STG


def _sc_segment_sum(ego, src, dst, ev, zeros):
    mesh = plsc.VectorSubcoreMesh(core_axis_name="c", subcore_axis_name="s")

    @functools.partial(
        pl.kernel,
        mesh=mesh,
        out_type=jax.ShapeDtypeStruct((_NC, _NPAD, _D), jnp.float32),
        scratch_types=[
            pltpu.VMEM((_EPT,), jnp.int32),
            pltpu.VMEM((_EPT + _L,), jnp.float32),
            pltpu.VMEM((_K,), jnp.int32),
            pltpu.VMEM((_K,), jnp.int32),
            pltpu.VMEM((_K, _D), jnp.float32),
            pltpu.VMEM((_K, _D), jnp.float32),
            pltpu.VMEM_SHARED((_NPAD, _D), jnp.float32),
            pltpu.SemaphoreType.DMA,
            pltpu.SemaphoreType.DMA,
            pltpu.SemaphoreType.DMA,
            pltpu.SemaphoreType.DMA,
            pltpu.SemaphoreType.DMA,
            pltpu.SemaphoreType.DMA,
        ],
    )
    def body(ego_hbm, src_hbm, dst_hbm, ev_hbm, z_hbm, out_hbm,
             src_v, ev_v, dst_a, dst_b, rows_a, rows_b, acc,
             sg_a, sg_b, ss_a, ss_b, sd_a, sd_b):
        c = lax.axis_index("c")
        s = lax.axis_index("s")
        tile = c * _NS + s
        ebase = tile * _EPT

        pltpu.sync_copy(z_hbm, acc.at[pl.ds(s * _RPT, _RPT)])

        pltpu.sync_copy(src_hbm.at[pl.ds(ebase, _EPT)], src_v)
        pltpu.sync_copy(ev_hbm.at[pl.ds(ebase, _EPT)], ev_v.at[pl.ds(0, _EPT)])

        plsc.subcore_barrier()

        def scale(rows, off):
            @plsc.parallel_loop(0, _K, unroll=8)
            def edge(e):
                ve = ev_v[pl.ds(off + e, _L)]
                bc = jnp.full((_L,), ve[0], jnp.float32)
                for j in range(_D // _L):
                    sl = pl.ds(j * _L, _L)
                    rows[e, sl] = rows[e, sl] * bc

        def gather_start(off, rows, sem):
            pltpu.async_copy(ego_hbm.at[src_v.at[pl.ds(off, _K)]], rows, sem)

        def gather_wait(off, rows, sem):
            pltpu.make_async_copy(
                ego_hbm.at[src_v.at[pl.ds(off, _K)]], rows, sem).wait()

        def dst_start(off, buf, sem):
            pltpu.async_copy(dst_hbm.at[pl.ds(ebase + off, _K)], buf, sem)

        def dst_wait(off, buf, sem):
            pltpu.make_async_copy(
                dst_hbm.at[pl.ds(ebase + off, _K)], buf, sem).wait()

        def half(off_cur, off_nxt, rows_cur, rows_oth, dst_cur, dst_oth,
                 sg_cur, sg_oth, ss_cur, ss_oth, sd_cur, sd_oth, first):
            gather_wait(off_cur, rows_cur, sg_cur)
            if not first:
                pltpu.make_async_copy(rows_oth, acc.at[dst_oth], ss_oth).wait()
            dst_start(off_nxt, dst_oth, sd_oth)
            gather_start(off_nxt, rows_oth, sg_oth)
            scale(rows_cur, off_cur)
            dst_wait(off_cur, dst_cur, sd_cur)
            pltpu.async_copy(rows_cur, acc.at[dst_cur], ss_cur, add=True)

        def do_pair(j, first):
            off0 = j * (2 * _K)
            half(off0, off0 + _K, rows_a, rows_b, dst_a, dst_b,
                 sg_a, sg_b, ss_a, ss_b, sd_a, sd_b, first)
            half(off0 + _K, off0 + 2 * _K, rows_b, rows_a, dst_b, dst_a,
                 sg_b, sg_a, ss_b, ss_a, sd_b, sd_a, False)

        gather_start(0, rows_a, sg_a)
        dst_start(0, dst_a, sd_a)
        do_pair(0, True)

        def pair_loop(j, carry):
            do_pair(j, False)
            return carry
        lax.fori_loop(1, _NPAIR, pair_loop, 0)

        offl = (_NCHUNK - 1) * _K
        gather_wait(offl, rows_a, sg_a)
        pltpu.make_async_copy(rows_b, acc.at[dst_b], ss_b).wait()
        scale(rows_a, offl)
        dst_wait(offl, dst_a, sd_a)
        pltpu.sync_copy(rows_a, acc.at[dst_a], add=True)

        plsc.subcore_barrier()

        rbase = s * _RPT
        pltpu.sync_copy(acc.at[pl.ds(rbase, _STG)], rows_a)
        for t in range(_NSTG):
            cur, nxt = (rows_a, rows_b) if t % 2 == 0 else (rows_b, rows_a)
            sw = ss_a if t % 2 == 0 else ss_b
            r0 = rbase + t * _STG
            pltpu.async_copy(cur, out_hbm.at[c, pl.ds(r0, _STG)], sw)
            if t + 1 < _NSTG:
                pltpu.sync_copy(acc.at[pl.ds(r0 + _STG, _STG)], nxt)
            pltpu.make_async_copy(cur, out_hbm.at[c, pl.ds(r0, _STG)], sw).wait()

    return body(ego, src, dst, ev, zeros)


def _tc_combine(ego, partial, W1, b1, W2, b2):
    br = 2000
    grid = (_N // br,)

    def body(ego_ref, p_ref, w1_ref, b1_ref, w2_ref, b2_ref, out_ref):
        side = p_ref[0] + p_ref[1]
        e = ego_ref[...]
        x1 = jnp.dot(e + side, w1_ref[...],
                     preferred_element_type=jnp.float32) + b1_ref[...]
        x2 = jnp.dot(e * side, w2_ref[...],
                     preferred_element_type=jnp.float32) + b2_ref[...]
        out_ref[...] = (jnp.where(x1 >= 0, x1, 0.01 * x1)
                        + jnp.where(x2 >= 0, x2, 0.01 * x2))

    return pl.pallas_call(
        body,
        grid=grid,
        in_specs=[
            pl.BlockSpec((br, _D), lambda i: (i, 0)),
            pl.BlockSpec((_NC, br, _D), lambda i: (0, i, 0)),
            pl.BlockSpec((_D, _D), lambda i: (0, 0)),
            pl.BlockSpec((1, _D), lambda i: (0, 0)),
            pl.BlockSpec((_D, _D), lambda i: (0, 0)),
            pl.BlockSpec((1, _D), lambda i: (0, 0)),
        ],
        out_specs=pl.BlockSpec((br, _D), lambda i: (i, 0)),
        out_shape=jax.ShapeDtypeStruct((_N, _D), jnp.float32),
    )(ego, partial, W1, b1.reshape(1, _D), W2, b2.reshape(1, _D))


def kernel(ego_embeddings, edge_index, edge_values, W1, b1, W2, b2):
    src = edge_index[0].astype(jnp.int32)
    dst = edge_index[1].astype(jnp.int32)
    ev = edge_values.astype(jnp.float32)
    zeros = jnp.zeros((_RPT, _D), jnp.float32)
    partial = _sc_segment_sum(ego_embeddings, src, dst, ev, zeros)
    return _tc_combine(ego_embeddings, partial, W1, b1, W2, b2)

# --- scband reference (transcript-rebuilt; emitter-appended) ---
"""Pipeline reference for scband-kgat-84722524881132 (READ-ONLY COPY).

The authoritative reference and input builder live on the scoring server;
editing this copy changes nothing except your own understanding.
"""

import jax, jax.numpy as jnp
import numpy as np

N_NODES = 10000
N_EDGES = 320000
D = 128


def _leaky_relu(x, negative_slope=0.01):
    # matches torch.nn.LeakyReLU default
    return jnp.where(x >= 0, x, negative_slope * x)


def setup_inputs(seed: int = 0) -> dict:
    key = jax.random.key(seed)
    k1, k2, k3, k4, k5 = jax.random.split(key, 5)
    ego_embeddings = jax.random.normal(k1, (N_NODES, D), dtype=jnp.float32)
    # sparse A_in in COO form: edge_index[0]=src (column), edge_index[1]=dst (row)
    edge_index = jax.random.randint(k2, (2, N_EDGES), 0, N_NODES, dtype=jnp.int64)
    edge_values = jax.random.uniform(k3, (N_EDGES,), dtype=jnp.float32)
    # bi-interaction aggregator params (xavier-ish init)
    scale = 1.0 / np.sqrt(D)
    W1 = jax.random.normal(k4, (D, D), dtype=jnp.float32) * scale
    b1 = jnp.zeros((D,), dtype=jnp.float32)
    W2 = jax.random.normal(k5, (D, D), dtype=jnp.float32) * scale
    b2 = jnp.zeros((D,), dtype=jnp.float32)
    return {
        "ego_embeddings": ego_embeddings,
        "edge_index": edge_index,
        "edge_values": edge_values,
        "W1": W1,
        "b1": b1,
        "W2": W2,
        "b2": b2,
    }


def reference(ego_embeddings, edge_index, edge_values, W1, b1, W2, b2):
    # side_embeddings = A_in @ ego_embeddings  (sparse matmul via gather + segment_sum)
    src = edge_index[0]
    dst = edge_index[1]
    msgs = edge_values[:, None] * jnp.take(ego_embeddings, src, axis=0)
    side_embeddings = jax.ops.segment_sum(msgs, dst, num_segments=N_NODES)
    # bi-interaction aggregation (eval mode: dropout is identity)
    sum_embeddings = _leaky_relu((ego_embeddings + side_embeddings) @ W1 + b1)
    bi_embeddings = _leaky_relu((ego_embeddings * side_embeddings) @ W2 + b2)
    embeddings = bi_embeddings + sum_embeddings
    return embeddings

if __name__ == "__main__":
    import jax
    _d = setup_inputs()
    print(jax.jit(kernel)(*tuple(_d.values())))

</pallas_src>

<mosaic_0001>
#map = affine_map<(d0, d1) -> (0, 0)>
#map1 = affine_map<(d0, d1) -> (0)>
#map2 = affine_map<(d0, d1) -> (0, 0, 0)>
module attributes {stable_mosaic.version = 14 : i64} {
  func.func @body(%arg0: i32, %arg1: i32, %arg2: memref<10000x128xf32, #tpu.memory_space<hbm>>, %arg3: memref<320000xi32, #tpu.memory_space<hbm>>, %arg4: memref<320000xi32, #tpu.memory_space<hbm>>, %arg5: memref<320000xf32, #tpu.memory_space<hbm>>, %arg6: memref<640x128xf32, #tpu.memory_space<hbm>>, %arg7: memref<2x10240x128xf32, #tpu.memory_space<hbm>>, %arg8: memref<10000xi32, #tpu.memory_space<vmem>>, %arg9: memref<10016xf32, #tpu.memory_space<vmem>>, %arg10: memref<80xi32, #tpu.memory_space<vmem>>, %arg11: memref<80xi32, #tpu.memory_space<vmem>>, %arg12: memref<80x128xf32, #tpu.memory_space<vmem>>, %arg13: memref<80x128xf32, #tpu.memory_space<vmem>>, %arg14: memref<10240x128xf32, #tpu.memory_space<vmem_shared>>, %arg15: memref<!tpu.dma_semaphore, #tpu.memory_space<semaphore_mem>>, %arg16: memref<!tpu.dma_semaphore, #tpu.memory_space<semaphore_mem>>, %arg17: memref<!tpu.dma_semaphore, #tpu.memory_space<semaphore_mem>>, %arg18: memref<!tpu.dma_semaphore, #tpu.memory_space<semaphore_mem>>, %arg19: memref<!tpu.dma_semaphore, #tpu.memory_space<semaphore_mem>>, %arg20: memref<!tpu.dma_semaphore, #tpu.memory_space<semaphore_mem>>) attributes {dimension_semantics = [#tpu.dimension_semantics<core_parallel>, #tpu.dimension_semantics<subcore_parallel>], iteration_bounds = array<i64: 2, 16>, scalar_prefetch = 0 : i64, scratch_operands = 13 : i64, tpu.core_type = #tpu.core_type<sc_vector_subcore>, window_params = [{transform_indices = #map}, {transform_indices = #map1}, {transform_indices = #map1}, {transform_indices = #map1}, {transform_indices = #map}, {transform_indices = #map2}]} {
    %mul3A = arith.constant 16 : i32
    %mul3A_0 = arith.muli %arg0, %mul3A : i32
    %add3A = arith.addi %mul3A_0, %arg1 : i32
    %mul3A_1 = arith.constant 10000 : i32
    %mul3A_2 = arith.muli %add3A, %mul3A_1 : i32
    %mul3A_3 = arith.constant 640 : i32
    %mul3A_4 = arith.muli %arg1, %mul3A_3 : i32
    "tpu.region"() ({
      %run_scoped3A = tpu.sem_alloc : memref<!tpu.dma_semaphore, #tpu.memory_space<semaphore_mem>>
      %dma_start3A_211 = arith.constant 0 : i32
      %dma_start3A_212 = tpu.memref_slice %arg14[%mul3A_4, %dma_start3A_211] : memref<10240x128xf32, #tpu.memory_space<vmem_shared>> -> memref<640x128xf32, #tpu.memory_space<vmem_shared>>
      tpu.enqueue_dma source(%arg6 : memref<640x128xf32, #tpu.memory_space<hbm>>) target(%dma_start3A_212 : memref<640x128xf32, #tpu.memory_space<vmem_shared>>) target_semaphore(%run_scoped3A : memref<!tpu.dma_semaphore, #tpu.memory_space<semaphore_mem>>)
      %dma_wait3A_213 = arith.constant 0 : i32
      %dma_wait3A_214 = tpu.memref_slice %arg14[%mul3A_4, %dma_wait3A_213] : memref<10240x128xf32, #tpu.memory_space<vmem_shared>> -> memref<640x128xf32, #tpu.memory_space<vmem_shared>>
      tpu.wait_dma2 semaphore(%run_scoped3A : memref<!tpu.dma_semaphore, #tpu.memory_space<semaphore_mem>>) src(%arg6 : memref<640x128xf32, #tpu.memory_space<hbm>>) dst(%dma_wait3A_214 : memref<640x128xf32, #tpu.memory_space<vmem_shared>>)
      tpu.yield
    }) : () -> ()
    "tpu.region"() ({
      %run_scoped3A = tpu.sem_alloc : memref<!tpu.dma_semaphore, #tpu.memory_space<semaphore_mem>>
      %dma_start3A_211 = tpu.memref_slice %arg3[%mul3A_2] : memref<320000xi32, #tpu.memory_space<hbm>> -> memref<10000xi32, #tpu.memory_space<hbm>>
      %dma_start3A_212 = tpu.memref_slice %arg3[%mul3A_2] : memref<320000xi32, #tpu.memory_space<hbm>> -> memref<10000xi32, #tpu.memory_space<hbm>>
      tpu.enqueue_dma source(%dma_start3A_212 : memref<10000xi32, #tpu.memory_space<hbm>>) target(%arg8 : memref<10000xi32, #tpu.memory_space<vmem>>) target_semaphore(%run_scoped3A : memref<!tpu.dma_semaphore, #tpu.memory_space<semaphore_mem>>)
      %dma_wait3A_213 = tpu.memref_slice %arg3[%mul3A_2] : memref<320000xi32, #tpu.memory_space<hbm>> -> memref<10000xi32, #tpu.memory_space<hbm>>
      %dma_wait3A_214 = tpu.memref_slice %arg3[%mul3A_2] : memref<320000xi32, #tpu.memory_space<hbm>> -> memref<10000xi32, #tpu.memory_space<hbm>>
      tpu.wait_dma2 semaphore(%run_scoped3A : memref<!tpu.dma_semaphore, #tpu.memory_space<semaphore_mem>>) src(%dma_wait3A_214 : memref<10000xi32, #tpu.memory_space<hbm>>) dst(%arg8 : memref<10000xi32, #tpu.memory_space<vmem>>)
      tpu.yield
    }) : () -> ()
    "tpu.region"() ({
      %run_scoped3A = tpu.sem_alloc : memref<!tpu.dma_semaphore, #tpu.memory_space<semaphore_mem>>
      %dma_start3A_211 = arith.constant 0 : i32
      %dma_start3A_212 = tpu.memref_slice %arg9[%dma_start3A_211] : memref<10016xf32, #tpu.memory_space<vmem>> -> memref<10000xf32, #tpu.memory_space<vmem>>
      %dma_start3A_213 = tpu.memref_slice %arg5[%mul3A_2] : memref<320000xf32, #tpu.memory_space<hbm>> -> memref<10000xf32, #tpu.memory_space<hbm>>
      %dma_start3A_214 = arith.constant 0 : i32
      %dma_start3A_215 = tpu.memref_slice %arg9[%dma_start3A_214] : memref<10016xf32, #tpu.memory_space<vmem>> -> memref<10000xf32, #tpu.memory_space<vmem>>
      %dma_start3A_216 = tpu.memref_slice %arg5[%mul3A_2] : memref<320000xf32, #tpu.memory_space<hbm>> -> memref<10000xf32, #tpu.memory_space<hbm>>
      tpu.enqueue_dma source(%dma_start3A_216 : memref<10000xf32, #tpu.memory_space<hbm>>) target(%dma_start3A_215 : memref<10000xf32, #tpu.memory_space<vmem>>) target_semaphore(%run_scoped3A : memref<!tpu.dma_semaphore, #tpu.memory_space<semaphore_mem>>)
      %dma_wait3A_217 = arith.constant 0 : i32
      %dma_wait3A_218 = tpu.memref_slice %arg9[%dma_wait3A_217] : memref<10016xf32, #tpu.memory_space<vmem>> -> memref<10000xf32, #tpu.memory_space<vmem>>
      %dma_wait3A_219 = tpu.memref_slice %arg5[%mul3A_2] : memref<320000xf32, #tpu.memory_space<hbm>> -> memref<10000xf32, #tpu.memory_space<hbm>>
      %dma_wait3A_220 = arith.constant 0 : i32
      %dma_wait3A_221 = tpu.memref_slice %arg9[%dma_wait3A_220] : memref<10016xf32, #tpu.memory_space<vmem>> -> memref<10000xf32, #tpu.memory_space<vmem>>
      %dma_wait3A_222 = tpu.memref_slice %arg5[%mul3A_2] : memref<320000xf32, #tpu.memory_space<hbm>> -> memref<10000xf32, #tpu.memory_space<hbm>>
      tpu.wait_dma2 semaphore(%run_scoped3A : memref<!tpu.dma_semaphore, #tpu.memory_space<semaphore_mem>>) src(%dma_wait3A_222 : memref<10000xf32, #tpu.memory_space<hbm>>) dst(%dma_wait3A_221 : memref<10000xf32, #tpu.memory_space<vmem>>)
      tpu.yield
    }) : () -> ()
    %barrier3A = arith.constant 0 : index
    tpu.barrier barrier_id(%barrier3A)
    %dma_start3A = arith.constant 0 : i32
    %dma_start3A_5 = tpu.memref_slice %arg8[%dma_start3A] : memref<10000xi32, #tpu.memory_space<vmem>> -> memref<80xi32, #tpu.memory_space<vmem>>
    %dma_start3A_6 = arith.constant 0 : i32
    %dma_start3A_7 = arith.constant 0 : i32
    %dma_start3A_8 = tpu.memref_slice %arg2[%dma_start3A_6, %dma_start3A_7] : memref<10000x128xf32, #tpu.memory_space<hbm>> -> memref<10000x128xf32, #tpu.memory_space<hbm>>
    tpu.enqueue_indirect_dma source(%dma_start3A_8 : memref<10000x128xf32, #tpu.memory_space<hbm>>) target(%arg12 : memref<80x128xf32, #tpu.memory_space<vmem>>) offsets(%dma_start3A_5 : memref<80xi32, #tpu.memory_space<vmem>>) semaphore(%arg15 : memref<!tpu.dma_semaphore, #tpu.memory_space<semaphore_mem>>)
    %add3A_9 = arith.constant 0 : i32
    %add3A_10 = arith.addi %mul3A_2, %add3A_9 : i32
    %dma_start3A_11 = tpu.memref_slice %arg4[%add3A_10] : memref<320000xi32, #tpu.memory_space<hbm>> -> memref<80xi32, #tpu.memory_space<hbm>>
    %dma_start3A_12 = tpu.memref_slice %arg4[%add3A_10] : memref<320000xi32, #tpu.memory_space<hbm>> -> memref<80xi32, #tpu.memory_space<hbm>>
    tpu.enqueue_dma source(%dma_start3A_12 : memref<80xi32, #tpu.memory_space<hbm>>) target(%arg10 : memref<80xi32, #tpu.memory_space<vmem>>) target_semaphore(%arg19 : memref<!tpu.dma_semaphore, #tpu.memory_space<semaphore_mem>>)
    %dma_wait3A = arith.constant 0 : i32
    %dma_wait3A_13 = tpu.memref_slice %arg8[%dma_wait3A] : memref<10000xi32, #tpu.memory_space<vmem>> -> memref<80xi32, #tpu.memory_space<vmem>>
    %dma_wait3A_14 = arith.constant 0 : i32
    %dma_wait3A_15 = arith.constant 0 : i32
    %dma_wait3A_16 = tpu.memref_slice %arg2[%dma_wait3A_14, %dma_wait3A_15] : memref<10000x128xf32, #tpu.memory_space<hbm>> -> memref<10000x128xf32, #tpu.memory_space<hbm>>
    tpu.wait_indirect_dma semaphore(%arg15 : memref<!tpu.dma_semaphore, #tpu.memory_space<semaphore_mem>>) src(%dma_wait3A_16 : memref<10000x128xf32, #tpu.memory_space<hbm>>) dst(%arg12 : memref<80x128xf32, #tpu.memory_space<vmem>>)
    %add3A_17 = arith.constant 80 : i32
    %add3A_18 = arith.addi %mul3A_2, %add3A_17 : i32
    %dma_start3A_19 = tpu.memref_slice %arg4[%add3A_18] : memref<320000xi32, #tpu.memory_space<hbm>> -> memref<80xi32, #tpu.memory_space<hbm>>
    %dma_start3A_20 = tpu.memref_slice %arg4[%add3A_18] : memref<320000xi32, #tpu.memory_space<hbm>> -> memref<80xi32, #tpu.memory_space<hbm>>
    tpu.enqueue_dma source(%dma_start3A_20 : memref<80xi32, #tpu.memory_space<hbm>>) target(%arg11 : memref<80xi32, #tpu.memory_space<vmem>>) target_semaphore(%arg20 : memref<!tpu.dma_semaphore, #tpu.memory_space<semaphore_mem>>)
    %dma_start3A_21 = arith.constant 80 : i32
    %dma_start3A_22 = tpu.memref_slice %arg8[%dma_start3A_21] : memref<10000xi32, #tpu.memory_space<vmem>> -> memref<80xi32, #tpu.memory_space<vmem>>
    %dma_start3A_23 = arith.constant 0 : i32
    %dma_start3A_24 = arith.constant 0 : i32
    %dma_start3A_25 = tpu.memref_slice %arg2[%dma_start3A_23, %dma_start3A_24] : memref<10000x128xf32, #tpu.memory_space<hbm>> -> memref<10000x128xf32, #tpu.memory_space<hbm>>
    tpu.enqueue_indirect_dma source(%dma_start3A_25 : memref<10000x128xf32, #tpu.memory_space<hbm>>) target(%arg13 : memref<80x128xf32, #tpu.memory_space<vmem>>) offsets(%dma_start3A_22 : memref<80xi32, #tpu.memory_space<vmem>>) semaphore(%arg16 : memref<!tpu.dma_semaphore, #tpu.memory_space<semaphore_mem>>)
    %parallel_loop3A = arith.constant 0 : i32
    %parallel_loop3A_26 = arith.constant 80 : i32
    %parallel_loop3A_27 = arith.constant 1 : i32
    scf.for %parallel_loop3A_211 = %parallel_loop3A to %parallel_loop3A_26 step %parallel_loop3A_27  : i32 {
      %parallel_loop3A_212 = arith.constant 0 : i32
      %parallel_loop3A_213 = arith.addi %parallel_loop3A_212, %parallel_loop3A_211 : i32
      %parallel_loop3A_214 = arith.index_cast %parallel_loop3A_213 : i32 to index
      %parallel_loop3A_215 = tpu.vector_load %arg9[%parallel_loop3A_214] {strides = array<i32>} : memref<10016xf32, #tpu.memory_space<vmem>>, vector<16xf32>,
      %parallel_loop3A_216 = vector.shape_cast %parallel_loop3A_215 : vector<16xf32> to vector<16xf32>
      %parallel_loop3A_217 = vector.extract_strided_slice %parallel_loop3A_216 {offsets = [0], sizes = [1], strides = [1]} : vector<16xf32> to vector<1xf32>
      %parallel_loop3A_218 = vector.extract %parallel_loop3A_217[0] : f32 from vector<1xf32>
      %parallel_loop3A_219 = vector.broadcast %parallel_loop3A_218 : f32 to vector<16xf32>
      %parallel_loop3A_220 = arith.index_cast %parallel_loop3A_211 : i32 to index
      %parallel_loop3A_221 = arith.constant 0 : index
      %parallel_loop3A_222 = tpu.vector_load %arg12[%parallel_loop3A_220, %parallel_loop3A_221] {strides = array<i32>} : memref<80x128xf32, #tpu.memory_space<vmem>>, vector<1x16xf32>,
      %parallel_loop3A_223 = vector.shape_cast %parallel_loop3A_222 : vector<1x16xf32> to vector<16xf32>
      %parallel_loop3A_224 = arith.mulf %parallel_loop3A_223, %parallel_loop3A_219 : vector<16xf32>
      %parallel_loop3A_225 = arith.index_cast %parallel_loop3A_211 : i32 to index
      %parallel_loop3A_226 = arith.constant 0 : index
      %parallel_loop3A_227 = tpu.vector_load %arg12[%parallel_loop3A_225, %parallel_loop3A_226] {strides = array<i32>} : memref<80x128xf32, #tpu.memory_space<vmem>>, vector<1x16xf32>,
      %parallel_loop3A_228 = vector.shape_cast %parallel_loop3A_227 : vector<1x16xf32> to vector<16xf32>
      %parallel_loop3A_229 = vector.shape_cast %parallel_loop3A_224 : vector<16xf32> to vector<1x16xf32>
      tpu.vector_store %arg12[%parallel_loop3A_225, %parallel_loop3A_226], %parallel_loop3A_229 {strides = array<i32>} : memref<80x128xf32, #tpu.memory_space<vmem>>, vector<1x16xf32>,
      %parallel_loop3A_230 = arith.index_cast %parallel_loop3A_211 : i32 to index
      %parallel_loop3A_231 = arith.constant 16 : index
      %parallel_loop3A_232 = tpu.vector_load %arg12[%parallel_loop3A_230, %parallel_loop3A_231] {strides = array<i32>} : memref<80x128xf32, #tpu.memory_space<vmem>>, vector<1x16xf32>,
      %parallel_loop3A_233 = vector.shape_cast %parallel_loop3A_232 : vector<1x16xf32> to vector<16xf32>
      %parallel_loop3A_234 = arith.mulf %parallel_loop3A_233, %parallel_loop3A_219 : vector<16xf32>
      %parallel_loop3A_235 = arith.index_cast %parallel_loop3A_211 : i32 to index
      %parallel_loop3A_236 = arith.constant 16 : index
      %parallel_loop3A_237 = tpu.vector_load %arg12[%parallel_loop3A_235, %parallel_loop3A_236] {strides = array<i32>} : memref<80x128xf32, #tpu.memory_space<vmem>>, vector<1x16xf32>,
      %parallel_loop3A_238 = vector.shape_cast %parallel_loop3A_237 : vector<1x16xf32> to vector<16xf32>
      %parallel_loop3A_239 = vector.shape_cast %parallel_loop3A_234 : vector<16xf32> to vector<1x16xf32>
      tpu.vector_store %arg12[%parallel_loop3A_235, %parallel_loop3A_236], %parallel_loop3A_239 {strides = array<i32>} : memref<80x128xf32, #tpu.memory_space<vmem>>, vector<1x16xf32>,
      %parallel_loop3A_240 = arith.index_cast %parallel_loop3A_211 : i32 to index
      %parallel_loop3A_241 = arith.constant 32 : index
      %parallel_loop3A_242 = tpu.vector_load %arg12[%parallel_loop3A_240, %parallel_loop3A_241] {strides = array<i32>} : memref<80x128xf32, #tpu.memory_space<vmem>>, vector<1x16xf32>,
      %parallel_loop3A_243 = vector.shape_cast %parallel_loop3A_242 : vector<1x16xf32> to vector<16xf32>
      %parallel_loop3A_244 = arith.mulf %parallel_loop3A_243, %parallel_loop3A_219 : vector<16xf32>
      %parallel_loop3A_245 = arith.index_cast %parallel_loop3A_211 : i32 to index
      %parallel_loop3A_246 = arith.constant 32 : index
      %parallel_loop3A_247 = tpu.vector_load %arg12[%parallel_loop3A_245, %parallel_loop3A_246] {strides = array<i32>} : memref<80x128xf32, #tpu.memory_space<vmem>>, vector<1x16xf32>,
      %parallel_loop3A_248 = vector.shape_cast %parallel_loop3A_247 : vector<1x16xf32> to vector<16xf32>
      %parallel_loop3A_249 = vector.shape_cast %parallel_loop3A_244 : vector<16xf32> to vector<1x16xf32>
      tpu.vector_store %arg12[%parallel_loop3A_245, %parallel_loop3A_246], %parallel_loop3A_249 {strides = array<i32>} : memref<80x128xf32, #tpu.memory_space<vmem>>, vector<1x16xf32>,
      %parallel_loop3A_250 = arith.index_cast %parallel_loop3A_211 : i32 to index
      %parallel_loop3A_251 = arith.constant 48 : index
      %parallel_loop3A_252 = tpu.vector_load %arg12[%parallel_loop3A_250, %parallel_loop3A_251] {strides = array<i32>} : memref<80x128xf32, #tpu.memory_space<vmem>>, vector<1x16xf32>,
      %parallel_loop3A_253 = vector.shape_cast %parallel_loop3A_252 : vector<1x16xf32> to vector<16xf32>
      %parallel_loop3A_254 = arith.mulf %parallel_loop3A_253, %parallel_loop3A_219 : vector<16xf32>
      %parallel_loop3A_255 = arith.index_cast %parallel_loop3A_211 : i32 to index
      %parallel_loop3A_256 = arith.constant 48 : index
      %parallel_loop3A_257 = tpu.vector_load %arg12[%parallel_loop3A_255, %parallel_loop3A_256] {strides = array<i32>} : memref<80x128xf32, #tpu.memory_space<vmem>>, vector<1x16xf32>,
      %parallel_loop3A_258 = vector.shape_cast %parallel_loop3A_257 : vector<1x16xf32> to vector<16xf32>
      %parallel_loop3A_259 = vector.shape_cast %parallel_loop3A_254 : vector<16xf32> to vector<1x16xf32>
      tpu.vector_store %arg12[%parallel_loop3A_255, %parallel_loop3A_256], %parallel_loop3A_259 {strides = array<i32>} : memref<80x128xf32, #tpu.memory_space<vmem>>, vector<1x16xf32>,
      %parallel_loop3A_260 = arith.index_cast %parallel_loop3A_211 : i32 to index
      %parallel_loop3A_261 = arith.constant 64 : index
      %parallel_loop3A_262 = tpu.vector_load %arg12[%parallel_loop3A_260, %parallel_loop3A_261] {strides = array<i32>} : memref<80x128xf32, #tpu.memory_space<vmem>>, vector<1x16xf32>,
      %parallel_loop3A_263 = vector.shape_cast %parallel_loop3A_262 : vector<1x16xf32> to vector<16xf32>
      %parallel_loop3A_264 = arith.mulf %parallel_loop3A_263, %parallel_loop3A_219 : vector<16xf32>
      %parallel_loop3A_265 = arith.index_cast %parallel_loop3A_211 : i32 to index
      %parallel_loop3A_266 = arith.constant 64 : index
      %parallel_loop3A_267 = tpu.vector_load %arg12[%parallel_loop3A_265, %parallel_loop3A_266] {strides = array<i32>} : memref<80x128xf32, #tpu.memory_space<vmem>>, vector<1x16xf32>,
      %parallel_loop3A_268 = vector.shape_cast %parallel_loop3A_267 : vector<1x16xf32> to vector<16xf32>
      %parallel_loop3A_269 = vector.shape_cast %parallel_loop3A_264 : vector<16xf32> to vector<1x16xf32>
      tpu.vector_store %arg12[%parallel_loop3A_265, %parallel_loop3A_266], %parallel_loop3A_269 {strides = array<i32>} : memref<80x128xf32, #tpu.memory_space<vmem>>, vector<1x16xf32>,
      %parallel_loop3A_270 = arith.index_cast %parallel_loop3A_211 : i32 to index
      %parallel_loop3A_271 = arith.constant 80 : index
      %parallel_loop3A_272 = tpu.vector_load %arg12[%parallel_loop3A_270, %parallel_loop3A_271] {strides = array<i32>} : memref<80x128xf32, #tpu.memory_space<vmem>>, vector<1x16xf32>,
      %parallel_loop3A_273 = vector.shape_cast %parallel_loop3A_272 : vector<1x16xf32> to vector<16xf32>
      %parallel_loop3A_274 = arith.mulf %parallel_loop3A_273, %parallel_loop3A_219 : vector<16xf32>
      %parallel_loop3A_275 = arith.index_cast %parallel_loop3A_211 : i32 to index
      %parallel_loop3A_276 = arith.constant 80 : index
      %parallel_loop3A_277 = tpu.vector_load %arg12[%parallel_loop3A_275, %parallel_loop3A_276] {strides = array<i32>} : memref<80x128xf32, #tpu.memory_space<vmem>>, vector<1x16xf32>,
      %parallel_loop3A_278 = vector.shape_cast %parallel_loop3A_277 : vector<1x16xf32> to vector<16xf32>
      %parallel_loop3A_279 = vector.shape_cast %parallel_loop3A_274 : vector<16xf32> to vector<1x16xf32>
      tpu.vector_store %arg12[%parallel_loop3A_275, %parallel_loop3A_276], %parallel_loop3A_279 {strides = array<i32>} : memref<80x128xf32, #tpu.memory_space<vmem>>, vector<1x16xf32>,
      %parallel_loop3A_280 = arith.index_cast %parallel_loop3A_211 : i32 to index
      %parallel_loop3A_281 = arith.constant 96 : index
      %parallel_loop3A_282 = tpu.vector_load %arg12[%parallel_loop3A_280, %parallel_loop3A_281] {strides = array<i32>} : memref<80x128xf32, #tpu.memory_space<vmem>>, vector<1x16xf32>,
      %parallel_loop3A_283 = vector.shape_cast %parallel_loop3A_282 : vector<1x16xf32> to vector<16xf32>
      %parallel_loop3A_284 = arith.mulf %parallel_loop3A_283, %parallel_loop3A_219 : vector<16xf32>
      %parallel_loop3A_285 = arith.index_cast %parallel_loop3A_211 : i32 to index
      %parallel_loop3A_286 = arith.constant 96 : index
      %parallel_loop3A_287 = tpu.vector_load %arg12[%parallel_loop3A_285, %parallel_loop3A_286] {strides = array<i32>} : memref<80x128xf32, #tpu.memory_space<vmem>>, vector<1x16xf32>,
      %parallel_loop3A_288 = vector.shape_cast %parallel_loop3A_287 : vector<1x16xf32> to vector<16xf32>
      %parallel_loop3A_289 = vector.shape_cast %parallel_loop3A_284 : vector<16xf32> to vector<1x16xf32>
      tpu.vector_store %arg12[%parallel_loop3A_285, %parallel_loop3A_286], %parallel_loop3A_289 {strides = array<i32>} : memref<80x128xf32, #tpu.memory_space<vmem>>, vector<1x16xf32>,
      %parallel_loop3A_290 = arith.index_cast %parallel_loop3A_211 : i32 to index
      %parallel_loop3A_291 = arith.constant 112 : index
      %parallel_loop3A_292 = tpu.vector_load %arg12[%parallel_loop3A_290, %parallel_loop3A_291] {strides = array<i32>} : memref<80x128xf32, #tpu.memory_space<vmem>>, vector<1x16xf32>,
      %parallel_loop3A_293 = vector.shape_cast %parallel_loop3A_292 : vector<1x16xf32> to vector<16xf32>
      %parallel_loop3A_294 = arith.mulf %parallel_loop3A_293, %parallel_loop3A_219 : vector<16xf32>
      %parallel_loop3A_295 = arith.index_cast %parallel_loop3A_211 : i32 to index
      %parallel_loop3A_296 = arith.constant 112 : index
      %parallel_loop3A_297 = tpu.vector_load %arg12[%parallel_loop3A_295, %parallel_loop3A_296] {strides = array<i32>} : memref<80x128xf32, #tpu.memory_space<vmem>>, vector<1x16xf32>,
      %parallel_loop3A_298 = vector.shape_cast %parallel_loop3A_297 : vector<1x16xf32> to vector<16xf32>
      %parallel_loop3A_299 = vector.shape_cast %parallel_loop3A_294 : vector<16xf32> to vector<1x16xf32>
      tpu.vector_store %arg12[%parallel_loop3A_295, %parallel_loop3A_296], %parallel_loop3A_299 {strides = array<i32>} : memref<80x128xf32, #tpu.memory_space<vmem>>, vector<1x16xf32>,
    } {sc.loop_unroll_factor = 8 : i64, sc.parallel_access}
    %add3A_28 = arith.constant 0 : i32
    %add3A_29 = arith.addi %mul3A_2, %add3A_28 : i32
    %dma_wait3A_30 = tpu.memref_slice %arg4[%add3A_29] : memref<320000xi32, #tpu.memory_space<hbm>> -> memref<80xi32, #tpu.memory_space<hbm>>
    %dma_wait3A_31 = tpu.memref_slice %arg4[%add3A_29] : memref<320000xi32, #tpu.memory_space<hbm>> -> memref<80xi32, #tpu.memory_space<hbm>>
    tpu.wait_dma2 semaphore(%arg19 : memref<!tpu.dma_semaphore, #tpu.memory_space<semaphore_mem>>) src(%dma_wait3A_31 : memref<80xi32, #tpu.memory_space<hbm>>) dst(%arg10 : memref<80xi32, #tpu.memory_space<vmem>>)
    %dma_start3A_32 = arith.constant 0 : i32
    %dma_start3A_33 = arith.constant 0 : i32
    %dma_start3A_34 = tpu.memref_slice %arg14[%dma_start3A_32, %dma_start3A_33] : memref<10240x128xf32, #tpu.memory_space<vmem_shared>> -> memref<10240x128xf32, #tpu.memory_space<vmem_shared>>
    tpu.enqueue_indirect_dma source(%arg12 : memref<80x128xf32, #tpu.memory_space<vmem>>) target(%dma_start3A_34 : memref<10240x128xf32, #tpu.memory_space<vmem_shared>>) offsets(%arg10 : memref<80xi32, #tpu.memory_space<vmem>>) semaphore(%arg17 : memref<!tpu.dma_semaphore, #tpu.memory_space<semaphore_mem>>) {add = true}
    %dma_wait3A_35 = arith.constant 80 : i32
    %dma_wait3A_36 = tpu.memref_slice %arg8[%dma_wait3A_35] : memref<10000xi32, #tpu.memory_space<vmem>> -> memref<80xi32, #tpu.memory_space<vmem>>
    %dma_wait3A_37 = arith.constant 0 : i32
    %dma_wait3A_38 = arith.constant 0 : i32
    %dma_wait3A_39 = tpu.memref_slice %arg2[%dma_wait3A_37, %dma_wait3A_38] : memref<10000x128xf32, #tpu.memory_space<hbm>> -> memref<10000x128xf32, #tpu.memory_space<hbm>>
    tpu.wait_indirect_dma semaphore(%arg16 : memref<!tpu.dma_semaphore, #tpu.memory_space<semaphore_mem>>) src(%dma_wait3A_39 : memref<10000x128xf32, #tpu.memory_space<hbm>>) dst(%arg13 : memref<80x128xf32, #tpu.memory_space<vmem>>)
    %dma_wait3A_40 = arith.constant 0 : i32
    %dma_wait3A_41 = arith.constant 0 : i32
    %dma_wait3A_42 = tpu.memref_slice %arg14[%dma_wait3A_40, %dma_wait3A_41] : memref<10240x128xf32, #tpu.memory_space<vmem_shared>> -> memref<10240x128xf32, #tpu.memory_space<vmem_shared>>
    tpu.wait_indirect_dma semaphore(%arg17 : memref<!tpu.dma_semaphore, #tpu.memory_space<semaphore_mem>>) src(%arg12 : memref<80x128xf32, #tpu.memory_space<vmem>>) dst(%dma_wait3A_42 : memref<10240x128xf32, #tpu.memory_space<vmem_shared>>)
    %add3A_43 = arith.constant 160 : i32
    %add3A_44 = arith.addi %mul3A_2, %add3A_43 : i32
    %dma_start3A_45 = tpu.memref_slice %arg4[%add3A_44] : memref<320000xi32, #tpu.memory_space<hbm>> -> memref<80xi32, #tpu.memory_space<hbm>>
    %dma_start3A_46 = tpu.memref_slice %arg4[%add3A_44] : memref<320000xi32, #tpu.memory_space<hbm>> -> memref<80xi32, #tpu.memory_space<hbm>>
    tpu.enqueue_dma source(%dma_start3A_46 : memref<80xi32, #tpu.memory_space<hbm>>) target(%arg10 : memref<80xi32, #tpu.memory_space<vmem>>) target_semaphore(%arg19 : memref<!tpu.dma_semaphore, #tpu.memory_space<semaphore_mem>>)
    %dma_start3A_47 = arith.constant 160 : i32
    %dma_start3A_48 = tpu.memref_slice %arg8[%dma_start3A_47] : memref<10000xi32, #tpu.memory_space<vmem>> -> memref<80xi32, #tpu.memory_space<vmem>>
    %dma_start3A_49 = arith.constant 0 : i32
    %dma_start3A_50 = arith.constant 0 : i32
    %dma_start3A_51 = tpu.memref_slice %arg2[%dma_start3A_49, %dma_start3A_50] : memref<10000x128xf32, #tpu.memory_space<hbm>> -> memref<10000x128xf32, #tpu.memory_space<hbm>>
    tpu.enqueue_indirect_dma source(%dma_start3A_51 : memref<10000x128xf32, #tpu.memory_space<hbm>>) target(%arg12 : memref<80x128xf32, #tpu.memory_space<vmem>>) offsets(%dma_start3A_48 : memref<80xi32, #tpu.memory_space<vmem>>) semaphore(%arg15 : memref<!tpu.dma_semaphore, #tpu.memory_space<semaphore_mem>>)
    %parallel_loop3A_52 = arith.constant 0 : i32
    %parallel_loop3A_53 = arith.constant 80 : i32
    %parallel_loop3A_54 = arith.constant 1 : i32
    scf.for %parallel_loop3A_211 = %parallel_loop3A_52 to %parallel_loop3A_53 step %parallel_loop3A_54  : i32 {
      %parallel_loop3A_212 = arith.constant 80 : i32
      %parallel_loop3A_213 = arith.addi %parallel_loop3A_212, %parallel_loop3A_211 : i32
      %parallel_loop3A_214 = arith.index_cast %parallel_loop3A_213 : i32 to index
      %parallel_loop3A_215 = tpu.vector_load %arg9[%parallel_loop3A_214] {strides = array<i32>} : memref<10016xf32, #tpu.memory_space<vmem>>, vector<16xf32>,
      %parallel_loop3A_216 = vector.shape_cast %parallel_loop3A_215 : vector<16xf32> to vector<16xf32>
      %parallel_loop3A_217 = vector.extract_strided_slice %parallel_loop3A_216 {offsets = [0], sizes = [1], strides = [1]} : vector<16xf32> to vector<1xf32>
      %parallel_loop3A_218 = vector.extract %parallel_loop3A_217[0] : f32 from vector<1xf32>
      %parallel_loop3A_219 = vector.broadcast %parallel_loop3A_218 : f32 to vector<16xf32>
      %parallel_loop3A_220 = arith.index_cast %parallel_loop3A_211 : i32 to index
      %parallel_loop3A_221 = arith.constant 0 : index
      %parallel_loop3A_222 = tpu.vector_load %arg13[%parallel_loop3A_220, %parallel_loop3A_221] {strides = array<i32>} : memref<80x128xf32, #tpu.memory_space<vmem>>, vector<1x16xf32>,
      %parallel_loop3A_223 = vector.shape_cast %parallel_loop3A_222 : vector<1x16xf32> to vector<16xf32>
      %parallel_loop3A_224 = arith.mulf %parallel_loop3A_223, %parallel_loop3A_219 : vector<16xf32>
      %parallel_loop3A_225 = arith.index_cast %parallel_loop3A_211 : i32 to index
      %parallel_loop3A_226 = arith.constant 0 : index
      %parallel_loop3A_227 = tpu.vector_load %arg13[%parallel_loop3A_225, %parallel_loop3A_226] {strides = array<i32>} : memref<80x128xf32, #tpu.memory_space<vmem>>, vector<1x16xf32>,
      %parallel_loop3A_228 = vector.shape_cast %parallel_loop3A_227 : vector<1x16xf32> to vector<16xf32>
      %parallel_loop3A_229 = vector.shape_cast %parallel_loop3A_224 : vector<16xf32> to vector<1x16xf32>
      tpu.vector_store %arg13[%parallel_loop3A_225, %parallel_loop3A_226], %parallel_loop3A_229 {strides = array<i32>} : memref<80x128xf32, #tpu.memory_space<vmem>>, vector<1x16xf32>,
      %parallel_loop3A_230 = arith.index_cast %parallel_loop3A_211 : i32 to index
      %parallel_loop3A_231 = arith.constant 16 : index
      %parallel_loop3A_232 = tpu.vector_load %arg13[%parallel_loop3A_230, %parallel_loop3A_231] {strides = array<i32>} : memref<80x128xf32, #tpu.memory_space<vmem>>, vector<1x16xf32>,
      %parallel_loop3A_233 = vector.shape_cast %parallel_loop3A_232 : vector<1x16xf32> to vector<16xf32>
      %parallel_loop3A_234 = arith.mulf %parallel_loop3A_233, %parallel_loop3A_219 : vector<16xf32>
      %parallel_loop3A_235 = arith.index_cast %parallel_loop3A_211 : i32 to index
      %parallel_loop3A_236 = arith.constant 16 : index
      %parallel_loop3A_237 = tpu.vector_load %arg13[%parallel_loop3A_235, %parallel_loop3A_236] {strides = array<i32>} : memref<80x128xf32, #tpu.memory_space<vmem>>, vector<1x16xf32>,
      %parallel_loop3A_238 = vector.shape_cast %parallel_loop3A_237 : vector<1x16xf32> to vector<16xf32>
      %parallel_loop3A_239 = vector.shape_cast %parallel_loop3A_234 : vector<16xf32> to vector<1x16xf32>
      tpu.vector_store %arg13[%parallel_loop3A_235, %parallel_loop3A_236], %parallel_loop3A_239 {strides = array<i32>} : memref<80x128xf32, #tpu.memory_space<vmem>>, vector<1x16xf32>,
      %parallel_loop3A_240 = arith.index_cast %parallel_loop3A_211 : i32 to index
      %parallel_loop3A_241 = arith.constant 32 : index
      %parallel_loop3A_242 = tpu.vector_load %arg13[%parallel_loop3A_240, %parallel_loop3A_241] {strides = array<i32>} : memref<80x128xf32, #tpu.memory_space<vmem>>, vector<1x16xf32>,
      %parallel_loop3A_243 = vector.shape_cast %parallel_loop3A_242 : vector<1x16xf32> to vector<16xf32>
      %parallel_loop3A_244 = arith.mulf %parallel_loop3A_243, %parallel_loop3A_219 : vector<16xf32>
      %parallel_loop3A_245 = arith.index_cast %parallel_loop3A_211 : i32 to index
      %parallel_loop3A_246 = arith.constant 32 : index
      %parallel_loop3A_247 = tpu.vector_load %arg13[%parallel_loop3A_245, %parallel_loop3A_246] {strides = array<i32>} : memref<80x128xf32, #tpu.memory_space<vmem>>, vector<1x16xf32>,
      %parallel_loop3A_248 = vector.shape_cast %parallel_loop3A_247 : vector<1x16xf32> to vector<16xf32>
      %parallel_loop3A_249 = vector.shape_cast %parallel_loop3A_244 : vector<16xf32> to vector<1x16xf32>
      tpu.vector_store %arg13[%parallel_loop3A_245, %parallel_loop3A_246], %parallel_loop3A_249 {strides = array<i32>} : memref<80x128xf32, #tpu.memory_space<vmem>>, vector<1x16xf32>,
      %parallel_loop3A_250 = arith.index_cast %parallel_loop3A_211 : i32 to index
      %parallel_loop3A_251 = arith.constant 48 : index
      %parallel_loop3A_252 = tpu.vector_load %arg13[%parallel_loop3A_250, %parallel_loop3A_251] {strides = array<i32>} : memref<80x128xf32, #tpu.memory_space<vmem>>, vector<1x16xf32>,
      %parallel_loop3A_253 = vector.shape_cast %parallel_loop3A_252 : vector<1x16xf32> to vector<16xf32>
      %parallel_loop3A_254 = arith.mulf %parallel_loop3A_253, %parallel_loop3A_219 : vector<16xf32>
      %parallel_loop3A_255 = arith.index_cast %parallel_loop3A_211 : i32 to index
      %parallel_loop3A_256 = arith.constant 48 : index
      %parallel_loop3A_257 = tpu.vector_load %arg13[%parallel_loop3A_255, %parallel_loop3A_256] {strides = array<i32>} : memref<80x128xf32, #tpu.memory_space<vmem>>, vector<1x16xf32>,
      %parallel_loop3A_258 = vector.shape_cast %parallel_loop3A_257 : vector<1x16xf32> to vector<16xf32>
      %parallel_loop3A_259 = vector.shape_cast %parallel_loop3A_254 : vector<16xf32> to vector<1x16xf32>
      tpu.vector_store %arg13[%parallel_loop3A_255, %parallel_loop3A_256], %parallel_loop3A_259 {strides = array<i32>} : memref<80x128xf32, #tpu.memory_space<vmem>>, vector<1x16xf32>,
      %parallel_loop3A_260 = arith.index_cast %parallel_loop3A_211 : i32 to index
      %parallel_loop3A_261 = arith.constant 64 : index
      %parallel_loop3A_262 = tpu.vector_load %arg13[%parallel_loop3A_260, %parallel_loop3A_261] {strides = array<i32>} : memref<80x128xf32, #tpu.memory_space<vmem>>, vector<1x16xf32>,
      %parallel_loop3A_263 = vector.shape_cast %parallel_loop3A_262 : vector<1x16xf32> to vector<16xf32>
      %parallel_loop3A_264 = arith.mulf %parallel_loop3A_263, %parallel_loop3A_219 : vector<16xf32>
      %parallel_loop3A_265 = arith.index_cast %parallel_loop3A_211 : i32 to index
      %parallel_loop3A_266 = arith.constant 64 : index
      %parallel_loop3A_267 = tpu.vector_load %arg13[%parallel_loop3A_265, %parallel_loop3A_266] {strides = array<i32>} : memref<80x128xf32, #tpu.memory_space<vmem>>, vector<1x16xf32>,
      %parallel_loop3A_268 = vector.shape_cast %parallel_loop3A_267 : vector<1x16xf32> to vector<16xf32>
      %parallel_loop3A_269 = vector.shape_cast %parallel_loop3A_264 : vector<16xf32> to vector<1x16xf32>
      tpu.vector_store %arg13[%parallel_loop3A_265, %parallel_loop3A_266], %parallel_loop3A_269 {strides = array<i32>} : memref<80x128xf32, #tpu.memory_space<vmem>>, vector<1x16xf32>,
      %parallel_loop3A_270 = arith.index_cast %parallel_loop3A_211 : i32 to index
      %parallel_loop3A_271 = arith.constant 80 : index
      %parallel_loop3A_272 = tpu.vector_load %arg13[%parallel_loop3A_270, %parallel_loop3A_271] {strides = array<i32>} : memref<80x128xf32, #tpu.memory_space<vmem>>, vector<1x16xf32>,
      %parallel_loop3A_273 = vector.shape_cast %parallel_loop3A_272 : vector<1x16xf32> to vector<16xf32>
      %parallel_loop3A_274 = arith.mulf %parallel_loop3A_273, %parallel_loop3A_219 : vector<16xf32>
      %parallel_loop3A_275 = arith.index_cast %parallel_loop3A_211 : i32 to index
      %parallel_loop3A_276 = arith.constant 80 : index
      %parallel_loop3A_277 = tpu.vector_load %arg13[%parallel_loop3A_275, %parallel_loop3A_276] {strides = array<i32>} : memref<80x128xf32, #tpu.memory_space<vmem>>, vector<1x16xf32>,
      %parallel_loop3A_278 = vector.shape_cast %parallel_loop3A_277 : vector<1x16xf32> to vector<16xf32>
      %parallel_loop3A_279 = vector.shape_cast %parallel_loop3A_274 : vector<16xf32> to vector<1x16xf32>
      tpu.vector_store %arg13[%parallel_loop3A_275, %parallel_loop3A_276], %parallel_loop3A_279 {strides = array<i32>} : memref<80x128xf32, #tpu.memory_space<vmem>>, vector<1x16xf32>,
      %parallel_loop3A_280 = arith.index_cast %parallel_loop3A_211 : i32 to index
      %parallel_loop3A_281 = arith.constant 96 : index
      %parallel_loop3A_282 = tpu.vector_load %arg13[%parallel_loop3A_280, %parallel_loop3A_281] {strides = array<i32>} : memref<80x128xf32, #tpu.memory_space<vmem>>, vector<1x16xf32>,
      %parallel_loop3A_283 = vector.shape_cast %parallel_loop3A_282 : vector<1x16xf32> to vector<16xf32>
      %parallel_loop3A_284 = arith.mulf %parallel_loop3A_283, %parallel_loop3A_219 : vector<16xf32>
      %parallel_loop3A_285 = arith.index_cast %parallel_loop3A_211 : i32 to index
      %parallel_loop3A_286 = arith.constant 96 : index
      %parallel_loop3A_287 = tpu.vector_load %arg13[%parallel_loop3A_285, %parallel_loop3A_286] {strides = array<i32>} : memref<80x128xf32, #tpu.memory_space<vmem>>, vector<1x16xf32>,
      %parallel_loop3A_288 = vector.shape_cast %parallel_loop3A_287 : vector<1x16xf32> to vector<16xf32>
      %parallel_loop3A_289 = vector.shape_cast %parallel_loop3A_284 : vector<16xf32> to vector<1x16xf32>
      tpu.vector_store %arg13[%parallel_loop3A_285, %parallel_loop3A_286], %parallel_loop3A_289 {strides = array<i32>} : memref<80x128xf32, #tpu.memory_space<vmem>>, vector<1x16xf32>,
      %parallel_loop3A_290 = arith.index_cast %parallel_loop3A_211 : i32 to index
      %parallel_loop3A_291 = arith.constant 112 : index
      %parallel_loop3A_292 = tpu.vector_load %arg13[%parallel_loop3A_290, %parallel_loop3A_291] {strides = array<i32>} : memref<80x128xf32, #tpu.memory_space<vmem>>, vector<1x16xf32>,
      %parallel_loop3A_293 = vector.shape_cast %parallel_loop3A_292 : vector<1x16xf32> to vector<16xf32>
      %parallel_loop3A_294 = arith.mulf %parallel_loop3A_293, %parallel_loop3A_219 : vector<16xf32>
      %parallel_loop3A_295 = arith.index_cast %parallel_loop3A_211 : i32 to index
      %parallel_loop3A_296 = arith.constant 112 : index
      %parallel_loop3A_297 = tpu.vector_load %arg13[%parallel_loop3A_295, %parallel_loop3A_296] {strides = array<i32>} : memref<80x128xf32, #tpu.memory_space<vmem>>, vector<1x16xf32>,
      %parallel_loop3A_298 = vector.shape_cast %parallel_loop3A_297 : vector<1x16xf32> to vector<16xf32>
      %parallel_loop3A_299 = vector.shape_cast %parallel_loop3A_294 : vector<16xf32> to vector<1x16xf32>
      tpu.vector_store %arg13[%parallel_loop3A_295, %parallel_loop3A_296], %parallel_loop3A_299 {strides = array<i32>} : memref<80x128xf32, #tpu.memory_space<vmem>>, vector<1x16xf32>,
    } {sc.loop_unroll_factor = 8 : i64, sc.parallel_access}
    %add3A_55 = arith.constant 80 : i32
    %add3A_56 = arith.addi %mul3A_2, %add3A_55 : i32
    %dma_wait3A_57 = tpu.memref_slice %arg4[%add3A_56] : memref<320000xi32, #tpu.memory_space<hbm>> -> memref<80xi32, #tpu.memory_space<hbm>>
    %dma_wait3A_58 = tpu.memref_slice %arg4[%add3A_56] : memref<320000xi32, #tpu.memory_space<hbm>> -> memref<80xi32, #tpu.memory_space<hbm>>
    tpu.wait_dma2 semaphore(%arg20 : memref<!tpu.dma_semaphore, #tpu.memory_space<semaphore_mem>>) src(%dma_wait3A_58 : memref<80xi32, #tpu.memory_space<hbm>>) dst(%arg11 : memref<80xi32, #tpu.memory_space<vmem>>)
    %dma_start3A_59 = arith.constant 0 : i32
    %dma_start3A_60 = arith.constant 0 : i32
    %dma_start3A_61 = tpu.memref_slice %arg14[%dma_start3A_59, %dma_start3A_60] : memref<10240x128xf32, #tpu.memory_space<vmem_shared>> -> memref<10240x128xf32, #tpu.memory_space<vmem_shared>>
    tpu.enqueue_indirect_dma source(%arg13 : memref<80x128xf32, #tpu.memory_space<vmem>>) target(%dma_start3A_61 : memref<10240x128xf32, #tpu.memory_space<vmem_shared>>) offsets(%arg11 : memref<80xi32, #tpu.memory_space<vmem>>) semaphore(%arg18 : memref<!tpu.dma_semaphore, #tpu.memory_space<semaphore_mem>>) {add = true}
    %scan3A = arith.constant 0 : i32
    %scan3A_62 = arith.constant 1 : i32
    %scan3A_63 = arith.constant 61 : i32
    %scan3A_64 = arith.addi %scan3A_62, %scan3A_63 : i32
    %scan3A_65 = arith.constant 1 : i32
    scf.for %scan3A_211 = %scan3A_62 to %scan3A_64 step %scan3A_65  : i32 {
      %mul3A_212 = arith.constant 160 : i32
      %mul3A_213 = arith.muli %scan3A_211, %mul3A_212 : i32
      %add3A_214 = arith.constant 80 : i32
      %add3A_215 = arith.addi %mul3A_213, %add3A_214 : i32
      %dma_wait3A_216 = tpu.memref_slice %arg8[%mul3A_213] : memref<10000xi32, #tpu.memory_space<vmem>> -> memref<80xi32, #tpu.memory_space<vmem>>
      %dma_wait3A_217 = arith.constant 0 : i32
      %dma_wait3A_218 = arith.constant 0 : i32
      %dma_wait3A_219 = tpu.memref_slice %arg2[%dma_wait3A_217, %dma_wait3A_218] : memref<10000x128xf32, #tpu.memory_space<hbm>> -> memref<10000x128xf32, #tpu.memory_space<hbm>>
      tpu.wait_indirect_dma semaphore(%arg15 : memref<!tpu.dma_semaphore, #tpu.memory_space<semaphore_mem>>) src(%dma_wait3A_219 : memref<10000x128xf32, #tpu.memory_space<hbm>>) dst(%arg12 : memref<80x128xf32, #tpu.memory_space<vmem>>)
      %dma_wait3A_220 = arith.constant 0 : i32
      %dma_wait3A_221 = arith.constant 0 : i32
      %dma_wait3A_222 = tpu.memref_slice %arg14[%dma_wait3A_220, %dma_wait3A_221] : memref<10240x128xf32, #tpu.memory_space<vmem_shared>> -> memref<10240x128xf32, #tpu.memory_space<vmem_shared>>
      tpu.wait_indirect_dma semaphore(%arg18 : memref<!tpu.dma_semaphore, #tpu.memory_space<semaphore_mem>>) src(%arg13 : memref<80x128xf32, #tpu.memory_space<vmem>>) dst(%dma_wait3A_222 : memref<10240x128xf32, #tpu.memory_space<vmem_shared>>)
      %add3A_223 = arith.addi %mul3A_2, %add3A_215 : i32
      %dma_start3A_224 = tpu.memref_slice %arg4[%add3A_223] : memref<320000xi32, #tpu.memory_space<hbm>> -> memref<80xi32, #tpu.memory_space<hbm>>
      %dma_start3A_225 = tpu.memref_slice %arg4[%add3A_223] : memref<320000xi32, #tpu.memory_space<hbm>> -> memref<80xi32, #tpu.memory_space<hbm>>
      tpu.enqueue_dma source(%dma_start3A_225 : memref<80xi32, #tpu.memory_space<hbm>>) target(%arg11 : memref<80xi32, #tpu.memory_space<vmem>>) target_semaphore(%arg20 : memref<!tpu.dma_semaphore, #tpu.memory_space<semaphore_mem>>)
      %dma_start3A_226 = tpu.memref_slice %arg8[%add3A_215] : memref<10000xi32, #tpu.memory_space<vmem>> -> memref<80xi32, #tpu.memory_space<vmem>>
      %dma_start3A_227 = arith.constant 0 : i32
      %dma_start3A_228 = arith.constant 0 : i32
      %dma_start3A_229 = tpu.memref_slice %arg2[%dma_start3A_227, %dma_start3A_228] : memref<10000x128xf32, #tpu.memory_space<hbm>> -> memref<10000x128xf32, #tpu.memory_space<hbm>>
      tpu.enqueue_indirect_dma source(%dma_start3A_229 : memref<10000x128xf32, #tpu.memory_space<hbm>>) target(%arg13 : memref<80x128xf32, #tpu.memory_space<vmem>>) offsets(%dma_start3A_226 : memref<80xi32, #tpu.memory_space<vmem>>) semaphore(%arg16 : memref<!tpu.dma_semaphore, #tpu.memory_space<semaphore_mem>>)
      %parallel_loop3A_230 = arith.constant 0 : i32
      %parallel_loop3A_231 = arith.constant 80 : i32
      %parallel_loop3A_232 = arith.constant 1 : i32
      scf.for %parallel_loop3A_266 = %parallel_loop3A_230 to %parallel_loop3A_231 step %parallel_loop3A_232  : i32 {
        %parallel_loop3A_267 = arith.addi %mul3A_213, %parallel_loop3A_266 : i32
        %parallel_loop3A_268 = arith.index_cast %parallel_loop3A_267 : i32 to index
        %parallel_loop3A_269 = tpu.vector_load %arg9[%parallel_loop3A_268] {strides = array<i32>} : memref<10016xf32, #tpu.memory_space<vmem>>, vector<16xf32>,
        %parallel_loop3A_270 = vector.shape_cast %parallel_loop3A_269 : vector<16xf32> to vector<16xf32>
        %parallel_loop3A_271 = vector.extract_strided_slice %parallel_loop3A_270 {offsets = [0], sizes = [1], strides = [1]} : vector<16xf32> to vector<1xf32>
        %parallel_loop3A_272 = vector.extract %parallel_loop3A_271[0] : f32 from vector<1xf32>
        %parallel_loop3A_273 = vector.broadcast %parallel_loop3A_272 : f32 to vector<16xf32>
        %parallel_loop3A_274 = arith.index_cast %parallel_loop3A_266 : i32 to index
        %parallel_loop3A_275 = arith.constant 0 : index
        %parallel_loop3A_276 = tpu.vector_load %arg12[%parallel_loop3A_274, %parallel_loop3A_275] {strides = array<i32>} : memref<80x128xf32, #tpu.memory_space<vmem>>, vector<1x16xf32>,
        %parallel_loop3A_277 = vector.shape_cast %parallel_loop3A_276 : vector<1x16xf32> to vector<16xf32>
        %parallel_loop3A_278 = arith.mulf %parallel_loop3A_277, %parallel_loop3A_273 : vector<16xf32>
        %parallel_loop3A_279 = arith.index_cast %parallel_loop3A_266 : i32 to index
        %parallel_loop3A_280 = arith.constant 0 : index
        %parallel_loop3A_281 = tpu.vector_load %arg12[%parallel_loop3A_279, %parallel_loop3A_280] {strides = array<i32>} : memref<80x128xf32, #tpu.memory_space<vmem>>, vector<1x16xf32>,
        %parallel_loop3A_282 = vector.shape_cast %parallel_loop3A_281 : vector<1x16xf32> to vector<16xf32>
        %parallel_loop3A_283 = vector.shape_cast %parallel_loop3A_278 : vector<16xf32> to vector<1x16xf32>
        tpu.vector_store %arg12[%parallel_loop3A_279, %parallel_loop3A_280], %parallel_loop3A_283 {strides = array<i32>} : memref<80x128xf32, #tpu.memory_space<vmem>>, vector<1x16xf32>,
        %parallel_loop3A_284 = arith.index_cast %parallel_loop3A_266 : i32 to index
        %parallel_loop3A_285 = arith.constant 16 : index
        %parallel_loop3A_286 = tpu.vector_load %arg12[%parallel_loop3A_284, %parallel_loop3A_285] {strides = array<i32>} : memref<80x128xf32, #tpu.memory_space<vmem>>, vector<1x16xf32>,
        %parallel_loop3A_287 = vector.shape_cast %parallel_loop3A_286 : vector<1x16xf32> to vector<16xf32>
        %parallel_loop3A_288 = arith.mulf %parallel_loop3A_287, %parallel_loop3A_273 : vector<16xf32>
        %parallel_loop3A_289 = arith.index_cast %parallel_loop3A_266 : i32 to index
        %parallel_loop3A_290 = arith.constant 16 : index
        %parallel_loop3A_291 = tpu.vector_load %arg12[%parallel_loop3A_289, %parallel_loop3A_290] {strides = array<i32>} : memref<80x128xf32, #tpu.memory_space<vmem>>, vector<1x16xf32>,
        %parallel_loop3A_292 = vector.shape_cast %parallel_loop3A_291 : vector<1x16xf32> to vector<16xf32>
        %parallel_loop3A_293 = vector.shape_cast %parallel_loop3A_288 : vector<16xf32> to vector<1x16xf32>
        tpu.vector_store %arg12[%parallel_loop3A_289, %parallel_loop3A_290], %parallel_loop3A_293 {strides = array<i32>} : memref<80x128xf32, #tpu.memory_space<vmem>>, vector<1x16xf32>,
        %parallel_loop3A_294 = arith.index_cast %parallel_loop3A_266 : i32 to index
        %parallel_loop3A_295 = arith.constant 32 : index
        %parallel_loop3A_296 = tpu.vector_load %arg12[%parallel_loop3A_294, %parallel_loop3A_295] {strides = array<i32>} : memref<80x128xf32, #tpu.memory_space<vmem>>, vector<1x16xf32>,
        %parallel_loop3A_297 = vector.shape_cast %parallel_loop3A_296 : vector<1x16xf32> to vector<16xf32>
        %parallel_loop3A_298 = arith.mulf %parallel_loop3A_297, %parallel_loop3A_273 : vector<16xf32>
        %parallel_loop3A_299 = arith.index_cast %parallel_loop3A_266 : i32 to index
        %parallel_loop3A_300 = arith.constant 32 : index
        %parallel_loop3A_301 = tpu.vector_load %arg12[%parallel_loop3A_299, %parallel_loop3A_300] {strides = array<i32>} : memref<80x128xf32, #tpu.memory_space<vmem>>, vector<1x16xf32>,
        %parallel_loop3A_302 = vector.shape_cast %parallel_loop3A_301 : vector<1x16xf32> to vector<16xf32>
        %parallel_loop3A_303 = vector.shape_cast %parallel_loop3A_298 : vector<16xf32> to vector<1x16xf32>
        tpu.vector_store %arg12[%parallel_loop3A_299, %parallel_loop3A_300], %parallel_loop3A_303 {strides = array<i32>} : memref<80x128xf32, #tpu.memory_space<vmem>>, vector<1x16xf32>,
        %parallel_loop3A_304 = arith.index_cast %parallel_loop3A_266 : i32 to index
        %parallel_loop3A_305 = arith.constant 48 : index
        %parallel_loop3A_306 = tpu.vector_load %arg12[%parallel_loop3A_304, %parallel_loop3A_305] {strides = array<i32>} : memref<80x128xf32, #tpu.memory_space<vmem>>, vector<1x16xf32>,
        %parallel_loop3A_307 = vector.shape_cast %parallel_loop3A_306 : vector<1x16xf32> to vector<16xf32>
        %parallel_loop3A_308 = arith.mulf %parallel_loop3A_307, %parallel_loop3A_273 : vector<16xf32>
        %parallel_loop3A_309 = arith.index_cast %parallel_loop3A_266 : i32 to index
        %parallel_loop3A_310 = arith.constant 48 : index
        %parallel_loop3A_311 = tpu.vector_load %arg12[%parallel_loop3A_309, %parallel_loop3A_310] {strides = array<i32>} : memref<80x128xf32, #tpu.memory_space<vmem>>, vector<1x16xf32>,
        %parallel_loop3A_312 = vector.shape_cast %parallel_loop3A_311 : vector<1x16xf32> to vector<16xf32>
        %parallel_loop3A_313 = vector.shape_cast %parallel_loop3A_308 : vector<16xf32> to vector<1x16xf32>
        tpu.vector_store %arg12[%parallel_loop3A_309, %parallel_loop3A_310], %parallel_loop3A_313 {strides = array<i32>} : memref<80x128xf32, #tpu.memory_space<vmem>>, vector<1x16xf32>,
        %parallel_loop3A_314 = arith.index_cast %parallel_loop3A_266 : i32 to index
        %parallel_loop3A_315 = arith.constant 64 : index
        %parallel_loop3A_316 = tpu.vector_load %arg12[%parallel_loop3A_314, %parallel_loop3A_315] {strides = array<i32>} : memref<80x128xf32, #tpu.memory_space<vmem>>, vector<1x16xf32>,
        %parallel_loop3A_317 = vector.shape_cast %parallel_loop3A_316 : vector<1x16xf32> to vector<16xf32>
        %parallel_loop3A_318 = arith.mulf %parallel_loop3A_317, %parallel_loop3A_273 : vector<16xf32>
        %parallel_loop3A_319 = arith.index_cast %parallel_loop3A_266 : i32 to index
        %parallel_loop3A_320 = arith.constant 64 : index
        %parallel_loop3A_321 = tpu.vector_load %arg12[%parallel_loop3A_319, %parallel_loop3A_320] {strides = array<i32>} : memref<80x128xf32, #tpu.memory_space<vmem>>, vector<1x16xf32>,
        %parallel_loop3A_322 = vector.shape_cast %parallel_loop3A_321 : vector<1x16xf32> to vector<16xf32>
        %parallel_loop3A_323 = vector.shape_cast %parallel_loop3A_318 : vector<16xf32> to vector<1x16xf32>
        tpu.vector_store %arg12[%parallel_loop3A_319, %parallel_loop3A_320], %parallel_loop3A_323 {strides = array<i32>} : memref<80x128xf32, #tpu.memory_space<vmem>>, vector<1x16xf32>,
        %parallel_loop3A_324 = arith.index_cast %parallel_loop3A_266 : i32 to index
        %parallel_loop3A_325 = arith.constant 80 : index
        %parallel_loop3A_326 = tpu.vector_load %arg12[%parallel_loop3A_324, %parallel_loop3A_325] {strides = array<i32>} : memref<80x128xf32, #tpu.memory_space<vmem>>, vector<1x16xf32>,
        %parallel_loop3A_327 = vector.shape_cast %parallel_loop3A_326 : vector<1x16xf32> to vector<16xf32>
        %parallel_loop3A_328 = arith.mulf %parallel_loop3A_327, %parallel_loop3A_273 : vector<16xf32>
        %parallel_loop3A_329 = arith.index_cast %parallel_loop3A_266 : i32 to index
        %parallel_loop3A_330 = arith.constant 80 : index
        %parallel_loop3A_331 = tpu.vector_load %arg12[%parallel_loop3A_329, %parallel_loop3A_330] {strides = array<i32>} : memref<80x128xf32, #tpu.memory_space<vmem>>, vector<1x16xf32>,
        %parallel_loop3A_332 = vector.shape_cast %parallel_loop3A_331 : vector<1x16xf32> to vector<16xf32>
        %parallel_loop3A_333 = vector.shape_cast %parallel_loop3A_328 : vector<16xf32> to vector<1x16xf32>
        tpu.vector_store %arg12[%parallel_loop3A_329, %parallel_loop3A_330], %parallel_loop3A_333 {strides = array<i32>} : memref<80x128xf32, #tpu.memory_space<vmem>>, vector<1x16xf32>,
        %parallel_loop3A_334 = arith.index_cast %parallel_loop3A_266 : i32 to index
        %parallel_loop3A_335 = arith.constant 96 : index
        %parallel_loop3A_336 = tpu.vector_load %arg12[%parallel_loop3A_334, %parallel_loop3A_335] {strides = array<i32>} : memref<80x128xf32, #tpu.memory_space<vmem>>, vector<1x16xf32>,
        %parallel_loop3A_337 = vector.shape_cast %parallel_loop3A_336 : vector<1x16xf32> to vector<16xf32>
        %parallel_loop3A_338 = arith.mulf %parallel_loop3A_337, %parallel_loop3A_273 : vector<16xf32>
        %parallel_loop3A_339 = arith.index_cast %parallel_loop3A_266 : i32 to index
        %parallel_loop3A_340 = arith.constant 96 : index
        %parallel_loop3A_341 = tpu.vector_load %arg12[%parallel_loop3A_339, %parallel_loop3A_340] {strides = array<i32>} : memref<80x128xf32, #tpu.memory_space<vmem>>, vector<1x16xf32>,
        %parallel_loop3A_342 = vector.shape_cast %parallel_loop3A_341 : vector<1x16xf32> to vector<16xf32>
        %parallel_loop3A_343 = vector.shape_cast %parallel_loop3A_338 : vector<16xf32> to vector<1x16xf32>
        tpu.vector_store %arg12[%parallel_loop3A_339, %parallel_loop3A_340], %parallel_loop3A_343 {strides = array<i32>} : memref<80x128xf32, #tpu.memory_space<vmem>>, vector<1x16xf32>,
        %parallel_loop3A_344 = arith.index_cast %parallel_loop3A_266 : i32 to index
        %parallel_loop3A_345 = arith.constant 112 : index
        %parallel_loop3A_346 = tpu.vector_load %arg12[%parallel_loop3A_344, %parallel_loop3A_345] {strides = array<i32>} : memref<80x128xf32, #tpu.memory_space<vmem>>, vector<1x16xf32>,
        %parallel_loop3A_347 = vector.shape_cast %parallel_loop3A_346 : vector<1x16xf32> to vector<16xf32>
        %parallel_loop3A_348 = arith.mulf %parallel_loop3A_347, %parallel_loop3A_273 : vector<16xf32>
        %parallel_loop3A_349 = arith.index_cast %parallel_loop3A_266 : i32 to index
        %parallel_loop3A_350 = arith.constant 112 : index
        %parallel_loop3A_351 = tpu.vector_load %arg12[%parallel_loop3A_349, %parallel_loop3A_350] {strides = array<i32>} : memref<80x128xf32, #tpu.memory_space<vmem>>, vector<1x16xf32>,
        %parallel_loop3A_352 = vector.shape_cast %parallel_loop3A_351 : vector<1x16xf32> to vector<16xf32>
        %parallel_loop3A_353 = vector.shape_cast %parallel_loop3A_348 : vector<16xf32> to vector<1x16xf32>
        tpu.vector_store %arg12[%parallel_loop3A_349, %parallel_loop3A_350], %parallel_loop3A_353 {strides = array<i32>} : memref<80x128xf32, #tpu.memory_space<vmem>>, vector<1x16xf32>,
      } {sc.loop_unroll_factor = 8 : i64, sc.parallel_access}
      %add3A_233 = arith.addi %mul3A_2, %mul3A_213 : i32
      %dma_wait3A_234 = tpu.memref_slice %arg4[%add3A_233] : memref<320000xi32, #tpu.memory_space<hbm>> -> memref<80xi32, #tpu.memory_space<hbm>>
      %dma_wait3A_235 = tpu.memref_slice %arg4[%add3A_233] : memref<320000xi32, #tpu.memory_space<hbm>> -> memref<80xi32, #tpu.memory_space<hbm>>
      tpu.wait_dma2 semaphore(%arg19 : memref<!tpu.dma_semaphore, #tpu.memory_space<semaphore_mem>>) src(%dma_wait3A_235 : memref<80xi32, #tpu.memory_space<hbm>>) dst(%arg10 : memref<80xi32, #tpu.memory_space<vmem>>)
      %dma_start3A_236 = arith.constant 0 : i32
      %dma_start3A_237 = arith.constant 0 : i32
      %dma_start3A_238 = tpu.memref_slice %arg14[%dma_start3A_236, %dma_start3A_237] : memref<10240x128xf32, #tpu.memory_space<vmem_shared>> -> memref<10240x128xf32, #tpu.memory_space<vmem_shared>>
      tpu.enqueue_indirect_dma source(%arg12 : memref<80x128xf32, #tpu.memory_space<vmem>>) target(%dma_start3A_238 : memref<10240x128xf32, #tpu.memory_space<vmem_shared>>) offsets(%arg10 : memref<80xi32, #tpu.memory_space<vmem>>) semaphore(%arg17 : memref<!tpu.dma_semaphore, #tpu.memory_space<semaphore_mem>>) {add = true}
      %add3A_239 = arith.constant 80 : i32
      %add3A_240 = arith.addi %mul3A_213, %add3A_239 : i32
      %add3A_241 = arith.constant 160 : i32
      %add3A_242 = arith.addi %mul3A_213, %add3A_241 : i32
      %dma_wait3A_243 = tpu.memref_slice %arg8[%add3A_240] : memref<10000xi32, #tpu.memory_space<vmem>> -> memref<80xi32, #tpu.memory_space<vmem>>
      %dma_wait3A_244 = arith.constant 0 : i32
      %dma_wait3A_245 = arith.constant 0 : i32
      %dma_wait3A_246 = tpu.memref_slice %arg2[%dma_wait3A_244, %dma_wait3A_245] : memref<10000x128xf32, #tpu.memory_space<hbm>> -> memref<10000x128xf32, #tpu.memory_space<hbm>>
      tpu.wait_indirect_dma semaphore(%arg16 : memref<!tpu.dma_semaphore, #tpu.memory_space<semaphore_mem>>) src(%dma_wait3A_246 : memref<10000x128xf32, #tpu.memory_space<hbm>>) dst(%arg13 : memref<80x128xf32, #tpu.memory_space<vmem>>)
      %dma_wait3A_247 = arith.constant 0 : i32
      %dma_wait3A_248 = arith.constant 0 : i32
      %dma_wait3A_249 = tpu.memref_slice %arg14[%dma_wait3A_247, %dma_wait3A_248] : memref<10240x128xf32, #tpu.memory_space<vmem_shared>> -> memref<10240x128xf32, #tpu.memory_space<vmem_shared>>
      tpu.wait_indirect_dma semaphore(%arg17 : memref<!tpu.dma_semaphore, #tpu.memory_space<semaphore_mem>>) src(%arg12 : memref<80x128xf32, #tpu.memory_space<vmem>>) dst(%dma_wait3A_249 : memref<10240x128xf32, #tpu.memory_space<vmem_shared>>)
      %add3A_250 = arith.addi %mul3A_2, %add3A_242 : i32
      %dma_start3A_251 = tpu.memref_slice %arg4[%add3A_250] : memref<320000xi32, #tpu.memory_space<hbm>> -> memref<80xi32, #tpu.memory_space<hbm>>
      %dma_start3A_252 = tpu.memref_slice %arg4[%add3A_250] : memref<320000xi32, #tpu.memory_space<hbm>> -> memref<80xi32, #tpu.memory_space<hbm>>
      tpu.enqueue_dma source(%dma_start3A_252 : memref<80xi32, #tpu.memory_space<hbm>>) target(%arg10 : memref<80xi32, #tpu.memory_space<vmem>>) target_semaphore(%arg19 : memref<!tpu.dma_semaphore, #tpu.memory_space<semaphore_mem>>)
      %dma_start3A_253 = tpu.memref_slice %arg8[%add3A_242] : memref<10000xi32, #tpu.memory_space<vmem>> -> memref<80xi32, #tpu.memory_space<vmem>>
      %dma_start3A_254 = arith.constant 0 : i32
      %dma_start3A_255 = arith.constant 0 : i32
      %dma_start3A_256 = tpu.memref_slice %arg2[%dma_start3A_254, %dma_start3A_255] : memref<10000x128xf32, #tpu.memory_space<hbm>> -> memref<10000x128xf32, #tpu.memory_space<hbm>>
      tpu.enqueue_indirect_dma source(%dma_start3A_256 : memref<10000x128xf32, #tpu.memory_space<hbm>>) target(%arg12 : memref<80x128xf32, #tpu.memory_space<vmem>>) offsets(%dma_start3A_253 : memref<80xi32, #tpu.memory_space<vmem>>) semaphore(%arg15 : memref<!tpu.dma_semaphore, #tpu.memory_space<semaphore_mem>>)
      %parallel_loop3A_257 = arith.constant 0 : i32
      %parallel_loop3A_258 = arith.constant 80 : i32
      %parallel_loop3A_259 = arith.constant 1 : i32
      scf.for %parallel_loop3A_266 = %parallel_loop3A_257 to %parallel_loop3A_258 step %parallel_loop3A_259  : i32 {
        %parallel_loop3A_267 = arith.addi %add3A_240, %parallel_loop3A_266 : i32
        %parallel_loop3A_268 = arith.index_cast %parallel_loop3A_267 : i32 to index
        %parallel_loop3A_269 = tpu.vector_load %arg9[%parallel_loop3A_268] {strides = array<i32>} : memref<10016xf32, #tpu.memory_space<vmem>>, vector<16xf32>,
        %parallel_loop3A_270 = vector.shape_cast %parallel_loop3A_269 : vector<16xf32> to vector<16xf32>
        %parallel_loop3A_271 = vector.extract_strided_slice %parallel_loop3A_270 {offsets = [0], sizes = [1], strides = [1]} : vector<16xf32> to vector<1xf32>
        %parallel_loop3A_272 = vector.extract %parallel_loop3A_271[0] : f32 from vector<1xf32>
        %parallel_loop3A_273 = vector.broadcast %parallel_loop3A_272 : f32 to vector<16xf32>
        %parallel_loop3A_274 = arith.index_cast %parallel_loop3A_266 : i32 to index
        %parallel_loop3A_275 = arith.constant 0 : index
        %parallel_loop3A_276 = tpu.vector_load %arg13[%parallel_loop3A_274, %parallel_loop3A_275] {strides = array<i32>} : memref<80x128xf32, #tpu.memory_space<vmem>>, vector<1x16xf32>,
        %parallel_loop3A_277 = vector.shape_cast %parallel_loop3A_276 : vector<1x16xf32> to vector<16xf32>
        %parallel_loop3A_278 = arith.mulf %parallel_loop3A_277, %parallel_loop3A_273 : vector<16xf32>
        %parallel_loop3A_279 = arith.index_cast %parallel_loop3A_266 : i32 to index
        %parallel_loop3A_280 = arith.constant 0 : index
        %parallel_loop3A_281 = tpu.vector_load %arg13[%parallel_loop3A_279, %parallel_loop3A_280] {strides = array<i32>} : memref<80x128xf32, #tpu.memory_space<vmem>>, vector<1x16xf32>,
        %parallel_loop3A_282 = vector.shape_cast %parallel_loop3A_281 : vector<1x16xf32> to vector<16xf32>
        %parallel_loop3A_283 = vector.shape_cast %parallel_loop3A_278 : vector<16xf32> to vector<1x16xf32>
        tpu.vector_store %arg13[%parallel_loop3A_279, %parallel_loop3A_280], %parallel_loop3A_283 {strides = array<i32>} : memref<80x128xf32, #tpu.memory_space<vmem>>, vector<1x16xf32>,
        %parallel_loop3A_284 = arith.index_cast %parallel_loop3A_266 : i32 to index
        %parallel_loop3A_285 = arith.constant 16 : index
        %parallel_loop3A_286 = tpu.vector_load %arg13[%parallel_loop3A_284, %parallel_loop3A_285] {strides = array<i32>} : memref<80x128xf32, #tpu.memory_space<vmem>>, vector<1x16xf32>,
        %parallel_loop3A_287 = vector.shape_cast %parallel_loop3A_286 : vector<1x16xf32> to vector<16xf32>
        %parallel_loop3A_288 = arith.mulf %parallel_loop3A_287, %parallel_loop3A_273 : vector<16xf32>
        %parallel_loop3A_289 = arith.index_cast %parallel_loop3A_266 : i32 to index
        %parallel_loop3A_290 = arith.constant 16 : index
        %parallel_loop3A_291 = tpu.vector_load %arg13[%parallel_loop3A_289, %parallel_loop3A_290] {strides = array<i32>} : memref<80x128xf32, #tpu.memory_space<vmem>>, vector<1x16xf32>,
        %parallel_loop3A_292 = vector.shape_cast %parallel_loop3A_291 : vector<1x16xf32> to vector<16xf32>
        %parallel_loop3A_293 = vector.shape_cast %parallel_loop3A_288 : vector<16xf32> to vector<1x16xf32>
        tpu.vector_store %arg13[%parallel_loop3A_289, %parallel_loop3A_290], %parallel_loop3A_293 {strides = array<i32>} : memref<80x128xf32, #tpu.memory_space<vmem>>, vector<1x16xf32>,
        %parallel_loop3A_294 = arith.index_cast %parallel_loop3A_266 : i32 to index
        %parallel_loop3A_295 = arith.constant 32 : index
        %parallel_loop3A_296 = tpu.vector_load %arg13[%parallel_loop3A_294, %parallel_loop3A_295] {strides = array<i32>} : memref<80x128xf32, #tpu.memory_space<vmem>>, vector<1x16xf32>,
        %parallel_loop3A_297 = vector.shape_cast %parallel_loop3A_296 : vector<1x16xf32> to vector<16xf32>
        %parallel_loop3A_298 = arith.mulf %parallel_loop3A_297, %parallel_loop3A_273 : vector<16xf32>
        %parallel_loop3A_299 = arith.index_cast %parallel_loop3A_266 : i32 to index
        %parallel_loop3A_300 = arith.constant 32 : index
        %parallel_loop3A_301 = tpu.vector_load %arg13[%parallel_loop3A_299, %parallel_loop3A_300] {strides = array<i32>} : memref<80x128xf32, #tpu.memory_space<vmem>>, vector<1x16xf32>,
        %parallel_loop3A_302 = vector.shape_cast %parallel_loop3A_301 : vector<1x16xf32> to vector<16xf32>
        %parallel_loop3A_303 = vector.shape_cast %parallel_loop3A_298 : vector<16xf32> to vector<1x16xf32>
        tpu.vector_store %arg13[%parallel_loop3A_299, %parallel_loop3A_300], %parallel_loop3A_303 {strides = array<i32>} : memref<80x128xf32, #tpu.memory_space<vmem>>, vector<1x16xf32>,
        %parallel_loop3A_304 = arith.index_cast %parallel_loop3A_266 : i32 to index
        %parallel_loop3A_305 = arith.constant 48 : index
        %parallel_loop3A_306 = tpu.vector_load %arg13[%parallel_loop3A_304, %parallel_loop3A_305] {strides = array<i32>} : memref<80x128xf32, #tpu.memory_space<vmem>>, vector<1x16xf32>,
        %parallel_loop3A_307 = vector.shape_cast %parallel_loop3A_306 : vector<1x16xf32> to vector<16xf32>
        %parallel_loop3A_308 = arith.mulf %parallel_loop3A_307, %parallel_loop3A_273 : vector<16xf32>
        %parallel_loop3A_309 = arith.index_cast %parallel_loop3A_266 : i32 to index
        %parallel_loop3A_310 = arith.constant 48 : index
        %parallel_loop3A_311 = tpu.vector_load %arg13[%parallel_loop3A_309, %parallel_loop3A_310] {strides = array<i32>} : memref<80x128xf32, #tpu.memory_space<vmem>>, vector<1x16xf32>,
        %parallel_loop3A_312 = vector.shape_cast %parallel_loop3A_311 : vector<1x16xf32> to vector<16xf32>
        %parallel_loop3A_313 = vector.shape_cast %parallel_loop3A_308 : vector<16xf32> to vector<1x16xf32>
        tpu.vector_store %arg13[%parallel_loop3A_309, %parallel_loop3A_310], %parallel_loop3A_313 {strides = array<i32>} : memref<80x128xf32, #tpu.memory_space<vmem>>, vector<1x16xf32>,
        %parallel_loop3A_314 = arith.index_cast %parallel_loop3A_266 : i32 to index
        %parallel_loop3A_315 = arith.constant 64 : index
        %parallel_loop3A_316 = tpu.vector_load %arg13[%parallel_loop3A_314, %parallel_loop3A_315] {strides = array<i32>} : memref<80x128xf32, #tpu.memory_space<vmem>>, vector<1x16xf32>,
        %parallel_loop3A_317 = vector.shape_cast %parallel_loop3A_316 : vector<1x16xf32> to vector<16xf32>
        %parallel_loop3A_318 = arith.mulf %parallel_loop3A_317, %parallel_loop3A_273 : vector<16xf32>
        %parallel_loop3A_319 = arith.index_cast %parallel_loop3A_266 : i32 to index
        %parallel_loop3A_320 = arith.constant 64 : index
        %parallel_loop3A_321 = tpu.vector_load %arg13[%parallel_loop3A_319, %parallel_loop3A_320] {strides = array<i32>} : memref<80x128xf32, #tpu.memory_space<vmem>>, vector<1x16xf32>,
        %parallel_loop3A_322 = vector.shape_cast %parallel_loop3A_321 : vector<1x16xf32> to vector<16xf32>
        %parallel_loop3A_323 = vector.shape_cast %parallel_loop3A_318 : vector<16xf32> to vector<1x16xf32>
        tpu.vector_store %arg13[%parallel_loop3A_319, %parallel_loop3A_320], %parallel_loop3A_323 {strides = array<i32>} : memref<80x128xf32, #tpu.memory_space<vmem>>, vector<1x16xf32>,
        %parallel_loop3A_324 = arith.index_cast %parallel_loop3A_266 : i32 to index
        %parallel_loop3A_325 = arith.constant 80 : index
        %parallel_loop3A_326 = tpu.vector_load %arg13[%parallel_loop3A_324, %parallel_loop3A_325] {strides = array<i32>} : memref<80x128xf32, #tpu.memory_space<vmem>>, vector<1x16xf32>,
        %parallel_loop3A_327 = vector.shape_cast %parallel_loop3A_326 : vector<1x16xf32> to vector<16xf32>
        %parallel_loop3A_328 = arith.mulf %parallel_loop3A_327, %parallel_loop3A_273 : vector<16xf32>
        %parallel_loop3A_329 = arith.index_cast %parallel_loop3A_266 : i32 to index
        %parallel_loop3A_330 = arith.constant 80 : index
        %parallel_loop3A_331 = tpu.vector_load %arg13[%parallel_loop3A_329, %parallel_loop3A_330] {strides = array<i32>} : memref<80x128xf32, #tpu.memory_space<vmem>>, vector<1x16xf32>,
        %parallel_loop3A_332 = vector.shape_cast %parallel_loop3A_331 : vector<1x16xf32> to vector<16xf32>
        %parallel_loop3A_333 = vector.shape_cast %parallel_loop3A_328 : vector<16xf32> to vector<1x16xf32>
        tpu.vector_store %arg13[%parallel_loop3A_329, %parallel_loop3A_330], %parallel_loop3A_333 {strides = array<i32>} : memref<80x128xf32, #tpu.memory_space<vmem>>, vector<1x16xf32>,
        %parallel_loop3A_334 = arith.index_cast %parallel_loop3A_266 : i32 to index
        %parallel_loop3A_335 = arith.constant 96 : index
        %parallel_loop3A_336 = tpu.vector_load %arg13[%parallel_loop3A_334, %parallel_loop3A_335] {strides = array<i32>} : memref<80x128xf32, #tpu.memory_space<vmem>>, vector<1x16xf32>,
        %parallel_loop3A_337 = vector.shape_cast %parallel_loop3A_336 : vector<1x16xf32> to vector<16xf32>
        %parallel_loop3A_338 = arith.mulf %parallel_loop3A_337, %parallel_loop3A_273 : vector<16xf32>
        %parallel_loop3A_339 = arith.index_cast %parallel_loop3A_266 : i32 to index
        %parallel_loop3A_340 = arith.constant 96 : index
        %parallel_loop3A_341 = tpu.vector_load %arg13[%parallel_loop3A_339, %parallel_loop3A_340] {strides = array<i32>} : memref<80x128xf32, #tpu.memory_space<vmem>>, vector<1x16xf32>,
        %parallel_loop3A_342 = vector.shape_cast %parallel_loop3A_341 : vector<1x16xf32> to vector<16xf32>
        %parallel_loop3A_343 = vector.shape_cast %parallel_loop3A_338 : vector<16xf32> to vector<1x16xf32>
        tpu.vector_store %arg13[%parallel_loop3A_339, %parallel_loop3A_340], %parallel_loop3A_343 {strides = array<i32>} : memref<80x128xf32, #tpu.memory_space<vmem>>, vector<1x16xf32>,
        %parallel_loop3A_344 = arith.index_cast %parallel_loop3A_266 : i32 to index
        %parallel_loop3A_345 = arith.constant 112 : index
        %parallel_loop3A_346 = tpu.vector_load %arg13[%parallel_loop3A_344, %parallel_loop3A_345] {strides = array<i32>} : memref<80x128xf32, #tpu.memory_space<vmem>>, vector<1x16xf32>,
        %parallel_loop3A_347 = vector.shape_cast %parallel_loop3A_346 : vector<1x16xf32> to vector<16xf32>
        %parallel_loop3A_348 = arith.mulf %parallel_loop3A_347, %parallel_loop3A_273 : vector<16xf32>
        %parallel_loop3A_349 = arith.index_cast %parallel_loop3A_266 : i32 to index
        %parallel_loop3A_350 = arith.constant 112 : index
        %parallel_loop3A_351 = tpu.vector_load %arg13[%parallel_loop3A_349, %parallel_loop3A_350] {strides = array<i32>} : memref<80x128xf32, #tpu.memory_space<vmem>>, vector<1x16xf32>,
        %parallel_loop3A_352 = vector.shape_cast %parallel_loop3A_351 : vector<1x16xf32> to vector<16xf32>
        %parallel_loop3A_353 = vector.shape_cast %parallel_loop3A_348 : vector<16xf32> to vector<1x16xf32>
        tpu.vector_store %arg13[%parallel_loop3A_349, %parallel_loop3A_350], %parallel_loop3A_353 {strides = array<i32>} : memref<80x128xf32, #tpu.memory_space<vmem>>, vector<1x16xf32>,
      } {sc.loop_unroll_factor = 8 : i64, sc.parallel_access}
      %add3A_260 = arith.addi %mul3A_2, %add3A_240 : i32
      %dma_wait3A_261 = tpu.memref_slice %arg4[%add3A_260] : memref<320000xi32, #tpu.memory_space<hbm>> -> memref<80xi32, #tpu.memory_space<hbm>>
      %dma_wait3A_262 = tpu.memref_slice %arg4[%add3A_260] : memref<320000xi32, #tpu.memory_space<hbm>> -> memref<80xi32, #tpu.memory_space<hbm>>
      tpu.wait_dma2 semaphore(%arg20 : memref<!tpu.dma_semaphore, #tpu.memory_space<semaphore_mem>>) src(%dma_wait3A_262 : memref<80xi32, #tpu.memory_space<hbm>>) dst(%arg11 : memref<80xi32, #tpu.memory_space<vmem>>)
      %dma_start3A_263 = arith.constant 0 : i32
      %dma_start3A_264 = arith.constant 0 : i32
      %dma_start3A_265 = tpu.memref_slice %arg14[%dma_start3A_263, %dma_start3A_264] : memref<10240x128xf32, #tpu.memory_space<vmem_shared>> -> memref<10240x128xf32, #tpu.memory_space<vmem_shared>>
      tpu.enqueue_indirect_dma source(%arg13 : memref<80x128xf32, #tpu.memory_space<vmem>>) target(%dma_start3A_265 : memref<10240x128xf32, #tpu.memory_space<vmem_shared>>) offsets(%arg11 : memref<80xi32, #tpu.memory_space<vmem>>) semaphore(%arg18 : memref<!tpu.dma_semaphore, #tpu.memory_space<semaphore_mem>>) {add = true}
    }
    %scan3A_66 = arith.constant 61 : i32
    %dma_wait3A_67 = arith.constant 9920 : i32
    %dma_wait3A_68 = tpu.memref_slice %arg8[%dma_wait3A_67] : memref<10000xi32, #tpu.memory_space<vmem>> -> memref<80xi32, #tpu.memory_space<vmem>>
    %dma_wait3A_69 = arith.constant 0 : i32
    %dma_wait3A_70 = arith.constant 0 : i32
    %dma_wait3A_71 = tpu.memref_slice %arg2[%dma_wait3A_69, %dma_wait3A_70] : memref<10000x128xf32, #tpu.memory_space<hbm>> -> memref<10000x128xf32, #tpu.memory_space<hbm>>
    tpu.wait_indirect_dma semaphore(%arg15 : memref<!tpu.dma_semaphore, #tpu.memory_space<semaphore_mem>>) src(%dma_wait3A_71 : memref<10000x128xf32, #tpu.memory_space<hbm>>) dst(%arg12 : memref<80x128xf32, #tpu.memory_space<vmem>>)
    %dma_wait3A_72 = arith.constant 0 : i32
    %dma_wait3A_73 = arith.constant 0 : i32
    %dma_wait3A_74 = tpu.memref_slice %arg14[%dma_wait3A_72, %dma_wait3A_73] : memref<10240x128xf32, #tpu.memory_space<vmem_shared>> -> memref<10240x128xf32, #tpu.memory_space<vmem_shared>>
    tpu.wait_indirect_dma semaphore(%arg18 : memref<!tpu.dma_semaphore, #tpu.memory_space<semaphore_mem>>) src(%arg13 : memref<80x128xf32, #tpu.memory_space<vmem>>) dst(%dma_wait3A_74 : memref<10240x128xf32, #tpu.memory_space<vmem_shared>>)
    %parallel_loop3A_75 = arith.constant 0 : i32
    %parallel_loop3A_76 = arith.constant 80 : i32
    %parallel_loop3A_77 = arith.constant 1 : i32
    scf.for %parallel_loop3A_211 = %parallel_loop3A_75 to %parallel_loop3A_76 step %parallel_loop3A_77  : i32 {
      %parallel_loop3A_212 = arith.constant 9920 : i32
      %parallel_loop3A_213 = arith.addi %parallel_loop3A_212, %parallel_loop3A_211 : i32
      %parallel_loop3A_214 = arith.index_cast %parallel_loop3A_213 : i32 to index
      %parallel_loop3A_215 = tpu.vector_load %arg9[%parallel_loop3A_214] {strides = array<i32>} : memref<10016xf32, #tpu.memory_space<vmem>>, vector<16xf32>,
      %parallel_loop3A_216 = vector.shape_cast %parallel_loop3A_215 : vector<16xf32> to vector<16xf32>
      %parallel_loop3A_217 = vector.extract_strided_slice %parallel_loop3A_216 {offsets = [0], sizes = [1], strides = [1]} : vector<16xf32> to vector<1xf32>
      %parallel_loop3A_218 = vector.extract %parallel_loop3A_217[0] : f32 from vector<1xf32>
      %parallel_loop3A_219 = vector.broadcast %parallel_loop3A_218 : f32 to vector<16xf32>
      %parallel_loop3A_220 = arith.index_cast %parallel_loop3A_211 : i32 to index
      %parallel_loop3A_221 = arith.constant 0 : index
      %parallel_loop3A_222 = tpu.vector_load %arg12[%parallel_loop3A_220, %parallel_loop3A_221] {strides = array<i32>} : memref<80x128xf32, #tpu.memory_space<vmem>>, vector<1x16xf32>,
      %parallel_loop3A_223 = vector.shape_cast %parallel_loop3A_222 : vector<1x16xf32> to vector<16xf32>
      %parallel_loop3A_224 = arith.mulf %parallel_loop3A_223, %parallel_loop3A_219 : vector<16xf32>
      %parallel_loop3A_225 = arith.index_cast %parallel_loop3A_211 : i32 to index
      %parallel_loop3A_226 = arith.constant 0 : index
      %parallel_loop3A_227 = tpu.vector_load %arg12[%parallel_loop3A_225, %parallel_loop3A_226] {strides = array<i32>} : memref<80x128xf32, #tpu.memory_space<vmem>>, vector<1x16xf32>,
      %parallel_loop3A_228 = vector.shape_cast %parallel_loop3A_227 : vector<1x16xf32> to vector<16xf32>
      %parallel_loop3A_229 = vector.shape_cast %parallel_loop3A_224 : vector<16xf32> to vector<1x16xf32>
      tpu.vector_store %arg12[%parallel_loop3A_225, %parallel_loop3A_226], %parallel_loop3A_229 {strides = array<i32>} : memref<80x128xf32, #tpu.memory_space<vmem>>, vector<1x16xf32>,
      %parallel_loop3A_230 = arith.index_cast %parallel_loop3A_211 : i32 to index
      %parallel_loop3A_231 = arith.constant 16 : index
      %parallel_loop3A_232 = tpu.vector_load %arg12[%parallel_loop3A_230, %parallel_loop3A_231] {strides = array<i32>} : memref<80x128xf32, #tpu.memory_space<vmem>>, vector<1x16xf32>,
      %parallel_loop3A_233 = vector.shape_cast %parallel_loop3A_232 : vector<1x16xf32> to vector<16xf32>
      %parallel_loop3A_234 = arith.mulf %parallel_loop3A_233, %parallel_loop3A_219 : vector<16xf32>
      %parallel_loop3A_235 = arith.index_cast %parallel_loop3A_211 : i32 to index
      %parallel_loop3A_236 = arith.constant 16 : index
      %parallel_loop3A_237 = tpu.vector_load %arg12[%parallel_loop3A_235, %parallel_loop3A_236] {strides = array<i32>} : memref<80x128xf32, #tpu.memory_space<vmem>>, vector<1x16xf32>,
      %parallel_loop3A_238 = vector.shape_cast %parallel_loop3A_237 : vector<1x16xf32> to vector<16xf32>
      %parallel_loop3A_239 = vector.shape_cast %parallel_loop3A_234 : vector<16xf32> to vector<1x16xf32>
      tpu.vector_store %arg12[%parallel_loop3A_235, %parallel_loop3A_236], %parallel_loop3A_239 {strides = array<i32>} : memref<80x128xf32, #tpu.memory_space<vmem>>, vector<1x16xf32>,
      %parallel_loop3A_240 = arith.index_cast %parallel_loop3A_211 : i32 to index
      %parallel_loop3A_241 = arith.constant 32 : index
      %parallel_loop3A_242 = tpu.vector_load %arg12[%parallel_loop3A_240, %parallel_loop3A_241] {strides = array<i32>} : memref<80x128xf32, #tpu.memory_space<vmem>>, vector<1x16xf32>,
      %parallel_loop3A_243 = vector.shape_cast %parallel_loop3A_242 : vector<1x16xf32> to vector<16xf32>
      %parallel_loop3A_244 = arith.mulf %parallel_loop3A_243, %parallel_loop3A_219 : vector<16xf32>
      %parallel_loop3A_245 = arith.index_cast %parallel_loop3A_211 : i32 to index
      %parallel_loop3A_246 = arith.constant 32 : index
      %parallel_loop3A_247 = tpu.vector_load %arg12[%parallel_loop3A_245, %parallel_loop3A_246] {strides = array<i32>} : memref<80x128xf32, #tpu.memory_space<vmem>>, vector<1x16xf32>,
      %parallel_loop3A_248 = vector.shape_cast %parallel_loop3A_247 : vector<1x16xf32> to vector<16xf32>
      %parallel_loop3A_249 = vector.shape_cast %parallel_loop3A_244 : vector<16xf32> to vector<1x16xf32>
      tpu.vector_store %arg12[%parallel_loop3A_245, %parallel_loop3A_246], %parallel_loop3A_249 {strides = array<i32>} : memref<80x128xf32, #tpu.memory_space<vmem>>, vector<1x16xf32>,
      %parallel_loop3A_250 = arith.index_cast %parallel_loop3A_211 : i32 to index
      %parallel_loop3A_251 = arith.constant 48 : index
      %parallel_loop3A_252 = tpu.vector_load %arg12[%parallel_loop3A_250, %parallel_loop3A_251] {strides = array<i32>} : memref<80x128xf32, #tpu.memory_space<vmem>>, vector<1x16xf32>,
      %parallel_loop3A_253 = vector.shape_cast %parallel_loop3A_252 : vector<1x16xf32> to vector<16xf32>
      %parallel_loop3A_254 = arith.mulf %parallel_loop3A_253, %parallel_loop3A_219 : vector<16xf32>
      %parallel_loop3A_255 = arith.index_cast %parallel_loop3A_211 : i32 to index
      %parallel_loop3A_256 = arith.constant 48 : index
      %parallel_loop3A_257 = tpu.vector_load %arg12[%parallel_loop3A_255, %parallel_loop3A_256] {strides = array<i32>} : memref<80x128xf32, #tpu.memory_space<vmem>>, vector<1x16xf32>,
      %parallel_loop3A_258 = vector.shape_cast %parallel_loop3A_257 : vector<1x16xf32> to vector<16xf32>
      %parallel_loop3A_259 = vector.shape_cast %parallel_loop3A_254 : vector<16xf32> to vector<1x16xf32>
      tpu.vector_store %arg12[%parallel_loop3A_255, %parallel_loop3A_256], %parallel_loop3A_259 {strides = array<i32>} : memref<80x128xf32, #tpu.memory_space<vmem>>, vector<1x16xf32>,
      %parallel_loop3A_260 = arith.index_cast %parallel_loop3A_211 : i32 to index
      %parallel_loop3A_261 = arith.constant 64 : index
      %parallel_loop3A_262 = tpu.vector_load %arg12[%parallel_loop3A_260, %parallel_loop3A_261] {strides = array<i32>} : memref<80x128xf32, #tpu.memory_space<vmem>>, vector<1x16xf32>,
      %parallel_loop3A_263 = vector.shape_cast %parallel_loop3A_262 : vector<1x16xf32> to vector<16xf32>
      %parallel_loop3A_264 = arith.mulf %parallel_loop3A_263, %parallel_loop3A_219 : vector<16xf32>
      %parallel_loop3A_265 = arith.index_cast %parallel_loop3A_211 : i32 to index
      %parallel_loop3A_266 = arith.constant 64 : index
      %parallel_loop3A_267 = tpu.vector_load %arg12[%parallel_loop3A_265, %parallel_loop3A_266] {strides = array<i32>} : memref<80x128xf32, #tpu.memory_space<vmem>>, vector<1x16xf32>,
      %parallel_loop3A_268 = vector.shape_cast %parallel_loop3A_267 : vector<1x16xf32> to vector<16xf32>
      %parallel_loop3A_269 = vector.shape_cast %parallel_loop3A_264 : vector<16xf32> to vector<1x16xf32>
      tpu.vector_store %arg12[%parallel_loop3A_265, %parallel_loop3A_266], %parallel_loop3A_269 {strides = array<i32>} : memref<80x128xf32, #tpu.memory_space<vmem>>, vector<1x16xf32>,
      %parallel_loop3A_270 = arith.index_cast %parallel_loop3A_211 : i32 to index
      %parallel_loop3A_271 = arith.constant 80 : index
      %parallel_loop3A_272 = tpu.vector_load %arg12[%parallel_loop3A_270, %parallel_loop3A_271] {strides = array<i32>} : memref<80x128xf32, #tpu.memory_space<vmem>>, vector<1x16xf32>,
      %parallel_loop3A_273 = vector.shape_cast %parallel_loop3A_272 : vector<1x16xf32> to vector<16xf32>
      %parallel_loop3A_274 = arith.mulf %parallel_loop3A_273, %parallel_loop3A_219 : vector<16xf32>
      %parallel_loop3A_275 = arith.index_cast %parallel_loop3A_211 : i32 to index
      %parallel_loop3A_276 = arith.constant 80 : index
      %parallel_loop3A_277 = tpu.vector_load %arg12[%parallel_loop3A_275, %parallel_loop3A_276] {strides = array<i32>} : memref<80x128xf32, #tpu.memory_space<vmem>>, vector<1x16xf32>,
      %parallel_loop3A_278 = vector.shape_cast %parallel_loop3A_277 : vector<1x16xf32> to vector<16xf32>
      %parallel_loop3A_279 = vector.shape_cast %parallel_loop3A_274 : vector<16xf32> to vector<1x16xf32>
      tpu.vector_store %arg12[%parallel_loop3A_275, %parallel_loop3A_276], %parallel_loop3A_279 {strides = array<i32>} : memref<80x128xf32, #tpu.memory_space<vmem>>, vector<1x16xf32>,
      %parallel_loop3A_280 = arith.index_cast %parallel_loop3A_211 : i32 to index
      %parallel_loop3A_281 = arith.constant 96 : index
      %parallel_loop3A_282 = tpu.vector_load %arg12[%parallel_loop3A_280, %parallel_loop3A_281] {strides = array<i32>} : memref<80x128xf32, #tpu.memory_space<vmem>>, vector<1x16xf32>,
      %parallel_loop3A_283 = vector.shape_cast %parallel_loop3A_282 : vector<1x16xf32> to vector<16xf32>
      %parallel_loop3A_284 = arith.mulf %parallel_loop3A_283, %parallel_loop3A_219 : vector<16xf32>
      %parallel_loop3A_285 = arith.index_cast %parallel_loop3A_211 : i32 to index
      %parallel_loop3A_286 = arith.constant 96 : index
      %parallel_loop3A_287 = tpu.vector_load %arg12[%parallel_loop3A_285, %parallel_loop3A_286] {strides = array<i32>} : memref<80x128xf32, #tpu.memory_space<vmem>>, vector<1x16xf32>,
      %parallel_loop3A_288 = vector.shape_cast %parallel_loop3A_287 : vector<1x16xf32> to vector<16xf32>
      %parallel_loop3A_289 = vector.shape_cast %parallel_loop3A_284 : vector<16xf32> to vector<1x16xf32>
      tpu.vector_store %arg12[%parallel_loop3A_285, %parallel_loop3A_286], %parallel_loop3A_289 {strides = array<i32>} : memref<80x128xf32, #tpu.memory_space<vmem>>, vector<1x16xf32>,
      %parallel_loop3A_290 = arith.index_cast %parallel_loop3A_211 : i32 to index
      %parallel_loop3A_291 = arith.constant 112 : index
      %parallel_loop3A_292 = tpu.vector_load %arg12[%parallel_loop3A_290, %parallel_loop3A_291] {strides = array<i32>} : memref<80x128xf32, #tpu.memory_space<vmem>>, vector<1x16xf32>,
      %parallel_loop3A_293 = vector.shape_cast %parallel_loop3A_292 : vector<1x16xf32> to vector<16xf32>
      %parallel_loop3A_294 = arith.mulf %parallel_loop3A_293, %parallel_loop3A_219 : vector<16xf32>
      %parallel_loop3A_295 = arith.index_cast %parallel_loop3A_211 : i32 to index
      %parallel_loop3A_296 = arith.constant 112 : index
      %parallel_loop3A_297 = tpu.vector_load %arg12[%parallel_loop3A_295, %parallel_loop3A_296] {strides = array<i32>} : memref<80x128xf32, #tpu.memory_space<vmem>>, vector<1x16xf32>,
      %parallel_loop3A_298 = vector.shape_cast %parallel_loop3A_297 : vector<1x16xf32> to vector<16xf32>
      %parallel_loop3A_299 = vector.shape_cast %parallel_loop3A_294 : vector<16xf32> to vector<1x16xf32>
      tpu.vector_store %arg12[%parallel_loop3A_295, %parallel_loop3A_296], %parallel_loop3A_299 {strides = array<i32>} : memref<80x128xf32, #tpu.memory_space<vmem>>, vector<1x16xf32>,
    } {sc.loop_unroll_factor = 8 : i64, sc.parallel_access}
    %add3A_78 = arith.constant 9920 : i32
    %add3A_79 = arith.addi %mul3A_2, %add3A_78 : i32
    %dma_wait3A_80 = tpu.memref_slice %arg4[%add3A_79] : memref<320000xi32, #tpu.memory_space<hbm>> -> memref<80xi32, #tpu.memory_space<hbm>>
    %dma_wait3A_81 = tpu.memref_slice %arg4[%add3A_79] : memref<320000xi32, #tpu.memory_space<hbm>> -> memref<80xi32, #tpu.memory_space<hbm>>
    tpu.wait_dma2 semaphore(%arg19 : memref<!tpu.dma_semaphore, #tpu.memory_space<semaphore_mem>>) src(%dma_wait3A_81 : memref<80xi32, #tpu.memory_space<hbm>>) dst(%arg10 : memref<80xi32, #tpu.memory_space<vmem>>)
    "tpu.region"() ({
      %run_scoped3A = tpu.sem_alloc : memref<!tpu.dma_semaphore, #tpu.memory_space<semaphore_mem>>
      %dma_start3A_211 = arith.constant 0 : i32
      %dma_start3A_212 = arith.constant 0 : i32
      %dma_start3A_213 = tpu.memref_slice %arg14[%dma_start3A_211, %dma_start3A_212] : memref<10240x128xf32, #tpu.memory_space<vmem_shared>> -> memref<10240x128xf32, #tpu.memory_space<vmem_shared>>
      tpu.enqueue_indirect_dma source(%arg12 : memref<80x128xf32, #tpu.memory_space<vmem>>) target(%dma_start3A_213 : memref<10240x128xf32, #tpu.memory_space<vmem_shared>>) offsets(%arg10 : memref<80xi32, #tpu.memory_space<vmem>>) semaphore(%run_scoped3A : memref<!tpu.dma_semaphore, #tpu.memory_space<semaphore_mem>>) {add = true}
      %dma_wait3A_214 = arith.constant 0 : i32
      %dma_wait3A_215 = arith.constant 0 : i32
      %dma_wait3A_216 = tpu.memref_slice %arg14[%dma_wait3A_214, %dma_wait3A_215] : memref<10240x128xf32, #tpu.memory_space<vmem_shared>> -> memref<10240x128xf32, #tpu.memory_space<vmem_shared>>
      tpu.wait_indirect_dma semaphore(%run_scoped3A : memref<!tpu.dma_semaphore, #tpu.memory_space<semaphore_mem>>) src(%arg12 : memref<80x128xf32, #tpu.memory_space<vmem>>) dst(%dma_wait3A_216 : memref<10240x128xf32, #tpu.memory_space<vmem_shared>>)
      tpu.yield
    }) : () -> ()
    %barrier3A_82 = arith.constant 0 : index
    tpu.barrier barrier_id(%barrier3A_82)
    %mul3A_83 = arith.constant 640 : i32
    %mul3A_84 = arith.muli %arg1, %mul3A_83 : i32
    "tpu.region"() ({
      %run_scoped3A = tpu.sem_alloc : memref<!tpu.dma_semaphore, #tpu.memory_space<semaphore_mem>>
      %dma_start3A_211 = arith.constant 0 : i32
      %dma_start3A_212 = tpu.memref_slice %arg14[%mul3A_84, %dma_start3A_211] : memref<10240x128xf32, #tpu.memory_space<vmem_shared>> -> memref<80x128xf32, #tpu.memory_space<vmem_shared>>
      %dma_start3A_213 = arith.constant 0 : i32
      %dma_start3A_214 = tpu.memref_slice %arg14[%mul3A_84, %dma_start3A_213] : memref<10240x128xf32, #tpu.memory_space<vmem_shared>> -> memref<80x128xf32, #tpu.memory_space<vmem_shared>>
      tpu.enqueue_dma source(%dma_start3A_214 : memref<80x128xf32, #tpu.memory_space<vmem_shared>>) target(%arg12 : memref<80x128xf32, #tpu.memory_space<vmem>>) target_semaphore(%run_scoped3A : memref<!tpu.dma_semaphore, #tpu.memory_space<semaphore_mem>>)
      %dma_wait3A_215 = arith.constant 0 : i32
      %dma_wait3A_216 = tpu.memref_slice %arg14[%mul3A_84, %dma_wait3A_215] : memref<10240x128xf32, #tpu.memory_space<vmem_shared>> -> memref<80x128xf32, #tpu.memory_space<vmem_shared>>
      %dma_wait3A_217 = arith.constant 0 : i32
      %dma_wait3A_218 = tpu.memref_slice %arg14[%mul3A_84, %dma_wait3A_217] : memref<10240x128xf32, #tpu.memory_space<vmem_shared>> -> memref<80x128xf32, #tpu.memory_space<vmem_shared>>
      tpu.wait_dma2 semaphore(%run_scoped3A : memref<!tpu.dma_semaphore, #tpu.memory_space<semaphore_mem>>) src(%dma_wait3A_218 : memref<80x128xf32, #tpu.memory_space<vmem_shared>>) dst(%arg12 : memref<80x128xf32, #tpu.memory_space<vmem>>)
      tpu.yield
    }) : () -> ()
    %add3A_85 = arith.constant 0 : i32
    %add3A_86 = arith.addi %mul3A_84, %add3A_85 : i32
    %dma_start3A_87 = arith.constant 0 : i32
    %dma_start3A_88 = tpu.memref_slice %arg7[%arg0, %add3A_86, %dma_start3A_87] : memref<2x10240x128xf32, #tpu.memory_space<hbm>> -> memref<1x80x128xf32, #tpu.memory_space<hbm>>
    %dma_start3A_89 = tpu.memref_squeeze %dma_start3A_88 : memref<1x80x128xf32, #tpu.memory_space<hbm>> -> memref<80x128xf32, #tpu.memory_space<hbm>>
    %dma_start3A_90 = arith.constant 0 : i32
    %dma_start3A_91 = tpu.memref_slice %arg7[%arg0, %add3A_86, %dma_start3A_90] : memref<2x10240x128xf32, #tpu.memory_space<hbm>> -> memref<1x80x128xf32, #tpu.memory_space<hbm>>
    %dma_start3A_92 = tpu.memref_squeeze %dma_start3A_91 : memref<1x80x128xf32, #tpu.memory_space<hbm>> -> memref<80x128xf32, #tpu.memory_space<hbm>>
    tpu.enqueue_dma source(%arg12 : memref<80x128xf32, #tpu.memory_space<vmem>>) target(%dma_start3A_92 : memref<80x128xf32, #tpu.memory_space<hbm>>) target_semaphore(%arg17 : memref<!tpu.dma_semaphore, #tpu.memory_space<semaphore_mem>>)
    %add3A_93 = arith.constant 80 : i32
    %add3A_94 = arith.addi %add3A_86, %add3A_93 : i32
    "tpu.region"() ({
      %run_scoped3A = tpu.sem_alloc : memref<!tpu.dma_semaphore, #tpu.memory_space<semaphore_mem>>
      %dma_start3A_211 = arith.constant 0 : i32
      %dma_start3A_212 = tpu.memref_slice %arg14[%add3A_94, %dma_start3A_211] : memref<10240x128xf32, #tpu.memory_space<vmem_shared>> -> memref<80x128xf32, #tpu.memory_space<vmem_shared>>
      %dma_start3A_213 = arith.constant 0 : i32
      %dma_start3A_214 = tpu.memref_slice %arg14[%add3A_94, %dma_start3A_213] : memref<10240x128xf32, #tpu.memory_space<vmem_shared>> -> memref<80x128xf32, #tpu.memory_space<vmem_shared>>
      tpu.enqueue_dma source(%dma_start3A_214 : memref<80x128xf32, #tpu.memory_space<vmem_shared>>) target(%arg13 : memref<80x128xf32, #tpu.memory_space<vmem>>) target_semaphore(%run_scoped3A : memref<!tpu.dma_semaphore, #tpu.memory_space<semaphore_mem>>)
      %dma_wait3A_215 = arith.constant 0 : i32
      %dma_wait3A_216 = tpu.memref_slice %arg14[%add3A_94, %dma_wait3A_215] : memref<10240x128xf32, #tpu.memory_space<vmem_shared>> -> memref<80x128xf32, #tpu.memory_space<vmem_shared>>
      %dma_wait3A_217 = arith.constant 0 : i32
      %dma_wait3A_218 = tpu.memref_slice %arg14[%add3A_94, %dma_wait3A_217] : memref<10240x128xf32, #tpu.memory_space<vmem_shared>> -> memref<80x128xf32, #tpu.memory_space<vmem_shared>>
      tpu.wait_dma2 semaphore(%run_scoped3A : memref<!tpu.dma_semaphore, #tpu.memory_space<semaphore_mem>>) src(%dma_wait3A_218 : memref<80x128xf32, #tpu.memory_space<vmem_shared>>) dst(%arg13 : memref<80x128xf32, #tpu.memory_space<vmem>>)
      tpu.yield
    }) : () -> ()
    %dma_wait3A_95 = arith.constant 0 : i32
    %dma_wait3A_96 = tpu.memref_slice %arg7[%arg0, %add3A_86, %dma_wait3A_95] : memref<2x10240x128xf32, #tpu.memory_space<hbm>> -> memref<1x80x128xf32, #tpu.memory_space<hbm>>
    %dma_wait3A_97 = tpu.memref_squeeze %dma_wait3A_96 : memref<1x80x128xf32, #tpu.memory_space<hbm>> -> memref<80x128xf32, #tpu.memory_space<hbm>>
    %dma_wait3A_98 = arith.constant 0 : i32
    %dma_wait3A_99 = tpu.memref_slice %arg7[%arg0, %add3A_86, %dma_wait3A_98] : memref<2x10240x128xf32, #tpu.memory_space<hbm>> -> memref<1x80x128xf32, #tpu.memory_space<hbm>>
    %dma_wait3A_100 = tpu.memref_squeeze %dma_wait3A_99 : memref<1x80x128xf32, #tpu.memory_space<hbm>> -> memref<80x128xf32, #tpu.memory_space<hbm>>
    tpu.wait_dma2 semaphore(%arg17 : memref<!tpu.dma_semaphore, #tpu.memory_space<semaphore_mem>>) src(%arg12 : memref<80x128xf32, #tpu.memory_space<vmem>>) dst(%dma_wait3A_100 : memref<80x128xf32, #tpu.memory_space<hbm>>)
    %add3A_101 = arith.constant 80 : i32
    %add3A_102 = arith.addi %mul3A_84, %add3A_101 : i32
    %dma_start3A_103 = arith.constant 0 : i32
    %dma_start3A_104 = tpu.memref_slice %arg7[%arg0, %add3A_102, %dma_start3A_103] : memref<2x10240x128xf32, #tpu.memory_space<hbm>> -> memref<1x80x128xf32, #tpu.memory_space<hbm>>
    %dma_start3A_105 = tpu.memref_squeeze %dma_start3A_104 : memref<1x80x128xf32, #tpu.memory_space<hbm>> -> memref<80x128xf32, #tpu.memory_space<hbm>>
    %dma_start3A_106 = arith.constant 0 : i32
    %dma_start3A_107 = tpu.memref_slice %arg7[%arg0, %add3A_102, %dma_start3A_106] : memref<2x10240x128xf32, #tpu.memory_space<hbm>> -> memref<1x80x128xf32, #tpu.memory_space<hbm>>
    %dma_start3A_108 = tpu.memref_squeeze %dma_start3A_107 : memref<1x80x128xf32, #tpu.memory_space<hbm>> -> memref<80x128xf32, #tpu.memory_space<hbm>>
    tpu.enqueue_dma source(%arg13 : memref<80x128xf32, #tpu.memory_space<vmem>>) target(%dma_start3A_108 : memref<80x128xf32, #tpu.memory_space<hbm>>) target_semaphore(%arg18 : memref<!tpu.dma_semaphore, #tpu.memory_space<semaphore_mem>>)
    %add3A_109 = arith.constant 80 : i32
    %add3A_110 = arith.addi %add3A_102, %add3A_109 : i32
    "tpu.region"() ({
      %run_scoped3A = tpu.sem_alloc : memref<!tpu.dma_semaphore, #tpu.memory_space<semaphore_mem>>
      %dma_start3A_211 = arith.constant 0 : i32
      %dma_start3A_212 = tpu.memref_slice %arg14[%add3A_110, %dma_start3A_211] : memref<10240x128xf32, #tpu.memory_space<vmem_shared>> -> memref<80x128xf32, #tpu.memory_space<vmem_shared>>
      %dma_start3A_213 = arith.constant 0 : i32
      %dma_start3A_214 = tpu.memref_slice %arg14[%add3A_110, %dma_start3A_213] : memref<10240x128xf32, #tpu.memory_space<vmem_shared>> -> memref<80x128xf32, #tpu.memory_space<vmem_shared>>
      tpu.enqueue_dma source(%dma_start3A_214 : memref<80x128xf32, #tpu.memory_space<vmem_shared>>) target(%arg12 : memref<80x128xf32, #tpu.memory_space<vmem>>) target_semaphore(%run_scoped3A : memref<!tpu.dma_semaphore, #tpu.memory_space<semaphore_mem>>)
      %dma_wait3A_215 = arith.constant 0 : i32
      %dma_wait3A_216 = tpu.memref_slice %arg14[%add3A_110, %dma_wait3A_215] : memref<10240x128xf32, #tpu.memory_space<vmem_shared>> -> memref<80x128xf32, #tpu.memory_space<vmem_shared>>
      %dma_wait3A_217 = arith.constant 0 : i32
      %dma_wait3A_218 = tpu.memref_slice %arg14[%add3A_110, %dma_wait3A_217] : memref<10240x128xf32, #tpu.memory_space<vmem_shared>> -> memref<80x128xf32, #tpu.memory_space<vmem_shared>>
      tpu.wait_dma2 semaphore(%run_scoped3A : memref<!tpu.dma_semaphore, #tpu.memory_space<semaphore_mem>>) src(%dma_wait3A_218 : memref<80x128xf32, #tpu.memory_space<vmem_shared>>) dst(%arg12 : memref<80x128xf32, #tpu.memory_space<vmem>>)
      tpu.yield
    }) : () -> ()
    %dma_wait3A_111 = arith.constant 0 : i32
    %dma_wait3A_112 = tpu.memref_slice %arg7[%arg0, %add3A_102, %dma_wait3A_111] : memref<2x10240x128xf32, #tpu.memory_space<hbm>> -> memref<1x80x128xf32, #tpu.memory_space<hbm>>
    %dma_wait3A_113 = tpu.memref_squeeze %dma_wait3A_112 : memref<1x80x128xf32, #tpu.memory_space<hbm>> -> memref<80x128xf32, #tpu.memory_space<hbm>>
    %dma_wait3A_114 = arith.constant 0 : i32
    %dma_wait3A_115 = tpu.memref_slice %arg7[%arg0, %add3A_102, %dma_wait3A_114] : memref<2x10240x128xf32, #tpu.memory_space<hbm>> -> memref<1x80x128xf32, #tpu.memory_space<hbm>>
    %dma_wait3A_116 = tpu.memref_squeeze %dma_wait3A_115 : memref<1x80x128xf32, #tpu.memory_space<hbm>> -> memref<80x128xf32, #tpu.memory_space<hbm>>
    tpu.wait_dma2 semaphore(%arg18 : memref<!tpu.dma_semaphore, #tpu.memory_space<semaphore_mem>>) src(%arg13 : memref<80x128xf32, #tpu.memory_space<vmem>>) dst(%dma_wait3A_116 : memref<80x128xf32, #tpu.memory_space<hbm>>)
    %add3A_117 = arith.constant 160 : i32
    %add3A_118 = arith.addi %mul3A_84, %add3A_117 : i32
    %dma_start3A_119 = arith.constant 0 : i32
    %dma_start3A_120 = tpu.memref_slice %arg7[%arg0, %add3A_118, %dma_start3A_119] : memref<2x10240x128xf32, #tpu.memory_space<hbm>> -> memref<1x80x128xf32, #tpu.memory_space<hbm>>
    %dma_start3A_121 = tpu.memref_squeeze %dma_start3A_120 : memref<1x80x128xf32, #tpu.memory_space<hbm>> -> memref<80x128xf32, #tpu.memory_space<hbm>>
    %dma_start3A_122 = arith.constant 0 : i32
    %dma_start3A_123 = tpu.memref_slice %arg7[%arg0, %add3A_118, %dma_start3A_122] : memref<2x10240x128xf32, #tpu.memory_space<hbm>> -> memref<1x80x128xf32, #tpu.memory_space<hbm>>
    %dma_start3A_124 = tpu.memref_squeeze %dma_start3A_123 : memref<1x80x128xf32, #tpu.memory_space<hbm>> -> memref<80x128xf32, #tpu.memory_space<hbm>>
    tpu.enqueue_dma source(%arg12 : memref<80x128xf32, #tpu.memory_space<vmem>>) target(%dma_start3A_124 : memref<80x128xf32, #tpu.memory_space<hbm>>) target_semaphore(%arg17 : memref<!tpu.dma_semaphore, #tpu.memory_space<semaphore_mem>>)
    %add3A_125 = arith.constant 80 : i32
    %add3A_126 = arith.addi %add3A_118, %add3A_125 : i32
    "tpu.region"() ({
      %run_scoped3A = tpu.sem_alloc : memref<!tpu.dma_semaphore, #tpu.memory_space<semaphore_mem>>
      %dma_start3A_211 = arith.constant 0 : i32
      %dma_start3A_212 = tpu.memref_slice %arg14[%add3A_126, %dma_start3A_211] : memref<10240x128xf32, #tpu.memory_space<vmem_shared>> -> memref<80x128xf32, #tpu.memory_space<vmem_shared>>
      %dma_start3A_213 = arith.constant 0 : i32
      %dma_start3A_214 = tpu.memref_slice %arg14[%add3A_126, %dma_start3A_213] : memref<10240x128xf32, #tpu.memory_space<vmem_shared>> -> memref<80x128xf32, #tpu.memory_space<vmem_shared>>
      tpu.enqueue_dma source(%dma_start3A_214 : memref<80x128xf32, #tpu.memory_space<vmem_shared>>) target(%arg13 : memref<80x128xf32, #tpu.memory_space<vmem>>) target_semaphore(%run_scoped3A : memref<!tpu.dma_semaphore, #tpu.memory_space<semaphore_mem>>)
      %dma_wait3A_215 = arith.constant 0 : i32
      %dma_wait3A_216 = tpu.memref_slice %arg14[%add3A_126, %dma_wait3A_215] : memref<10240x128xf32, #tpu.memory_space<vmem_shared>> -> memref<80x128xf32, #tpu.memory_space<vmem_shared>>
      %dma_wait3A_217 = arith.constant 0 : i32
      %dma_wait3A_218 = tpu.memref_slice %arg14[%add3A_126, %dma_wait3A_217] : memref<10240x128xf32, #tpu.memory_space<vmem_shared>> -> memref<80x128xf32, #tpu.memory_space<vmem_shared>>
      tpu.wait_dma2 semaphore(%run_scoped3A : memref<!tpu.dma_semaphore, #tpu.memory_space<semaphore_mem>>) src(%dma_wait3A_218 : memref<80x128xf32, #tpu.memory_space<vmem_shared>>) dst(%arg13 : memref<80x128xf32, #tpu.memory_space<vmem>>)
      tpu.yield
    }) : () -> ()
    %dma_wait3A_127 = arith.constant 0 : i32
    %dma_wait3A_128 = tpu.memref_slice %arg7[%arg0, %add3A_118, %dma_wait3A_127] : memref<2x10240x128xf32, #tpu.memory_space<hbm>> -> memref<1x80x128xf32, #tpu.memory_space<hbm>>
    %dma_wait3A_129 = tpu.memref_squeeze %dma_wait3A_128 : memref<1x80x128xf32, #tpu.memory_space<hbm>> -> memref<80x128xf32, #tpu.memory_space<hbm>>
    %dma_wait3A_130 = arith.constant 0 : i32
    %dma_wait3A_131 = tpu.memref_slice %arg7[%arg0, %add3A_118, %dma_wait3A_130] : memref<2x10240x128xf32, #tpu.memory_space<hbm>> -> memref<1x80x128xf32, #tpu.memory_space<hbm>>
    %dma_wait3A_132 = tpu.memref_squeeze %dma_wait3A_131 : memref<1x80x128xf32, #tpu.memory_space<hbm>> -> memref<80x128xf32, #tpu.memory_space<hbm>>
    tpu.wait_dma2 semaphore(%arg17 : memref<!tpu.dma_semaphore, #tpu.memory_space<semaphore_mem>>) src(%arg12 : memref<80x128xf32, #tpu.memory_space<vmem>>) dst(%dma_wait3A_132 : memref<80x128xf32, #tpu.memory_space<hbm>>)
    %add3A_133 = arith.constant 240 : i32
    %add3A_134 = arith.addi %mul3A_84, %add3A_133 : i32
    %dma_start3A_135 = arith.constant 0 : i32
    %dma_start3A_136 = tpu.memref_slice %arg7[%arg0, %add3A_134, %dma_start3A_135] : memref<2x10240x128xf32, #tpu.memory_space<hbm>> -> memref<1x80x128xf32, #tpu.memory_space<hbm>>
    %dma_start3A_137 = tpu.memref_squeeze %dma_start3A_136 : memref<1x80x128xf32, #tpu.memory_space<hbm>> -> memref<80x128xf32, #tpu.memory_space<hbm>>
    %dma_start3A_138 = arith.constant 0 : i32
    %dma_start3A_139 = tpu.memref_slice %arg7[%arg0, %add3A_134, %dma_start3A_138] : memref<2x10240x128xf32, #tpu.memory_space<hbm>> -> memref<1x80x128xf32, #tpu.memory_space<hbm>>
    %dma_start3A_140 = tpu.memref_squeeze %dma_start3A_139 : memref<1x80x128xf32, #tpu.memory_space<hbm>> -> memref<80x128xf32, #tpu.memory_space<hbm>>
    tpu.enqueue_dma source(%arg13 : memref<80x128xf32, #tpu.memory_space<vmem>>) target(%dma_start3A_140 : memref<80x128xf32, #tpu.memory_space<hbm>>) target_semaphore(%arg18 : memref<!tpu.dma_semaphore, #tpu.memory_space<semaphore_mem>>)
    %add3A_141 = arith.constant 80 : i32
    %add3A_142 = arith.addi %add3A_134, %add3A_141 : i32
    "tpu.region"() ({
      %run_scoped3A = tpu.sem_alloc : memref<!tpu.dma_semaphore, #tpu.memory_space<semaphore_mem>>
      %dma_start3A_211 = arith.constant 0 : i32
      %dma_start3A_212 = tpu.memref_slice %arg14[%add3A_142, %dma_start3A_211] : memref<10240x128xf32, #tpu.memory_space<vmem_shared>> -> memref<80x128xf32, #tpu.memory_space<vmem_shared>>
      %dma_start3A_213 = arith.constant 0 : i32
      %dma_start3A_214 = tpu.memref_slice %arg14[%add3A_142, %dma_start3A_213] : memref<10240x128xf32, #tpu.memory_space<vmem_shared>> -> memref<80x128xf32, #tpu.memory_space<vmem_shared>>
      tpu.enqueue_dma source(%dma_start3A_214 : memref<80x128xf32, #tpu.memory_space<vmem_shared>>) target(%arg12 : memref<80x128xf32, #tpu.memory_space<vmem>>) target_semaphore(%run_scoped3A : memref<!tpu.dma_semaphore, #tpu.memory_space<semaphore_mem>>)
      %dma_wait3A_215 = arith.constant 0 : i32
      %dma_wait3A_216 = tpu.memref_slice %arg14[%add3A_142, %dma_wait3A_215] : memref<10240x128xf32, #tpu.memory_space<vmem_shared>> -> memref<80x128xf32, #tpu.memory_space<vmem_shared>>
      %dma_wait3A_217 = arith.constant 0 : i32
      %dma_wait3A_218 = tpu.memref_slice %arg14[%add3A_142, %dma_wait3A_217] : memref<10240x128xf32, #tpu.memory_space<vmem_shared>> -> memref<80x128xf32, #tpu.memory_space<vmem_shared>>
      tpu.wait_dma2 semaphore(%run_scoped3A : memref<!tpu.dma_semaphore, #tpu.memory_space<semaphore_mem>>) src(%dma_wait3A_218 : memref<80x128xf32, #tpu.memory_space<vmem_shared>>) dst(%arg12 : memref<80x128xf32, #tpu.memory_space<vmem>>)
      tpu.yield
    }) : () -> ()
    %dma_wait3A_143 = arith.constant 0 : i32
    %dma_wait3A_144 = tpu.memref_slice %arg7[%arg0, %add3A_134, %dma_wait3A_143] : memref<2x10240x128xf32, #tpu.memory_space<hbm>> -> memref<1x80x128xf32, #tpu.memory_space<hbm>>
    %dma_wait3A_145 = tpu.memref_squeeze %dma_wait3A_144 : memref<1x80x128xf32, #tpu.memory_space<hbm>> -> memref<80x128xf32, #tpu.memory_space<hbm>>
    %dma_wait3A_146 = arith.constant 0 : i32
    %dma_wait3A_147 = tpu.memref_slice %arg7[%arg0, %add3A_134, %dma_wait3A_146] : memref<2x10240x128xf32, #tpu.memory_space<hbm>> -> memref<1x80x128xf32, #tpu.memory_space<hbm>>
    %dma_wait3A_148 = tpu.memref_squeeze %dma_wait3A_147 : memref<1x80x128xf32, #tpu.memory_space<hbm>> -> memref<80x128xf32, #tpu.memory_space<hbm>>
    tpu.wait_dma2 semaphore(%arg18 : memref<!tpu.dma_semaphore, #tpu.memory_space<semaphore_mem>>) src(%arg13 : memref<80x128xf32, #tpu.memory_space<vmem>>) dst(%dma_wait3A_148 : memref<80x128xf32, #tpu.memory_space<hbm>>)
    %add3A_149 = arith.constant 320 : i32
    %add3A_150 = arith.addi %mul3A_84, %add3A_149 : i32
    %dma_start3A_151 = arith.constant 0 : i32
    %dma_start3A_152 = tpu.memref_slice %arg7[%arg0, %add3A_150, %dma_start3A_151] : memref<2x10240x128xf32, #tpu.memory_space<hbm>> -> memref<1x80x128xf32, #tpu.memory_space<hbm>>
    %dma_start3A_153 = tpu.memref_squeeze %dma_start3A_152 : memref<1x80x128xf32, #tpu.memory_space<hbm>> -> memref<80x128xf32, #tpu.memory_space<hbm>>
    %dma_start3A_154 = arith.constant 0 : i32
    %dma_start3A_155 = tpu.memref_slice %arg7[%arg0, %add3A_150, %dma_start3A_154] : memref<2x10240x128xf32, #tpu.memory_space<hbm>> -> memref<1x80x128xf32, #tpu.memory_space<hbm>>
    %dma_start3A_156 = tpu.memref_squeeze %dma_start3A_155 : memref<1x80x128xf32, #tpu.memory_space<hbm>> -> memref<80x128xf32, #tpu.memory_space<hbm>>
    tpu.enqueue_dma source(%arg12 : memref<80x128xf32, #tpu.memory_space<vmem>>) target(%dma_start3A_156 : memref<80x128xf32, #tpu.memory_space<hbm>>) target_semaphore(%arg17 : memref<!tpu.dma_semaphore, #tpu.memory_space<semaphore_mem>>)
    %add3A_157 = arith.constant 80 : i32
    %add3A_158 = arith.addi %add3A_150, %add3A_157 : i32
    "tpu.region"() ({
      %run_scoped3A = tpu.sem_alloc : memref<!tpu.dma_semaphore, #tpu.memory_space<semaphore_mem>>
      %dma_start3A_211 = arith.constant 0 : i32
      %dma_start3A_212 = tpu.memref_slice %arg14[%add3A_158, %dma_start3A_211] : memref<10240x128xf32, #tpu.memory_space<vmem_shared>> -> memref<80x128xf32, #tpu.memory_space<vmem_shared>>
      %dma_start3A_213 = arith.constant 0 : i32
      %dma_start3A_214 = tpu.memref_slice %arg14[%add3A_158, %dma_start3A_213] : memref<10240x128xf32, #tpu.memory_space<vmem_shared>> -> memref<80x128xf32, #tpu.memory_space<vmem_shared>>
      tpu.enqueue_dma source(%dma_start3A_214 : memref<80x128xf32, #tpu.memory_space<vmem_shared>>) target(%arg13 : memref<80x128xf32, #tpu.memory_space<vmem>>) target_semaphore(%run_scoped3A : memref<!tpu.dma_semaphore, #tpu.memory_space<semaphore_mem>>)
      %dma_wait3A_215 = arith.constant 0 : i32
      %dma_wait3A_216 = tpu.memref_slice %arg14[%add3A_158, %dma_wait3A_215] : memref<10240x128xf32, #tpu.memory_space<vmem_shared>> -> memref<80x128xf32, #tpu.memory_space<vmem_shared>>
      %dma_wait3A_217 = arith.constant 0 : i32
      %dma_wait3A_218 = tpu.memref_slice %arg14[%add3A_158, %dma_wait3A_217] : memref<10240x128xf32, #tpu.memory_space<vmem_shared>> -> memref<80x128xf32, #tpu.memory_space<vmem_shared>>
      tpu.wait_dma2 semaphore(%run_scoped3A : memref<!tpu.dma_semaphore, #tpu.memory_space<semaphore_mem>>) src(%dma_wait3A_218 : memref<80x128xf32, #tpu.memory_space<vmem_shared>>) dst(%arg13 : memref<80x128xf32, #tpu.memory_space<vmem>>)
      tpu.yield
    }) : () -> ()
    %dma_wait3A_159 = arith.constant 0 : i32
    %dma_wait3A_160 = tpu.memref_slice %arg7[%arg0, %add3A_150, %dma_wait3A_159] : memref<2x10240x128xf32, #tpu.memory_space<hbm>> -> memref<1x80x128xf32, #tpu.memory_space<hbm>>
    %dma_wait3A_161 = tpu.memref_squeeze %dma_wait3A_160 : memref<1x80x128xf32, #tpu.memory_space<hbm>> -> memref<80x128xf32, #tpu.memory_space<hbm>>
    %dma_wait3A_162 = arith.constant 0 : i32
    %dma_wait3A_163 = tpu.memref_slice %arg7[%arg0, %add3A_150, %dma_wait3A_162] : memref<2x10240x128xf32, #tpu.memory_space<hbm>> -> memref<1x80x128xf32, #tpu.memory_space<hbm>>
    %dma_wait3A_164 = tpu.memref_squeeze %dma_wait3A_163 : memref<1x80x128xf32, #tpu.memory_space<hbm>> -> memref<80x128xf32, #tpu.memory_space<hbm>>
    tpu.wait_dma2 semaphore(%arg17 : memref<!tpu.dma_semaphore, #tpu.memory_space<semaphore_mem>>) src(%arg12 : memref<80x128xf32, #tpu.memory_space<vmem>>) dst(%dma_wait3A_164 : memref<80x128xf32, #tpu.memory_space<hbm>>)
    %add3A_165 = arith.constant 400 : i32
    %add3A_166 = arith.addi %mul3A_84, %add3A_165 : i32
    %dma_start3A_167 = arith.constant 0 : i32
    %dma_start3A_168 = tpu.memref_slice %arg7[%arg0, %add3A_166, %dma_start3A_167] : memref<2x10240x128xf32, #tpu.memory_space<hbm>> -> memref<1x80x128xf32, #tpu.memory_space<hbm>>
    %dma_start3A_169 = tpu.memref_squeeze %dma_start3A_168 : memref<1x80x128xf32, #tpu.memory_space<hbm>> -> memref<80x128xf32, #tpu.memory_space<hbm>>
    %dma_start3A_170 = arith.constant 0 : i32
    %dma_start3A_171 = tpu.memref_slice %arg7[%arg0, %add3A_166, %dma_start3A_170] : memref<2x10240x128xf32, #tpu.memory_space<hbm>> -> memref<1x80x128xf32, #tpu.memory_space<hbm>>
    %dma_start3A_172 = tpu.memref_squeeze %dma_start3A_171 : memref<1x80x128xf32, #tpu.memory_space<hbm>> -> memref<80x128xf32, #tpu.memory_space<hbm>>
    tpu.enqueue_dma source(%arg13 : memref<80x128xf32, #tpu.memory_space<vmem>>) target(%dma_start3A_172 : memref<80x128xf32, #tpu.memory_space<hbm>>) target_semaphore(%arg18 : memref<!tpu.dma_semaphore, #tpu.memory_space<semaphore_mem>>)
    %add3A_173 = arith.constant 80 : i32
    %add3A_174 = arith.addi %add3A_166, %add3A_173 : i32
    "tpu.region"() ({
      %run_scoped3A = tpu.sem_alloc : memref<!tpu.dma_semaphore, #tpu.memory_space<semaphore_mem>>
      %dma_start3A_211 = arith.constant 0 : i32
      %dma_start3A_212 = tpu.memref_slice %arg14[%add3A_174, %dma_start3A_211] : memref<10240x128xf32, #tpu.memory_space<vmem_shared>> -> memref<80x128xf32, #tpu.memory_space<vmem_shared>>
      %dma_start3A_213 = arith.constant 0 : i32
      %dma_start3A_214 = tpu.memref_slice %arg14[%add3A_174, %dma_start3A_213] : memref<10240x128xf32, #tpu.memory_space<vmem_shared>> -> memref<80x128xf32, #tpu.memory_space<vmem_shared>>
      tpu.enqueue_dma source(%dma_start3A_214 : memref<80x128xf32, #tpu.memory_space<vmem_shared>>) target(%arg12 : memref<80x128xf32, #tpu.memory_space<vmem>>) target_semaphore(%run_scoped3A : memref<!tpu.dma_semaphore, #tpu.memory_space<semaphore_mem>>)
      %dma_wait3A_215 = arith.constant 0 : i32
      %dma_wait3A_216 = tpu.memref_slice %arg14[%add3A_174, %dma_wait3A_215] : memref<10240x128xf32, #tpu.memory_space<vmem_shared>> -> memref<80x128xf32, #tpu.memory_space<vmem_shared>>
      %dma_wait3A_217 = arith.constant 0 : i32
      %dma_wait3A_218 = tpu.memref_slice %arg14[%add3A_174, %dma_wait3A_217] : memref<10240x128xf32, #tpu.memory_space<vmem_shared>> -> memref<80x128xf32, #tpu.memory_space<vmem_shared>>
      tpu.wait_dma2 semaphore(%run_scoped3A : memref<!tpu.dma_semaphore, #tpu.memory_space<semaphore_mem>>) src(%dma_wait3A_218 : memref<80x128xf32, #tpu.memory_space<vmem_shared>>) dst(%arg12 : memref<80x128xf32, #tpu.memory_space<vmem>>)
      tpu.yield
    }) : () -> ()
    %dma_wait3A_175 = arith.constant 0 : i32
    %dma_wait3A_176 = tpu.memref_slice %arg7[%arg0, %add3A_166, %dma_wait3A_175] : memref<2x10240x128xf32, #tpu.memory_space<hbm>> -> memref<1x80x128xf32, #tpu.memory_space<hbm>>
    %dma_wait3A_177 = tpu.memref_squeeze %dma_wait3A_176 : memref<1x80x128xf32, #tpu.memory_space<hbm>> -> memref<80x128xf32, #tpu.memory_space<hbm>>
    %dma_wait3A_178 = arith.constant 0 : i32
    %dma_wait3A_179 = tpu.memref_slice %arg7[%arg0, %add3A_166, %dma_wait3A_178] : memref<2x10240x128xf32, #tpu.memory_space<hbm>> -> memref<1x80x128xf32, #tpu.memory_space<hbm>>
    %dma_wait3A_180 = tpu.memref_squeeze %dma_wait3A_179 : memref<1x80x128xf32, #tpu.memory_space<hbm>> -> memref<80x128xf32, #tpu.memory_space<hbm>>
    tpu.wait_dma2 semaphore(%arg18 : memref<!tpu.dma_semaphore, #tpu.memory_space<semaphore_mem>>) src(%arg13 : memref<80x128xf32, #tpu.memory_space<vmem>>) dst(%dma_wait3A_180 : memref<80x128xf32, #tpu.memory_space<hbm>>)
    %add3A_181 = arith.constant 480 : i32
    %add3A_182 = arith.addi %mul3A_84, %add3A_181 : i32
    %dma_start3A_183 = arith.constant 0 : i32
    %dma_start3A_184 = tpu.memref_slice %arg7[%arg0, %add3A_182, %dma_start3A_183] : memref<2x10240x128xf32, #tpu.memory_space<hbm>> -> memref<1x80x128xf32, #tpu.memory_space<hbm>>
    %dma_start3A_185 = tpu.memref_squeeze %dma_start3A_184 : memref<1x80x128xf32, #tpu.memory_space<hbm>> -> memref<80x128xf32, #tpu.memory_space<hbm>>
    %dma_start3A_186 = arith.constant 0 : i32
    %dma_start3A_187 = tpu.memref_slice %arg7[%arg0, %add3A_182, %dma_start3A_186] : memref<2x10240x128xf32, #tpu.memory_space<hbm>> -> memref<1x80x128xf32, #tpu.memory_space<hbm>>
    %dma_start3A_188 = tpu.memref_squeeze %dma_start3A_187 : memref<1x80x128xf32, #tpu.memory_space<hbm>> -> memref<80x128xf32, #tpu.memory_space<hbm>>
    tpu.enqueue_dma source(%arg12 : memref<80x128xf32, #tpu.memory_space<vmem>>) target(%dma_start3A_188 : memref<80x128xf32, #tpu.memory_space<hbm>>) target_semaphore(%arg17 : memref<!tpu.dma_semaphore, #tpu.memory_space<semaphore_mem>>)
    %add3A_189 = arith.constant 80 : i32
    %add3A_190 = arith.addi %add3A_182, %add3A_189 : i32
    "tpu.region"() ({
      %run_scoped3A = tpu.sem_alloc : memref<!tpu.dma_semaphore, #tpu.memory_space<semaphore_mem>>
      %dma_start3A_211 = arith.constant 0 : i32
      %dma_start3A_212 = tpu.memref_slice %arg14[%add3A_190, %dma_start3A_211] : memref<10240x128xf32, #tpu.memory_space<vmem_shared>> -> memref<80x128xf32, #tpu.memory_space<vmem_shared>>
      %dma_start3A_213 = arith.constant 0 : i32
      %dma_start3A_214 = tpu.memref_slice %arg14[%add3A_190, %dma_start3A_213] : memref<10240x128xf32, #tpu.memory_space<vmem_shared>> -> memref<80x128xf32, #tpu.memory_space<vmem_shared>>
      tpu.enqueue_dma source(%dma_start3A_214 : memref<80x128xf32, #tpu.memory_space<vmem_shared>>) target(%arg13 : memref<80x128xf32, #tpu.memory_space<vmem>>) target_semaphore(%run_scoped3A : memref<!tpu.dma_semaphore, #tpu.memory_space<semaphore_mem>>)
      %dma_wait3A_215 = arith.constant 0 : i32
      %dma_wait3A_216 = tpu.memref_slice %arg14[%add3A_190, %dma_wait3A_215] : memref<10240x128xf32, #tpu.memory_space<vmem_shared>> -> memref<80x128xf32, #tpu.memory_space<vmem_shared>>
      %dma_wait3A_217 = arith.constant 0 : i32
      %dma_wait3A_218 = tpu.memref_slice %arg14[%add3A_190, %dma_wait3A_217] : memref<10240x128xf32, #tpu.memory_space<vmem_shared>> -> memref<80x128xf32, #tpu.memory_space<vmem_shared>>
      tpu.wait_dma2 semaphore(%run_scoped3A : memref<!tpu.dma_semaphore, #tpu.memory_space<semaphore_mem>>) src(%dma_wait3A_218 : memref<80x128xf32, #tpu.memory_space<vmem_shared>>) dst(%arg13 : memref<80x128xf32, #tpu.memory_space<vmem>>)
      tpu.yield
    }) : () -> ()
    %dma_wait3A_191 = arith.constant 0 : i32
    %dma_wait3A_192 = tpu.memref_slice %arg7[%arg0, %add3A_182, %dma_wait3A_191] : memref<2x10240x128xf32, #tpu.memory_space<hbm>> -> memref<1x80x128xf32, #tpu.memory_space<hbm>>
    %dma_wait3A_193 = tpu.memref_squeeze %dma_wait3A_192 : memref<1x80x128xf32, #tpu.memory_space<hbm>> -> memref<80x128xf32, #tpu.memory_space<hbm>>
    %dma_wait3A_194 = arith.constant 0 : i32
    %dma_wait3A_195 = tpu.memref_slice %arg7[%arg0, %add3A_182, %dma_wait3A_194] : memref<2x10240x128xf32, #tpu.memory_space<hbm>> -> memref<1x80x128xf32, #tpu.memory_space<hbm>>
    %dma_wait3A_196 = tpu.memref_squeeze %dma_wait3A_195 : memref<1x80x128xf32, #tpu.memory_space<hbm>> -> memref<80x128xf32, #tpu.memory_space<hbm>>
    tpu.wait_dma2 semaphore(%arg17 : memref<!tpu.dma_semaphore, #tpu.memory_space<semaphore_mem>>) src(%arg12 : memref<80x128xf32, #tpu.memory_space<vmem>>) dst(%dma_wait3A_196 : memref<80x128xf32, #tpu.memory_space<hbm>>)
    %add3A_197 = arith.constant 560 : i32
    %add3A_198 = arith.addi %mul3A_84, %add3A_197 : i32
    %dma_start3A_199 = arith.constant 0 : i32
    %dma_start3A_200 = tpu.memref_slice %arg7[%arg0, %add3A_198, %dma_start3A_199] : memref<2x10240x128xf32, #tpu.memory_space<hbm>> -> memref<1x80x128xf32, #tpu.memory_space<hbm>>
    %dma_start3A_201 = tpu.memref_squeeze %dma_start3A_200 : memref<1x80x128xf32, #tpu.memory_space<hbm>> -> memref<80x128xf32, #tpu.memory_space<hbm>>
    %dma_start3A_202 = arith.constant 0 : i32
    %dma_start3A_203 = tpu.memref_slice %arg7[%arg0, %add3A_198, %dma_start3A_202] : memref<2x10240x128xf32, #tpu.memory_space<hbm>> -> memref<1x80x128xf32, #tpu.memory_space<hbm>>
    %dma_start3A_204 = tpu.memref_squeeze %dma_start3A_203 : memref<1x80x128xf32, #tpu.memory_space<hbm>> -> memref<80x128xf32, #tpu.memory_space<hbm>>
    tpu.enqueue_dma source(%arg13 : memref<80x128xf32, #tpu.memory_space<vmem>>) target(%dma_start3A_204 : memref<80x128xf32, #tpu.memory_space<hbm>>) target_semaphore(%arg18 : memref<!tpu.dma_semaphore, #tpu.memory_space<semaphore_mem>>)
    %dma_wait3A_205 = arith.constant 0 : i32
    %dma_wait3A_206 = tpu.memref_slice %arg7[%arg0, %add3A_198, %dma_wait3A_205] : memref<2x10240x128xf32, #tpu.memory_space<hbm>> -> memref<1x80x128xf32, #tpu.memory_space<hbm>>
    %dma_wait3A_207 = tpu.memref_squeeze %dma_wait3A_206 : memref<1x80x128xf32, #tpu.memory_space<hbm>> -> memref<80x128xf32, #tpu.memory_space<hbm>>
    %dma_wait3A_208 = arith.constant 0 : i32
    %dma_wait3A_209 = tpu.memref_slice %arg7[%arg0, %add3A_198, %dma_wait3A_208] : memref<2x10240x128xf32, #tpu.memory_space<hbm>> -> memref<1x80x128xf32, #tpu.memory_space<hbm>>
    %dma_wait3A_210 = tpu.memref_squeeze %dma_wait3A_209 : memref<1x80x128xf32, #tpu.memory_space<hbm>> -> memref<80x128xf32, #tpu.memory_space<hbm>>
    tpu.wait_dma2 semaphore(%arg18 : memref<!tpu.dma_semaphore, #tpu.memory_space<semaphore_mem>>) src(%arg13 : memref<80x128xf32, #tpu.memory_space<vmem>>) dst(%dma_wait3A_210 : memref<80x128xf32, #tpu.memory_space<hbm>>)
    return
  }
}

module attributes {stable_mosaic.version = 14 : i64} {
  func.func @body(%arg0: i32, %arg1: memref<2000x128xf32, #tpu.memory_space<vmem>>, %arg2: memref<2x2000x128xf32, #tpu.memory_space<vmem>>, %arg3: memref<128x128xf32, #tpu.memory_space<vmem>>, %arg4: memref<1x128xf32, #tpu.memory_space<vmem>>, %arg5: memref<128x128xf32, #tpu.memory_space<vmem>>, %arg6: memref<1x128xf32, #tpu.memory_space<vmem>>, %arg7: memref<2000x128xf32, #tpu.memory_space<vmem>>) attributes {dimension_semantics = [#tpu.dimension_semantics<arbitrary>], iteration_bounds = array<i64: 5>, scalar_prefetch = 0 : i64, scratch_operands = 0 : i64, tpu.core_type = #tpu.core_type<tc>, window_params = [{transform_indices = @transform_0, window_bounds = array<i64: 2000, 128>}, {transform_indices = @transform_1, window_bounds = array<i64: 2, 2000, 128>}, {pipeline_mode = #tpu.pipeline_mode<synchronous>, transform_indices = @transform_2, window_bounds = array<i64: 128, 128>}, {pipeline_mode = #tpu.pipeline_mode<synchronous>, transform_indices = @transform_3, window_bounds = array<i64: 1, 128>}, {pipeline_mode = #tpu.pipeline_mode<synchronous>, transform_indices = @transform_4, window_bounds = array<i64: 128, 128>}, {pipeline_mode = #tpu.pipeline_mode<synchronous>, transform_indices = @transform_5, window_bounds = array<i64: 1, 128>}, {transform_indices = @transform_6, window_bounds = array<i64: 2000, 128>}]} {
    %get3A = arith.constant 0 : index
    %get3A_0 = arith.constant 0 : index
    %get3A_1 = arith.constant 0 : index
    %get3A_2 = vector.load %arg2[%get3A, %get3A_0, %get3A_1] : memref<2x2000x128xf32, #tpu.memory_space<vmem>>, vector<1x2000x128xf32>
    %get3A_3 = vector.shape_cast %get3A_2 : vector<1x2000x128xf32> to vector<2000x128xf32>
    %get3A_4 = arith.constant 1 : index
    %get3A_5 = arith.constant 0 : index
    %get3A_6 = arith.constant 0 : index
    %get3A_7 = vector.load %arg2[%get3A_4, %get3A_5, %get3A_6] : memref<2x2000x128xf32, #tpu.memory_space<vmem>>, vector<1x2000x128xf32>
    %get3A_8 = vector.shape_cast %get3A_7 : vector<1x2000x128xf32> to vector<2000x128xf32>
    %add3A = arith.addf %get3A_3, %get3A_8 : vector<2000x128xf32>
    %get3A_9 = arith.constant 0 : index
    %get3A_10 = arith.constant 0 : index
    %get3A_11 = vector.load %arg1[%get3A_9, %get3A_10] : memref<2000x128xf32, #tpu.memory_space<vmem>>, vector<2000x128xf32>
    %add3A_12 = arith.addf %get3A_11, %add3A : vector<2000x128xf32>
    %get3A_13 = arith.constant 0 : index
    %get3A_14 = arith.constant 0 : index
    %get3A_15 = vector.load %arg3[%get3A_13, %get3A_14] : memref<128x128xf32, #tpu.memory_space<vmem>>, vector<128x128xf32>
    %dot_general3A = arith.constant dense<0.000000e+00> : vector<2000x128xf32>
    %dot_general3A_16 = tpu.matmul %add3A_12, %get3A_15, %dot_general3A {dimension_numbers = #tpu.dot_dimension_numbers<[1], [0], [0], [1], [0, 0, 1, 1], [], []>, transpose_lhs_hint = false} : vector<2000x128xf32>, vector<128x128xf32>, vector<2000x128xf32> -> vector<2000x128xf32>
    %get3A_17 = arith.constant 0 : index
    %get3A_18 = arith.constant 0 : index
    %get3A_19 = vector.load %arg4[%get3A_17, %get3A_18] : memref<1x128xf32, #tpu.memory_space<vmem>>, vector<1x128xf32>
    %add3A_20 = vector.broadcast %get3A_19 : vector<1x128xf32> to vector<2000x128xf32>
    %add3A_21 = arith.addf %dot_general3A_16, %add3A_20 : vector<2000x128xf32>
    %mul3A = arith.mulf %get3A_11, %add3A : vector<2000x128xf32>
    %get3A_22 = arith.constant 0 : index
    %get3A_23 = arith.constant 0 : index
    %get3A_24 = vector.load %arg5[%get3A_22, %get3A_23] : memref<128x128xf32, #tpu.memory_space<vmem>>, vector<128x128xf32>
    %dot_general3A_25 = arith.constant dense<0.000000e+00> : vector<2000x128xf32>
    %dot_general3A_26 = tpu.matmul %mul3A, %get3A_24, %dot_general3A_25 {dimension_numbers = #tpu.dot_dimension_numbers<[1], [0], [0], [1], [0, 0, 1, 1], [], []>, transpose_lhs_hint = false} : vector<2000x128xf32>, vector<128x128xf32>, vector<2000x128xf32> -> vector<2000x128xf32>
    %get3A_27 = arith.constant 0 : index
    %get3A_28 = arith.constant 0 : index
    %get3A_29 = vector.load %arg6[%get3A_27, %get3A_28] : memref<1x128xf32, #tpu.memory_space<vmem>>, vector<1x128xf32>
    %add3A_30 = vector.broadcast %get3A_29 : vector<1x128xf32> to vector<2000x128xf32>
    %add3A_31 = arith.addf %dot_general3A_26, %add3A_30 : vector<2000x128xf32>
    %ge3A = arith.constant 0.000000e+00 : f32
    %ge3A_32 = vector.broadcast %ge3A : f32 to vector<2000x128xf32>
    %ge3A_33 = arith.cmpf oge, %add3A_21, %ge3A_32 : vector<2000x128xf32>
    %mul3A_34 = arith.constant 0.00999999977 : f32
    %mul3A_35 = vector.broadcast %mul3A_34 : f32 to vector<2000x128xf32>
    %mul3A_36 = arith.mulf %mul3A_35, %add3A_21 : vector<2000x128xf32>
    %select_n3A = arith.select %ge3A_33, %add3A_21, %mul3A_36 : vector<2000x128xi1>, vector<2000x128xf32>
    %ge3A_37 = arith.constant 0.000000e+00 : f32
    %ge3A_38 = vector.broadcast %ge3A_37 : f32 to vector<2000x128xf32>
    %ge3A_39 = arith.cmpf oge, %add3A_31, %ge3A_38 : vector<2000x128xf32>
    %mul3A_40 = arith.constant 0.00999999977 : f32
    %mul3A_41 = vector.broadcast %mul3A_40 : f32 to vector<2000x128xf32>
    %mul3A_42 = arith.mulf %mul3A_41, %add3A_31 : vector<2000x128xf32>
    %select_n3A_43 = arith.select %ge3A_39, %add3A_31, %mul3A_42 : vector<2000x128xi1>, vector<2000x128xf32>
    %add3A_44 = arith.addf %select_n3A, %select_n3A_43 : vector<2000x128xf32>
    %swap3A = arith.constant 0 : index
    %swap3A_45 = arith.constant 0 : index
    %swap3A_46 = vector.load %arg7[%swap3A, %swap3A_45] : memref<2000x128xf32, #tpu.memory_space<vmem>>, vector<2000x128xf32>
    tpu.vector_store %arg7[%swap3A, %swap3A_45], %add3A_44 {strides = array<i32>} : memref<2000x128xf32, #tpu.memory_space<vmem>>, vector<2000x128xf32>,
    return
  }
  func.func @transform_0(%arg0: i32) -> (i32, i32) {
    %c0_i32 = arith.constant 0 : i32
    %c0_i32_0 = arith.constant 0 : i32
    return %arg0, %c0_i32 : i32, i32
  }
  func.func @transform_1(%arg0: i32) -> (i32, i32, i32) {
    %c0_i32 = arith.constant 0 : i32
    %c0_i32_0 = arith.constant 0 : i32
    %c0_i32_1 = arith.constant 0 : i32
    return %c0_i32, %arg0, %c0_i32_0 : i32, i32, i32
  }
  func.func @transform_2(%arg0: i32) -> (i32, i32) {
    %c0_i32 = arith.constant 0 : i32
    %c0_i32_0 = arith.constant 0 : i32
    %c0_i32_1 = arith.constant 0 : i32
    return %c0_i32, %c0_i32_0 : i32, i32
  }
  func.func @transform_3(%arg0: i32) -> (i32, i32) {
    %c0_i32 = arith.constant 0 : i32
    %c0_i32_0 = arith.constant 0 : i32
    %c0_i32_1 = arith.constant 0 : i32
    return %c0_i32, %c0_i32_0 : i32, i32
  }
  func.func @transform_4(%arg0: i32) -> (i32, i32) {
    %c0_i32 = arith.constant 0 : i32
    %c0_i32_0 = arith.constant 0 : i32
    %c0_i32_1 = arith.constant 0 : i32
    return %c0_i32, %c0_i32_0 : i32, i32
  }
  func.func @transform_5(%arg0: i32) -> (i32, i32) {
    %c0_i32 = arith.constant 0 : i32
    %c0_i32_0 = arith.constant 0 : i32
    %c0_i32_1 = arith.constant 0 : i32
    return %c0_i32, %c0_i32_0 : i32, i32
  }
  func.func @transform_6(%arg0: i32) -> (i32, i32) {
    %c0_i32 = arith.constant 0 : i32
    %c0_i32_0 = arith.constant 0 : i32
    return %arg0, %c0_i32 : i32, i32
  }
}

</mosaic_0001>

<sc_bundles>
// kernel: kernel.4.cloned.1.call-start
scs
__scs_entry_jumppad:
0x0: {  	(pc) =	sbr.rel $0x88, $3  }
0x1: {  	(tag) =	ssettag $0x0;
	lr =	simm.s32 $0x1  }
0x2: {  	[smem:$0x3F9A] =	sst lr;
	_ =	strace $0xD0000000  }
0x3: {  	_ = 	snop  }
0x4: {  	_ = 	snop  }
0x5: {  	_ = 	snop  }
0x6: {  	_ = 	snop  }
0x7: {  	_ = 	snop  }
__scs_overlays_trampoline_lowered:
0x8: {  	[smem:$0x3FA9] =	sst s0  }
0x9: {  	[smem:$0x3FAA] =	sst s1  }
0xa: {  	[smem:$0x3FAB] =	sst s2  }
0xb: {  	[smem:$0x3FAC] =	sst s3  }
0xc: {  	[smem:$0x3FAD] =	sst s4  }
0xd: {  	[smem:$0x3FAE] =	sst s5  }
0xe: {  	[smem:$0x3FAF] =	sst s6  }
0xf: {  	[smem:$0x3FB0] =	sst s7  }
0x10: {  	[smem:$0x3FB1] =	sst s8  }
0x11: {  	[smem:$0x3FB2] =	sst s9;
	s0 =	simm.s32 @!p0 $0x0  }
0x12: {  	s1 =	sld [smem:$0x3F98];
	s0 =	simm.s32 @p0 $0x1  }
0x13: {  	[smem:$0x3FB3] =	sst s0;
	s0 =	simm.s32 @!p1 $0x0  }
0x14: {  	s2 =	sld [smem:$0x3F97];
	s0 =	simm.s32 @p1 $0x1  }
0x15: {  	[smem:$0x3FB4] =	sst s0;
	s0 =	simm.s32 @!p2 $0x0  }
0x16: {  	s3 =	sld [smem:$0x3FDB];
	s0 =	simm.s32 @p2 $0x1  }
0x17: {  	s4 =	simm.s32 $0x1BF5;
	[smem:$0x3FB6] =	sst s0  }
0x18: {  	s0 =	sld [smem:$0x3F99];
	_ =	swait.ge [sflag:s4], $0x0  }
0x19: {  	s7 =	sld [smem:$0x3F9A]  }
0x1a: {  	s8 =	sadd.s32 $0xFFFFE003, lr  }
0x1b: {  	s9 =	sadd.s32 $0xFFFFFEF7, lr;
	s5 =	simm.s32 $0xFFFFFFFF;
	p2 =	slt.u32 s8, $0xFFFFF086  }
0x1c: {  	p1 =	slt.u32 s9, $0xF7A;
	s5 =	simm.s32 @!p2 $0x0  }
0x1d: {  	s5 =	simm.s32 @p1 $0x1;
	p0 =	seq.s32 s7, s2  }
0x1e: {  	s7 =	smul.u32 @!p0 $0xF7A, s2;
	p2 =	seq.s32 @!p0 s5, $0x0  }
0x1f: {  	s9 =	smul.u32 $0xF7A, s1;
	s8 =	simm.s32 @!p0 $0x1BF5;
	p2 =	por !p2, p0  }
0x20: {  	[sflag:s8] =	ssyncset.s32 @!p0 $0xFFFFF086;
	s6 =	sadd.s32 @!p0 s3, s7;
	s7 =	simm.s32 @!p0 $0x108  }
0x21: {  	s3 =	sadd.s32 s3, s9;
	s6 =	sadd.s32 @!p0 $0x88, s6;
	s7 =	simm.s32 @p2 $0x1082  }
0x22: {  	[simem:s7], [sflag:s8] =	dma.local @!p0 [hbm:s6], $0xF7A  }
0x23: {  	s9 =	sor.u32 $0xD0000000, s2;
	s6 =	simm.s32 $0x108;
	_ =	swait.ge @!p0 [sflag:s8], $0x0  }
0x24: {  	s3 =	sadd.s32 $0x88, s3;
	s6 =	simm.s32 @!p1 $0x1082;
	[sflag:s4] =	ssyncset.s32 $0xFFFFF086  }
0x25: {  	[simem:s6], [sflag:s4] =	dma.local [hbm:s3], $0xF7A  }
0x26: {  	[smem:$0x3F9A] =	sst s1;
	(tag) =	ssettag s2;
	_ =	strace s9  }
0x27: {  	s1 =	sld [smem:$0x3FAA]  }
0x28: {  	s2 =	sld [smem:$0x3FAB]  }
0x29: {  	s4 =	sld [smem:$0x3FAD]  }
0x2a: {  	p0 =	seq.s32 s5, $0x0;
	s5 =	sld [smem:$0x3FAE]  }
0x2b: {  	s6 =	sld [smem:$0x3FAF]  }
0x2c: {  	s7 =	sld [smem:$0x3FB0]  }
0x2d: {  	s3 =	simm.s32 $0x108;
	s8 =	sld [smem:$0x3FB1]  }
0x2e: {  	s3 =	simm.s32 @!p0 $0x1082;
	s9 =	sld [smem:$0x3FB2]  }
0x2f: {  	lr =	sadd.s32 s0, s3;
	s0 =	sld [smem:$0x3FA9]  }
0x30: {  	s3 =	sld [smem:$0x3FAC]  }
0x31: {  	[smem:$0x3FB5] =	sst s10  }
0x32: {  	s10 =	sld [smem:$0x3FB3];
	_ =	sdelay $0x3  }
0x33: {  	p0 =	seq.s32 s10, $0x1;
	s10 =	sld [smem:$0x3FB5];
	_ =	sdelay $0x3  }
0x34: {  	[smem:$0x3FB5] =	sst s10  }
0x35: {  	s10 =	sld [smem:$0x3FB4];
	_ =	sdelay $0x3  }
0x36: {  	p1 =	seq.s32 s10, $0x1;
	s10 =	sld [smem:$0x3FB5];
	_ =	sdelay $0x3  }
0x37: {  	[smem:$0x3FB5] =	sst s10  }
0x38: {  	s10 =	sld [smem:$0x3FB6]  }
0x39: {  	_ = 	snop;
	(pc) =	sbr.ind lr, $3  }
0x3a: {  	_ = 	snop  }
0x3b: {  	_ = 	snop  }
0x3c: {  	p2 =	seq.s32 s10, $0x1;
	s10 =	sld [smem:$0x3FB5]  }
0x3d: {  	_ =	shalt  }
0x3e: {  	_ =	shalt  }
0x3f: {  	_ =	shalt  }
0x40: {  	_ =	shalt  }
0x41: {  	_ =	shalt  }
0x42: {  	_ =	shalt  }
0x43: {  	_ =	shalt  }
0x44: {  	_ =	shalt  }
0x45: {  	_ =	shalt  }
0x46: {  	_ =	shalt  }
0x47: {  	_ =	shalt  }
0x48: {  	_ =	shalt  }
0x49: {  	_ =	shalt  }
0x4a: {  	_ =	shalt  }
0x4b: {  	_ =	shalt  }
0x4c: {  	_ =	shalt  }
0x4d: {  	_ =	shalt  }
0x4e: {  	_ =	shalt  }
0x4f: {  	_ =	shalt  }
0x50: {  	_ =	shalt  }
0x51: {  	_ =	shalt  }
0x52: {  	_ =	shalt  }
0x53: {  	_ =	shalt  }
0x54: {  	_ =	shalt  }
0x55: {  	_ =	shalt  }
0x56: {  	_ =	shalt  }
0x57: {  	_ =	shalt  }
0x58: {  	_ =	shalt  }
0x59: {  	_ =	shalt  }
0x5a: {  	_ =	shalt  }
0x5b: {  	_ =	shalt  }
0x5c: {  	_ =	shalt  }
0x5d: {  	_ =	shalt  }
0x5e: {  	_ =	shalt  }
0x5f: {  	_ =	shalt  }
0x60: {  	_ =	shalt  }
0x61: {  	_ =	shalt  }
0x62: {  	_ =	shalt  }
0x63: {  	_ =	shalt  }
0x64: {  	_ =	shalt  }
0x65: {  	_ =	shalt  }
0x66: {  	_ =	shalt  }
0x67: {  	_ =	shalt  }
0x68: {  	_ =	shalt  }
0x69: {  	_ =	shalt  }
0x6a: {  	_ =	shalt  }
0x6b: {  	_ =	shalt  }
0x6c: {  	_ =	shalt  }
0x6d: {  	_ =	shalt  }
0x6e: {  	_ =	shalt  }
0x6f: {  	_ =	shalt  }
0x70: {  	_ =	shalt  }
0x71: {  	_ =	shalt  }
0x72: {  	_ =	shalt  }
0x73: {  	_ =	shalt  }
0x74: {  	_ =	shalt  }
0x75: {  	_ =	shalt  }
0x76: {  	_ =	shalt  }
0x77: {  	_ =	shalt  }
0x78: {  	_ =	shalt  }
0x79: {  	_ =	shalt  }
0x7a: {  	_ =	shalt  }
0x7b: {  	_ =	shalt  }
0x7c: {  	_ =	shalt  }
0x7d: {  	_ =	shalt  }
0x7e: {  	_ =	shalt  }
0x7f: {  	_ =	shalt  }
0x80: {  	_ =	shalt  }
0x81: {  	_ =	shalt  }
0x82: {  	_ =	shalt  }
0x83: {  	_ =	shalt  }
0x84: {  	_ =	shalt  }
0x85: {  	_ =	shalt  }
0x86: {  	_ =	shalt  }
0x87: {  	_ =	shalt  }
.Lfunc_end0:
.L_simem_size_0:
called_computation_lowered:
.L_overlay_start_0:
0x88: {  	s2 =	sld [smem:$0x3FD9]  }
0x89: {  	s3 =	sld [smem:$0x3FFE];
	_ =	sdelay $0x1  }
0x8a: {  	s1 =	srdreg.scid  }
0x8b: {  	s0 =	sand.u32 $0x1, s1  }
0x8c: {  	s17 =	sshll.u32 s0, $0xA;
	s2 =	sadd.s32 s3, s2  }
0x8d: {  	s2 =	sadd.s32 s2, s17  }
0x8e: {  	[smem:$0x3FC1] =	sst s2  }
0x8f: {  	_ = 	snop  }
0x90: {  	s2 =	sld [smem:$0x3FC9]  }
0x91: {  	s18 =	sld [smem:$0x3FC7]  }
0x92: {  	s4 =	sld [smem:$0x3FD0];
	(tm) =	ssettm $0x1  }
0x93: {  	s5 =	sld [smem:$0x3FFB];
	_ =	sdelay $0x3  }
0x94: {  	_ =	strace s5  }
0x95: {  	s5 =	sld [smem:$0x3FFC];
	_ =	sdelay $0x3  }
0x96: {  	_ =	strace s5  }
0x97: {  	s5 =	sld [smem:$0x3FFD];
	_ =	sdelay $0x3  }
0x98: {  	_ =	strace s5  }
0x99: {  	_ =	strace $0x8FFFFFFF  }
0x9a: {  	s19 =	sld [smem:$0x3FDB];
	_ =	sdelay $0x1  }
0x9b: {  	s6 =	simm.s32 $_scs_section_size  }
0x9c: {  	s7 =	simm.s32 $_size__tile_overlayer_lowered;
	s8 =	simm.s32 $_tile_overlayer_lowered  }
0x9d: {  	s22 =	simm.s32 $0x1BFF;
	s21 =	sshll.u32 s8, $0x1;
	s5 =	sadd.s32 s6, s19  }
0x9e: {  	s9 =	simm.s32 $0x0;
	s20 =	sshll.u32 s7, $0x1;
	s7 =	sadd.s32 s21, s5  }
0x9f: {  	[timem:s9], [sflag:s22] =	dma.local [hbm:s7], s20  }
0xa0: {  	_ =	swait.ge [sflag:s22], s20  }
0xa1: {  	s6 =	ssub.s32 $0x0, s20;
	[sflag:s22] =	ssyncset.done $0x0  }
0xa2: {  	[sflag:s22] =	ssyncadd.s32 s6;
	_ =	sdelay $0x1  }
0xa3: {  	s23 =	simm.s32 $0x1B8B  }
0xa4: {  	_ =	swait.ge [sflag:s23], $0x1  }
0xa5: {  	[sflag:s23] =	ssyncset.done $0x0  }
0xa6: {  	s25 =	simm.s32 $0x1B8E;
	s24 =	sld [smem:$0x3FFE];
	[sflag:s23] =	ssyncadd.s32 $0xFFFFFFFF  }
0xa7: {  	s26 =	simm.s32 $execute0_lowered;
	[smem:$0x3FD2] =	sst s25  }
0xa8: {  	s7 =	sshll.u32 s26, $0x1;
	_ =	strace $0x80000046;
	[dreg:$0x1] =	wrdreg $0xFFFFFFFF  }
0xa9: {  	s28 =	simm.s32 $_size_execute0_lowered;
	s5 =	sadd.s32 s5, s7;
	[dreg:$0x0] =	wrdreg $0x0  }
0xaa: {  	s7 =	sshll.u32 s28, $0x1;
	[dreg:$0x2] =	wrdreg s5  }
0xab: {  	[dreg:$0x3] =	wrdreg s7  }
0xac: {  	[dreg:$0x4] =	wrdreg $0xC0  }
0xad: {  	_ =	task [dreg:s9], $0x5FFFF  }
0xae: {  	[dreg:$0x1] =	wrdreg $0xFFFFFFFF  }
0xaf: {  	[dreg:$0x0] =	wrdreg $0x60  }
0xb0: {  	[dreg:$0x2] =	wrdreg s2  }
0xb1: {  	[dreg:$0x3] =	wrdreg s24  }
0xb2: {  	[dreg:$0x4] =	wrdreg s4  }
0xb3: {  	[dreg:$0x5] =	wrdreg s18  }
0xb4: {  	[dreg:$0x6] =	wrdreg $0xA0000  }
0xb5: {  	[dreg:$0x7] =	wrdreg $0x9  }
0xb6: {  	_ =	task.clear_ibuf [dreg:s9], $0x8FFFF;
	_ =	strace $0x90000046  }
0xb7: {  	s29 =	simm.s32 $0x9;
	_ =	strace $0x80000048  }
0xb8: {  	_ =	swait.ge [sflag:s29], $0x1  }
0xb9: {  	[sflag:s29] =	ssyncadd.s32 $0xFFFFFFFF  }
0xba: {  	_ =	strace $0x90000048  }
0xbb: {  	_ =	sfence  }
0xbc: {  	s30 =	sld [smem:$0x0];
	_ =	sdelay $0x2  }
0xbd: {  	s31 =	sshll.u32 s1, $0xD;
	s1 =	sshrl.u32 s1, $0x2  }
0xbe: {  	s3 =	sand.u32 $0x4000, s31;
	s1 =	sadd.s32 s1, s30  }
0xbf: {  	s0 =	sor.u32 s3, s0;
	s1 =	sshll.u32 s1, $0x11  }
0xc0: {  	s0 =	sor.u32 s1, s0  }
0xc1: {  	s0 =	sadd.s32 $0x8F2B, s0  }
0xc2: {  	[sflag:s0] =	ssyncadd.remote.s32 $0x1  }
0xc3: {  	_ =	sfence.sel $0xFFFF  }
0xc4: {  	[dreg:$0x0] =	wrdreg $0xFFFFFFFF;
	(pc) =	sbr.abs _section_cstart, $3  }
0xc5: {  	[dreg:$0x1] =	wrdreg $0xFFFFFFFF  }
0xc6: {  	_ =	task.clear_ibuf [dreg:s9], $0x2FFFF;
	_ =	strace $0x9FFFFFFF  }
0xc7: {  	(tm) =	ssettm $0x7FFFFFFF  }
tec
execute0_lowered:
.L_overlay_start_1:
0x0: {  	(tag) =	ssettag $0x1  }
0x1: {  	s1 =	rddreg [dreg:$0x0]  }
0x2: {  	s0 =	rddreg [dreg:$0x1]  }
0x3: {  	s2 =	rddreg [dreg:$0x2]  }
0x4: {  	s3 =	rddreg [dreg:$0x3];
	s5 =	srdreg.scid  }
0x5: {  	s4 =	rddreg [dreg:$0x4];
	s19 =	stileid.u32;
	s7 =	sand.u32 $0x1, s5  }
0x6: {  	s5 =	simm.s32 $0x0;
	s9 =	smul.u32 $0x14000, s19;
	s10 =	sadd.s32 $0xD400, s0  }
0x7: {  	s24 =	smul.u32 $0x50000, s19;
	s28 =	sshll.u32 s19, $0x6;
	s6 =	sshll.u32 s7, $0x4  }
0x8: {  	s8 =	smul.u32 $0x140000, s7;
	[smem:$0x7FF] =	sst s5;
	s7 =	ssub.s32 $0x2, s7  }
0x9: {  	s6 =	sor.u32 s19, s6;
	s12 =	sshrl.u32 s7, $0x1;
	s13 =	sor.u32 $0x2800, s9  }
0xa: {  	s14 =	sadd.s32 $0x7800, s9;
	s26 =	sshrl.u32 s24, $0x2;
	s6 =	smul.u32 $0x2710, s6  }
0xb: {  	s11 =	sadd.s32 s9, s8;
	s7 =	ssub.s32 s7, s12;
	s16 =	sadd.s32 s8, s13  }
0xc: {  	s12 =	sadd.s32 $0x5000, s9;
	s15 =	sadd.s32 s8, s14;
	s11 =	sshrl.u32 s11, $0x3  }
0xd: {  	s17 =	sadd.s32 s8, s12;
	s15 =	sshrl.u32 s15, $0x3;
	s29 =	smax.u32 s7, $0x1  }
0xe: {  	s7 =	simm.s32 $0x5000;
	s11 =	sadd.s32 s10, s11;
	s18 =	sadd.s32 s10, s15  }
0xf: {  	s15 =	sadd.s32 $0xC800, s9;
	s23 =	sshrl.u32 s6, $0x3;
	[dreg:$0x6] =	wrdreg s11  }
0x10: {  	s11 =	sshrl.u32 s16, $0x3;
	[dreg:$0x9] =	wrdreg s18;
	s18 =	sadd.s32 $0xF000, s9  }
0x11: {  	s21 =	sadd.s32 s8, s15;
	s25 =	sadd.s32 s23, s0;
	s11 =	sadd.s32 s10, s11  }
0x12: {  	s16 =	sadd.s32 s8, s18;
	[dreg:$0x7] =	wrdreg s11;
	s11 =	sshrl.u32 s17, $0x3  }
0x13: {  	s17 =	sadd.s32 $0xA000, s9;
	s16 =	sshrl.u32 s16, $0x3;
	s9 =	sadd.s32 $0x11800, s9  }
0x14: {  	s11 =	sadd.s32 s10, s11;
	s20 =	sadd.s32 s8, s17;
	s22 =	sadd.s32 s10, s16  }
0x15: {  	s8 =	sadd.s32 s8, s9;
	[dreg:$0x8] =	wrdreg s11;
	s11 =	sshrl.u32 s20, $0x3  }
0x16: {  	[dreg:$0xc] =	wrdreg s22;
	s8 =	sshrl.u32 s8, $0x3;
	s11 =	sadd.s32 s10, s11  }
0x17: {  	s8 =	sadd.s32 s10, s8;
	[dreg:$0xa] =	wrdreg s11;
	s11 =	sshrl.u32 s21, $0x3  }
0x18: {  	s0 =	sadd.s32 $0xAC00, s0;
	[dreg:$0xd] =	wrdreg s8;
	s11 =	sadd.s32 s10, s11  }
0x19: {  	s19 =	sadd.s32 $0xE00, s25;
	s25 =	sadd.s32 s15, s4;
	[dreg:$0xb] =	wrdreg s11  }
0x1a: {  	s10 =	sor.u32 $0x1C07, s28;
	_ =	strace $0x80000047;
	[dreg:$0xe] =	wrdreg s0  }
0x1b: {  	s15 =	simm.s32 $0x6;
	s16 =	sadd.s32 s26, s4;
	[dreg:$0xf] =	wrdreg s10  }
0x1c: {  	s24 =	sadd.s32 s17, s4;
	s20 =	sadd.s32 s3, s23;
	[dreg:$0x10] =	wrdreg s19  }
0x1d: {  	s26 =	sadd.s32 s18, s4;
	s21 =	sadd.s32 s13, s4;
	[dreg:$0x11] =	wrdreg s20  }
0x1e: {  	s17 =	simm.s32 $0x4;
	s22 =	sadd.s32 s12, s4;
	[dreg:$0x12] =	wrdreg s21  }
0x1f: {  	s18 =	simm.s32 $0x0;
	s3 =	simm.s32 $0x50;
	[dreg:$0x13] =	wrdreg s22  }
0x20: {  	s12 =	simm.s32 $0x5;
	s8 =	simm.s32 $0x4F00;
	[dreg:$0x15] =	wrdreg s24  }
0x21: {  	s13 =	simm.s32 $0x2;
	s28 =	sadd.s32 s9, s4;
	[dreg:$0x16] =	wrdreg s25  }
0x22: {  	s9 =	simm.s32 $0x1;
	s11 =	simm.s32 $0x7800;
	[dreg:$0x17] =	wrdreg s26  }
0x23: {  	s20 =	sadd.s32 s2, s23;
	s23 =	sadd.s32 s14, s4;
	[dreg:$0x18] =	wrdreg s28  }
0x24: {  	s0 =	simm.s32 $0x7;
	s10 =	simm.s32 $0x4F80;
	s14 =	simm.s32 $0x3  }
0x25: {  	[dreg:$0x14] =	wrdreg s23;
	s30 =	sadd.s32 $0xA, s20;
	s31 =	sadd.s32 $0x14, s20  }
.LBB2_1:
0x26: {  	s21 =	rddreg [dreg:$0xe]  }
0x27: {  	s19 =	sshrl.u32 s16, $0x3;
	s22 =	rddreg [dreg:$0xf]  }
0x28: {  	[spmem:s19], [sflag:s22] =	dma.local [hbm:s21], $0x2800  }
0x29: {  	_ =	swait.ge [sflag:s0], $0x2800  }
0x2a: {  	[sflag:s0] =	ssyncset.done $0x0  }
0x2b: {  	s24 =	rddreg [dreg:$0x10];
	[sflag:s0] =	ssyncadd.s32 $0xFFFFD800  }
0x2c: {  	[tilespmem:s5], [sflag:$0x7] =	stream.linear.gather [hbm4b:s24+s5], $0x2710, $0x38;
	[tilespmem:$0x1E000] =	vst v63  }
0x2d: {  	_ =	swait.ge [sflag:s0], $0x2710  }
0x2e: {  	[sflag:s0] =	ssyncset.done $0x0  }
0x2f: {  	s26 =	simm.s32 $0x2780;
	s25 =	rddreg [dreg:$0x11];
	[sflag:s0] =	ssyncadd.s32 $0xFFFFD8F0  }
0x30: {  	[tilespmem:s26], [sflag:$0x7] =	stream.linear.gather [hbm4b:s25+s5], $0x2710, $0x38;
	[tilespmem:$0x1E000] =	vst v63  }
0x31: {  	_ =	swait.ge [sflag:s0], $0x2710  }
0x32: {  	[sflag:s0] =	ssyncset.done $0x0  }
0x33: {  	[sflag:s0] =	ssyncadd.s32 $0xFFFFD8F0  }
0x34: {  	[bflag:$0x0] =	sbarrier.arrive $0xFFFF  }
0x35: {  	[tilespmem:s7], [sflag:$0x1] =	stream.indirect.gather [hbm4b:s1+s3], $0x80, s5, s3, $0xb8;
	[tilespmem:$0x1E000] =	vst v63  }
0x36: {  	_ = 	snop  }
0x37: {  	[tilespmem:s8], [sflag:$0x5] =	stream.linear.gather [hbm4b:s20+s5], $0x50, $0x38;
	[tilespmem:$0x1E000] =	vst v63  }
0x38: {  	_ =	swait.ge [sflag:s9], $0x2800  }
0x39: {  	[sflag:s9] =	ssyncset.done $0x0  }
0x3a: {  	[sflag:s9] =	ssyncadd.s32 $0xFFFFD800  }
0x3b: {  	[tilespmem:s10], [sflag:$0x6] =	stream.linear.gather [hbm4b:s30+s5], $0x50, $0x38;
	[tilespmem:$0x1E000] =	vst v63  }
0x3c: {  	s28 =	simm.s32 $0x2784  }
0x3d: {  	[tilespmem:s11], [sflag:$0x2] =	stream.indirect.gather [hbm4b:s1+s3], $0x80, s3, s3, $0xb8;
	[tilespmem:$0x1E000] =	vst v63  }
0x3e: {  	s19 =	simm.s32 $0x5200;
	v0 =	vld.msk [tilespmem:s28+$0x3 ss:$0x0], $0xffff  }
0x3f: {  	v1 =	vld [tilespmem:s19+$0x1F0]  }
0x40: {  	v2 =	vld.msk [tilespmem:s28+$0xFFFFFFFC ss:$0x0], $0xffff  }
0x41: {  	v3 =	vld [tilespmem:s19+$0xFFFFFE00]  }
0x42: {  	v4 =	vld [tilespmem:s19+$0xFFFFFE10]  }
0x43: {  	v5 =	vld [tilespmem:s19+$0xFFFFFE20]  }
0x44: {  	v6 =	vld [tilespmem:s19+$0xFFFFFE30]  }
0x45: {  	v7 =	vld [tilespmem:s19+$0xFFFFFE40]  }
0x46: {  	v8 =	vld [tilespmem:s19+$0xFFFFFE50]  }
0x47: {  	v9 =	vld [tilespmem:s19+$0xFFFFFE60]  }
0x48: {  	v10 =	vld.msk [tilespmem:s28+$0xFFFFFFFD ss:$0x0], $0xffff  }
0x49: {  	v11 =	vld [tilespmem:s19+$0xFFFFFE80]  }
0x4a: {  	v12 =	vld [tilespmem:s19+$0xFFFFFE90]  }
0x4b: {  	v14 =	vld [tilespmem:s19+$0xFFFFFEB0];
	v3 =	vmul.f32 v2, v3  }
0x4c: {  	v15 =	vld [tilespmem:s19+$0xFFFFFEC0];
	v1 =	vmul.f32 v1, v0  }
0x4d: {  	v13 =	vld [tilespmem:s19+$0xFFFFFEA0];
	v4 =	vmul.f32 v4, v2;
	[tilespmem:s19+$0xFFFFFE00] =	vst v3  }
0x4e: {  	v47 =	vld [tilespmem:s19+$0xFFFFFED0];
	v5 =	vmul.f32 v5, v2;
	[tilespmem:s19+$0x1F0] =	vst v1  }
0x4f: {  	v48 =	vld [tilespmem:s19+$0xFFFFFF10];
	v6 =	vmul.f32 v6, v2;
	[tilespmem:s19+$0xFFFFFE10] =	vst v4  }
0x50: {  	v49 =	vld [tilespmem:s19+$0xFFFFFF40];
	v50 =	vmul.f32 v14, v10;
	[tilespmem:s19+$0xFFFFFE20] =	vst v5  }
0x51: {  	v52 =	vld [tilespmem:s19+$0xFFFFFF70];
	v51 =	vmul.f32 v15, v10;
	[tilespmem:s19+$0xFFFFFE30] =	vst v6  }
0x52: {  	v3 =	vld [tilespmem:s19+$0xFFFFFE70];
	v1 =	vmul.f32 v10, v11;
	[tilespmem:s19+$0xFFFFFEB0] =	vst v50  }
0x53: {  	v4 =	vld [tilespmem:s19+$0xFFFFFEE0];
	v5 =	vmul.f32 v7, v2;
	[tilespmem:s19+$0xFFFFFEC0] =	vst v51  }
0x54: {  	v7 =	vld [tilespmem:s19+$0xFFFFFEF0];
	v6 =	vmul.f32 v8, v2;
	[tilespmem:s19+$0xFFFFFE80] =	vst v1  }
0x55: {  	v8 =	vld [tilespmem:s19+$0xFFFFFF00];
	[tilespmem:s19+$0xFFFFFE40] =	vst v5;
	v5 =	vmul.f32 v9, v2  }
0x56: {  	v11 =	vmul.f32 v47, v10;
	v1 =	vld.msk [tilespmem:s28+$0xFFFFFFFE ss:$0x0], $0xffff;
	[tilespmem:s19+$0xFFFFFE50] =	vst v6  }
0x57: {  	v53 =	vld [tilespmem:s19+$0xFFFFFF80];
	[tilespmem:s19+$0xFFFFFE60] =	vst v5;
	v5 =	vmul.f32 v12, v10  }
0x58: {  	v54 =	vld [tilespmem:s19+$0xFFFFFF90];
	[tilespmem:s19+$0xFFFFFED0] =	vst v11;
	v2 =	vmul.f32 v3, v2  }
0x59: {  	v55 =	vld [tilespmem:s19+$0xFFFFFFA0];
	v4 =	vmul.f32 v4, v10;
	[tilespmem:s19+$0xFFFFFE90] =	vst v5  }
0x5a: {  	v6 =	vld [tilespmem:s19+$0xFFFFFF30];
	v7 =	vmul.f32 v7, v10;
	[tilespmem:s19+$0xFFFFFE70] =	vst v2  }
0x5b: {  	v3 =	vld [tilespmem:s19+$0xFFFFFF20];
	v5 =	vmul.f32 v1, v8;
	[tilespmem:s19+$0xFFFFFEE0] =	vst v4  }
0x5c: {  	v2 =	vmul.f32 v13, v10;
	v8 =	vld [tilespmem:s19+$0xFFFFFF50];
	[tilespmem:s19+$0xFFFFFEF0] =	vst v7  }
0x5d: {  	v4 =	vmul.f32 v48, v1;
	[tilespmem:s19+$0xFFFFFF00] =	vst v5;
	v5 =	vld.msk [tilespmem:s28+$0xFFFFFFFF ss:$0x0], $0xffff  }
0x5e: {  	v12 =	vmul.f32 v49, v1;
	[tilespmem:s19+$0xFFFFFEA0] =	vst v2;
	v2 =	vld [tilespmem:s19+$0xFFFFFF60]  }
0x5f: {  	v56 =	vld [tilespmem:s19+$0xFFFFFFD0];
	[tilespmem:s19+$0xFFFFFF10] =	vst v4;
	v4 =	vmul.f32 v6, v1  }
0x60: {  	v57 =	vld.msk [tilespmem:s28+$0x0 ss:$0x0], $0xffff;
	[tilespmem:s19+$0xFFFFFF40] =	vst v12;
	v3 =	vmul.f32 v3, v1  }
0x61: {  	v58 =	vld [tilespmem:s19+$0x10];
	[tilespmem:s19+$0xFFFFFF30] =	vst v4;
	v8 =	vmul.f32 v8, v1  }
0x62: {  	v59 =	vld [tilespmem:s19+$0x20];
	[tilespmem:s19+$0xFFFFFF20] =	vst v3;
	v3 =	vmul.f32 v5, v53  }
0x63: {  	v4 =	vld [tilespmem:s19+$0xFFFFFFE0];
	v2 =	vmul.f32 v2, v1;
	[tilespmem:s19+$0xFFFFFF50] =	vst v8  }
0x64: {  	v7 =	vld [tilespmem:s19+$0xFFFFFFB0];
	v1 =	vmul.f32 v52, v1;
	[tilespmem:s19+$0xFFFFFF80] =	vst v3  }
0x65: {  	v6 =	vld [tilespmem:s19+$0xFFFFFFC0];
	v11 =	vmul.f32 v56, v5;
	[tilespmem:s19+$0xFFFFFF60] =	vst v2  }
0x66: {  	v8 =	vld [tilespmem:s19+$0x0];
	v2 =	vmul.f32 v54, v5;
	[tilespmem:s19+$0xFFFFFF70] =	vst v1  }
0x67: {  	v60 =	vld.msk [tilespmem:s28+$0x1 ss:$0x0], $0xffff;
	v1 =	vmul.f32 v55, v5;
	[tilespmem:s19+$0xFFFFFFD0] =	vst v11  }
0x68: {  	v3 =	vld [tilespmem:s19+$0xFFFFFFF0];
	v4 =	vmul.f32 v4, v5;
	[tilespmem:s19+$0xFFFFFF90] =	vst v2  }
0x69: {  	v2 =	vmul.f32 v7, v5;
	v7 =	vld [tilespmem:s19+$0x30];
	[tilespmem:s19+$0xFFFFFFA0] =	vst v1  }
0x6a: {  	v61 =	vld [tilespmem:s19+$0x90];
	v1 =	vmul.f32 v6, v5;
	[tilespmem:s19+$0xFFFFFFE0] =	vst v4  }
0x6b: {  	[tilespmem:s19+$0xFFFFFFB0] =	vst v2;
	v2 =	vmul.f32 v57, v8;
	v8 =	vld [tilespmem:s19+$0x50]  }
0x6c: {  	v4 =	vmul.f32 v58, v57;
	[tilespmem:s19+$0xFFFFFFC0] =	vst v1;
	v1 =	vld [tilespmem:s19+$0x60]  }
0x6d: {  	v6 =	vld [tilespmem:s19+$0x40];
	[tilespmem:s19+$0x0] =	vst v2;
	v2 =	vmul.f32 v3, v5  }
0x6e: {  	[tilespmem:s19+$0x10] =	vst v4;
	v3 =	vld [tilespmem:s19+$0x70];
	v4 =	vmul.f32 v7, v57  }
0x6f: {  	v5 =	vld [tilespmem:s19+$0x80];
	[tilespmem:s19+$0xFFFFFFF0] =	vst v2;
	v2 =	vmul.f32 v59, v57  }
0x70: {  	v62 =	vld.msk [tilespmem:s28+$0x2 ss:$0x0], $0xffff;
	[tilespmem:s19+$0x30] =	vst v4;
	v4 =	vmul.f32 v8, v57  }
0x71: {  	v7 =	vld [tilespmem:s19+$0xA0];
	v1 =	vmul.f32 v1, v57;
	[tilespmem:s19+$0x20] =	vst v2  }
0x72: {  	v2 =	vmul.f32 v6, v57;
	v6 =	vld [tilespmem:s19+$0xB0];
	[tilespmem:s19+$0x50] =	vst v4  }
0x73: {  	v8 =	vld [tilespmem:s19+$0xC0];
	v3 =	vmul.f32 v3, v57;
	[tilespmem:s19+$0x60] =	vst v1  }
0x74: {  	v1 =	vmul.f32 v61, v60;
	[tilespmem:s19+$0x40] =	vst v2;
	v2 =	vmul.f32 v60, v5;
	v5 =	vld [tilespmem:s19+$0xD0]  }
0x75: {  	v4 =	vld [tilespmem:s19+$0xE0];
	[tilespmem:s19+$0x70] =	vst v3  }
0x76: {  	v3 =	vmul.f32 v7, v60;
	v7 =	vld [tilespmem:s19+$0x100];
	[tilespmem:s19+$0x90] =	vst v1  }
0x77: {  	[tilespmem:s19+$0x80] =	vst v2;
	v2 =	vld [tilespmem:s19+$0xF0];
	v1 =	vmul.f32 v6, v60  }
0x78: {  	v6 =	vld [tilespmem:s19+$0x110];
	[tilespmem:s19+$0xA0] =	vst v3;
	v3 =	vmul.f32 v8, v60  }
0x79: {  	v8 =	vld [tilespmem:s19+$0x120];
	[tilespmem:s19+$0xB0] =	vst v1;
	v1 =	vmul.f32 v5, v60  }
0x7a: {  	v5 =	vld [tilespmem:s19+$0x130];
	[tilespmem:s19+$0xC0] =	vst v3;
	v3 =	vmul.f32 v4, v60  }
0x7b: {  	v4 =	vld [tilespmem:s19+$0x140];
	[tilespmem:s19+$0xD0] =	vst v1;
	v1 =	vmul.f32 v62, v7  }
0x7c: {  	v7 =	vld [tilespmem:s19+$0x150];
	v2 =	vmul.f32 v2, v60;
	[tilespmem:s19+$0xE0] =	vst v3  }
0x7d: {  	v63 =	vld [tilespmem:s19+$0x160];
	v3 =	vmul.f32 v6, v62;
	[tilespmem:s19+$0x100] =	vst v1  }
0x7e: {  	v6 =	vld [tilespmem:s19+$0x170];
	[tilespmem:s19+$0xF0] =	vst v2;
	v1 =	vmul.f32 v8, v62  }
0x7f: {  	[tilespmem:s19+$0x110] =	vst v3;
	v2 =	vmul.f32 v5, v62;
	v5 =	vld [tilespmem:s19+$0x180]  }
0x80: {  	v8 =	vld [tilespmem:s19+$0x190];
	[tilespmem:s19+$0x120] =	vst v1;
	v1 =	vmul.f32 v4, v62  }
0x81: {  	v3 =	vld [tilespmem:s19+$0x1A0];
	[tilespmem:s19+$0x130] =	vst v2;
	v4 =	vmul.f32 v7, v62  }
0x82: {  	v7 =	vmul.f32 v63, v62;
	v2 =	vld [tilespmem:s19+$0x1B0];
	[tilespmem:s19+$0x140] =	vst v1  }
0x83: {  	v6 =	vmul.f32 v6, v62;
	v1 =	vld [tilespmem:s19+$0x1C0];
	[tilespmem:s19+$0x150] =	vst v4  }
0x84: {  	[tilespmem:s19+$0x160] =	vst v7;
	v4 =	vld [tilespmem:s19+$0x1D0];
	v7 =	vmul.f32 v0, v5  }
0x85: {  	s23 =	simm.s32 $0x5200;
	s21 =	simm.s32 $0x0;
	s22 =	simm.s32 $0x278C;
	[tilespmem:s19+$0x170] =	vst v6;
	v6 =	vmul.f32 v8, v0;
	v5 =	vld [tilespmem:s19+$0x1E0]  }
.LBB2_2:
0x86: {  	v8 =	vld.msk [tilespmem:s22+$0x3 ss:$0x0], $0xffff;
	s21 =	sadd.s32 $0x8, s21;
	[tilespmem:s19+$0x180] =	vst v7;
	v3 =	vmul.f32 v3, v0;
	s23 =	sadd.s32 $0x400, s23  }
0x87: {  	v7 =	vld [tilespmem:s23+$0x1F0];
	p0 =	slt.u32 s21, $0x48;
	[tilespmem:s19+$0x190] =	vst v6;
	v2 =	vmul.f32 v2, v0  }
0x88: {  	v6 =	vld.msk [tilespmem:s22+$0xFFFFFFFD ss:$0x0], $0xffff;
	[tilespmem:s19+$0x1A0] =	vst v3;
	v1 =	vmul.f32 v1, v0  }
0x89: {  	v9 =	vld.msk [tilespmem:s22+$0xFFFFFFFE ss:$0x0], $0xffff;
	[tilespmem:s19+$0x1B0] =	vst v2;
	v2 =	vmul.f32 v4, v0  }
0x8a: {  	v4 =	vld.msk [tilespmem:s22+$0xFFFFFFFF ss:$0x0], $0xffff;
	[tilespmem:s19+$0x1C0] =	vst v1;
	v1 =	vmul.f32 v5, v0  }
0x8b: {  	v3 =	vld.msk [tilespmem:s22+$0x0 ss:$0x0], $0xffff;
	[tilespmem:s19+$0x1D0] =	vst v2  }
0x8c: {  	v0 =	vmov v8;
	v2 =	vld.msk [tilespmem:s22+$0x1 ss:$0x0], $0xffff;
	v5 =	vmul.f32 v7, v8;
	[tilespmem:s19+$0x1E0] =	vst v1;
	s19 =	smov.u32 s23  }
0x8d: {  	v1 =	vld.msk [tilespmem:s22+$0x2 ss:$0x0], $0xffff  }
0x8e: {  	v7 =	vld.msk [tilespmem:s22+$0xFFFFFFFC ss:$0x0], $0xffff;
	[tilespmem:s23+$0x1F0] =	vst v5  }
0x8f: {  	v5 =	vld [tilespmem:s23+$0xFFFFFE00]  }
0x90: {  	v8 =	vld [tilespmem:s23+$0xFFFFFE10]  }
0x91: {  	v10 =	vld [tilespmem:s23+$0xFFFFFE20]  }
0x92: {  	v11 =	vld [tilespmem:s23+$0xFFFFFE30]  }
0x93: {  	v12 =	vld [tilespmem:s23+$0xFFFFFE40]  }
0x94: {  	v5 =	vmul.f32 v7, v5;
	v13 =	vld [tilespmem:s23+$0xFFFFFE50]  }
0x95: {  	v8 =	vmul.f32 v8, v7;
	v14 =	vld [tilespmem:s23+$0xFFFFFE60]  }
0x96: {  	[tilespmem:s23+$0xFFFFFE00] =	vst v5;
	v5 =	vmul.f32 v10, v7;
	v10 =	vld [tilespmem:s23+$0xFFFFFE70]  }
0x97: {  	[tilespmem:s23+$0xFFFFFE10] =	vst v8;
	v8 =	vmul.f32 v11, v7;
	v11 =	vld [tilespmem:s23+$0xFFFFFE80]  }
0x98: {  	[tilespmem:s23+$0xFFFFFE20] =	vst v5;
	v5 =	vmul.f32 v12, v7;
	v12 =	vld [tilespmem:s23+$0xFFFFFE90]  }
0x99: {  	[tilespmem:s23+$0xFFFFFE30] =	vst v8;
	v8 =	vmul.f32 v13, v7;
	v13 =	vld [tilespmem:s23+$0xFFFFFEA0]  }
0x9a: {  	[tilespmem:s23+$0xFFFFFE40] =	vst v5;
	v5 =	vmul.f32 v14, v7;
	v14 =	vld [tilespmem:s23+$0xFFFFFEB0]  }
0x9b: {  	[tilespmem:s23+$0xFFFFFE50] =	vst v8;
	v7 =	vmul.f32 v10, v7;
	v8 =	vld [tilespmem:s23+$0xFFFFFEC0]  }
0x9c: {  	[tilespmem:s23+$0xFFFFFE60] =	vst v5;
	v5 =	vmul.f32 v6, v11;
	v10 =	vld [tilespmem:s23+$0xFFFFFED0]  }
0x9d: {  	[tilespmem:s23+$0xFFFFFE70] =	vst v7;
	v7 =	vmul.f32 v12, v6;
	v11 =	vld [tilespmem:s23+$0xFFFFFEE0]  }
0x9e: {  	[tilespmem:s23+$0xFFFFFE80] =	vst v5;
	v5 =	vmul.f32 v13, v6;
	v12 =	vld [tilespmem:s23+$0xFFFFFEF0]  }
0x9f: {  	[tilespmem:s23+$0xFFFFFE90] =	vst v7;
	v7 =	vmul.f32 v14, v6;
	v13 =	vld [tilespmem:s23+$0xFFFFFF00]  }
0xa0: {  	[tilespmem:s23+$0xFFFFFEA0] =	vst v5;
	v5 =	vmul.f32 v8, v6;
	v8 =	vld [tilespmem:s23+$0xFFFFFF10]  }
0xa1: {  	[tilespmem:s23+$0xFFFFFEB0] =	vst v7;
	v7 =	vmul.f32 v10, v6;
	v10 =	vld [tilespmem:s23+$0xFFFFFF20]  }
0xa2: {  	[tilespmem:s23+$0xFFFFFEC0] =	vst v5;
	v5 =	vmul.f32 v11, v6;
	v11 =	vld [tilespmem:s23+$0xFFFFFF30]  }
0xa3: {  	[tilespmem:s23+$0xFFFFFED0] =	vst v7;
	v6 =	vmul.f32 v12, v6;
	v7 =	vld [tilespmem:s23+$0xFFFFFF40]  }
0xa4: {  	[tilespmem:s23+$0xFFFFFEE0] =	vst v5;
	v5 =	vmul.f32 v9, v13;
	v12 =	vld [tilespmem:s23+$0xFFFFFF50]  }
0xa5: {  	[tilespmem:s23+$0xFFFFFEF0] =	vst v6;
	v6 =	vmul.f32 v8, v9;
	v8 =	vld [tilespmem:s23+$0xFFFFFF60]  }
0xa6: {  	[tilespmem:s23+$0xFFFFFF00] =	vst v5;
	v5 =	vmul.f32 v10, v9;
	v10 =	vld [tilespmem:s23+$0xFFFFFF70]  }
0xa7: {  	[tilespmem:s23+$0xFFFFFF10] =	vst v6;
	v6 =	vmul.f32 v11, v9;
	v11 =	vld [tilespmem:s23+$0xFFFFFF80]  }
0xa8: {  	[tilespmem:s23+$0xFFFFFF20] =	vst v5;
	v5 =	vmul.f32 v7, v9;
	v7 =	vld [tilespmem:s23+$0xFFFFFF90]  }
0xa9: {  	[tilespmem:s23+$0xFFFFFF30] =	vst v6;
	v6 =	vmul.f32 v12, v9;
	v12 =	vld [tilespmem:s23+$0xFFFFFFA0]  }
0xaa: {  	[tilespmem:s23+$0xFFFFFF40] =	vst v5;
	v5 =	vmul.f32 v8, v9;
	v8 =	vld [tilespmem:s23+$0xFFFFFFB0]  }
0xab: {  	[tilespmem:s23+$0xFFFFFF50] =	vst v6;
	v6 =	vmul.f32 v10, v9;
	v9 =	vld [tilespmem:s23+$0xFFFFFFC0]  }
0xac: {  	[tilespmem:s23+$0xFFFFFF60] =	vst v5;
	v5 =	vmul.f32 v4, v11;
	v10 =	vld [tilespmem:s23+$0xFFFFFFD0]  }
0xad: {  	[tilespmem:s23+$0xFFFFFF70] =	vst v6;
	v6 =	vmul.f32 v7, v4;
	v7 =	vld [tilespmem:s23+$0xFFFFFFE0]  }
0xae: {  	[tilespmem:s23+$0xFFFFFF80] =	vst v5;
	v5 =	vmul.f32 v12, v4;
	v11 =	vld [tilespmem:s23+$0xFFFFFFF0]  }
0xaf: {  	[tilespmem:s23+$0xFFFFFF90] =	vst v6;
	v6 =	vmul.f32 v8, v4;
	v8 =	vld [tilespmem:s23+$0x0]  }
0xb0: {  	[tilespmem:s23+$0xFFFFFFA0] =	vst v5;
	v5 =	vmul.f32 v9, v4;
	v9 =	vld [tilespmem:s23+$0x10]  }
0xb1: {  	[tilespmem:s23+$0xFFFFFFB0] =	vst v6;
	v6 =	vmul.f32 v10, v4;
	v10 =	vld [tilespmem:s23+$0x20]  }
0xb2: {  	[tilespmem:s23+$0xFFFFFFC0] =	vst v5;
	v5 =	vmul.f32 v7, v4;
	v7 =	vld [tilespmem:s23+$0x30]  }
0xb3: {  	[tilespmem:s23+$0xFFFFFFD0] =	vst v6;
	v4 =	vmul.f32 v11, v4;
	v6 =	vld [tilespmem:s23+$0x40]  }
0xb4: {  	[tilespmem:s23+$0xFFFFFFE0] =	vst v5;
	v5 =	vmul.f32 v3, v8;
	v8 =	vld [tilespmem:s23+$0x50]  }
0xb5: {  	[tilespmem:s23+$0xFFFFFFF0] =	vst v4;
	v4 =	vmul.f32 v9, v3;
	v9 =	vld [tilespmem:s23+$0x60]  }
0xb6: {  	[tilespmem:s23+$0x0] =	vst v5;
	v5 =	vmul.f32 v10, v3;
	v10 =	vld [tilespmem:s23+$0x70]  }
0xb7: {  	[tilespmem:s23+$0x10] =	vst v4;
	v4 =	vmul.f32 v7, v3;
	v7 =	vld [tilespmem:s23+$0x80]  }
0xb8: {  	[tilespmem:s23+$0x20] =	vst v5;
	v5 =	vmul.f32 v6, v3;
	v6 =	vld [tilespmem:s23+$0x90]  }
0xb9: {  	[tilespmem:s23+$0x30] =	vst v4;
	v4 =	vmul.f32 v8, v3;
	v8 =	vld [tilespmem:s23+$0xA0]  }
0xba: {  	[tilespmem:s23+$0x40] =	vst v5;
	v5 =	vmul.f32 v9, v3;
	v9 =	vld [tilespmem:s23+$0xB0]  }
0xbb: {  	[tilespmem:s23+$0x50] =	vst v4;
	v3 =	vmul.f32 v10, v3;
	v4 =	vld [tilespmem:s23+$0xC0]  }
0xbc: {  	[tilespmem:s23+$0x60] =	vst v5;
	v5 =	vmul.f32 v2, v7;
	v7 =	vld [tilespmem:s23+$0xD0]  }
0xbd: {  	[tilespmem:s23+$0x70] =	vst v3;
	v3 =	vmul.f32 v6, v2;
	v6 =	vld [tilespmem:s23+$0xE0]  }
0xbe: {  	[tilespmem:s23+$0x80] =	vst v5;
	v5 =	vmul.f32 v8, v2;
	v8 =	vld [tilespmem:s23+$0xF0]  }
0xbf: {  	[tilespmem:s23+$0x90] =	vst v3;
	v3 =	vmul.f32 v9, v2;
	v9 =	vld [tilespmem:s23+$0x100]  }
0xc0: {  	[tilespmem:s23+$0xA0] =	vst v5;
	v4 =	vmul.f32 v4, v2;
	v5 =	vld [tilespmem:s23+$0x110]  }
0xc1: {  	[tilespmem:s23+$0xB0] =	vst v3;
	v3 =	vmul.f32 v7, v2;
	v7 =	vld [tilespmem:s23+$0x120]  }
0xc2: {  	[tilespmem:s23+$0xC0] =	vst v4;
	v4 =	vmul.f32 v6, v2;
	v6 =	vld [tilespmem:s23+$0x130]  }
0xc3: {  	[tilespmem:s23+$0xD0] =	vst v3;
	v2 =	vmul.f32 v8, v2;
	v3 =	vld [tilespmem:s23+$0x140]  }
0xc4: {  	[tilespmem:s23+$0xE0] =	vst v4;
	v4 =	vmul.f32 v1, v9;
	v8 =	vld [tilespmem:s23+$0x150]  }
0xc5: {  	[tilespmem:s23+$0xF0] =	vst v2;
	v2 =	vmul.f32 v5, v1;
	v5 =	vld [tilespmem:s23+$0x160]  }
0xc6: {  	[tilespmem:s23+$0x100] =	vst v4;
	v4 =	vmul.f32 v7, v1;
	v7 =	vld [tilespmem:s23+$0x170]  }
0xc7: {  	[tilespmem:s23+$0x110] =	vst v2;
	v2 =	vmul.f32 v6, v1;
	v6 =	vld [tilespmem:s23+$0x180]  }
0xc8: {  	[tilespmem:s23+$0x120] =	vst v4;
	v4 =	vmul.f32 v3, v1;
	v9 =	vld [tilespmem:s23+$0x190]  }
.Ltmp0:
0xc9: {  	[tilespmem:s23+$0x130] =	vst v2;
	v8 =	vmul.f32 v8, v1;
	v3 =	vld [tilespmem:s23+$0x1A0];
	(pc) =	sbr.rel @p0 .LBB2_2-.Ltmp0, $4  }
0xca: {  	[tilespmem:s23+$0x140] =	vst v4;
	v4 =	vmul.f32 v5, v1;
	v2 =	vld [tilespmem:s23+$0x1B0]  }
0xcb: {  	[tilespmem:s23+$0x150] =	vst v8;
	v5 =	vmul.f32 v7, v1;
	v1 =	vld [tilespmem:s23+$0x1C0]  }
0xcc: {  	[tilespmem:s23+$0x160] =	vst v4;
	v7 =	vmul.f32 v0, v6;
	v4 =	vld [tilespmem:s23+$0x1D0]  }
0xcd: {  	s22 =	sadd.s32 $0x8, s22;
	[tilespmem:s23+$0x170] =	vst v5;
	v6 =	vmul.f32 v9, v0;
	v5 =	vld [tilespmem:s23+$0x1E0]  }
0xce: {  	[tilespmem:s19+$0x180] =	vst v7;
	v3 =	vmul.f32 v3, v0  }
0xcf: {  	[tilespmem:s19+$0x190] =	vst v6;
	v2 =	vmul.f32 v2, v0  }
0xd0: {  	[tilespmem:s19+$0x1A0] =	vst v3;
	v1 =	vmul.f32 v1, v0  }
0xd1: {  	[tilespmem:s19+$0x1B0] =	vst v2;
	v2 =	vmul.f32 v4, v0  }
0xd2: {  	[tilespmem:s19+$0x1C0] =	vst v1;
	v0 =	vmul.f32 v5, v0  }
0xd3: {  	[tilespmem:s19+$0x1D0] =	vst v2  }
0xd4: {  	[tilespmem:s19+$0x1E0] =	vst v0  }
0xd5: {  	_ =	swait.ge [sflag:s12], $0x50  }
0xd6: {  	[sflag:s12] =	ssyncset.done $0x0  }
0xd7: {  	[sflag:s12] =	ssyncadd.s32 $0xFFFFFFB0  }
0xd8: {  	[spmem:s4] =	stream.indirect.scatter.add.f32 [tilespmem:s7], [sflag:$0x3], $0x80, s8, s3, $0xb8;
	[tilespmem:$0x1E000] =	vst v63  }
0xd9: {  	_ =	swait.ge [sflag:s13], $0x2800  }
0xda: {  	[sflag:s13] =	ssyncset.done $0x0  }
0xdb: {  	[sflag:s13] =	ssyncadd.s32 $0xFFFFD800  }
0xdc: {  	_ =	swait.ge [sflag:s14], $0x2800  }
0xdd: {  	[sflag:s14] =	ssyncset.done $0x0  }
0xde: {  	[sflag:s14] =	ssyncadd.s32 $0xFFFFD800  }
0xdf: {  	[tilespmem:s8], [sflag:$0x5] =	stream.linear.gather [hbm4b:s31+s5], $0x50, $0x38;
	[tilespmem:$0x1E000] =	vst v63  }
0xe0: {  	s28 =	simm.s32 $0xA0;
	s21 =	simm.s32 $0x27D7  }
0xe1: {  	[tilespmem:s7], [sflag:$0x1] =	stream.indirect.gather [hbm4b:s1+s3], $0x80, s28, s3, $0xb8;
	[tilespmem:$0x1E000] =	vst v63  }
0xe2: {  	s19 =	simm.s32 $0x7A00;
	v0 =	vld.msk [tilespmem:s21+$0x0 ss:$0x0], $0xffff  }
0xe3: {  	v1 =	vld [tilespmem:s19+$0x1F0]  }
0xe4: {  	v2 =	vld.msk [tilespmem:s21+$0xFFFFFFF9 ss:$0x0], $0xffff  }
0xe5: {  	v3 =	vld [tilespmem:s19+$0xFFFFFE00]  }
0xe6: {  	v4 =	vld [tilespmem:s19+$0xFFFFFE10]  }
0xe7: {  	v5 =	vld [tilespmem:s19+$0xFFFFFE20]  }
0xe8: {  	v6 =	vld [tilespmem:s19+$0xFFFFFE30]  }
0xe9: {  	v7 =	vld [tilespmem:s19+$0xFFFFFE40]  }
0xea: {  	v8 =	vld [tilespmem:s19+$0xFFFFFE50]  }
0xeb: {  	v9 =	vld [tilespmem:s19+$0xFFFFFE60]  }
0xec: {  	v10 =	vld.msk [tilespmem:s21+$0xFFFFFFFA ss:$0x0], $0xffff  }
0xed: {  	v11 =	vld [tilespmem:s19+$0xFFFFFE80]  }
0xee: {  	v12 =	vld [tilespmem:s19+$0xFFFFFE90]  }
0xef: {  	v14 =	vld [tilespmem:s19+$0xFFFFFEB0];
	v3 =	vmul.f32 v2, v3  }
0xf0: {  	v15 =	vld [tilespmem:s19+$0xFFFFFEC0];
	v1 =	vmul.f32 v1, v0  }
0xf1: {  	v13 =	vld [tilespmem:s19+$0xFFFFFEA0];
	v4 =	vmul.f32 v4, v2;
	[tilespmem:s19+$0xFFFFFE00] =	vst v3  }
0xf2: {  	v47 =	vld [tilespmem:s19+$0xFFFFFED0];
	v5 =	vmul.f32 v5, v2;
	[tilespmem:s19+$0x1F0] =	vst v1  }
0xf3: {  	v48 =	vld [tilespmem:s19+$0xFFFFFF10];
	v6 =	vmul.f32 v6, v2;
	[tilespmem:s19+$0xFFFFFE10] =	vst v4  }
0xf4: {  	v49 =	vld [tilespmem:s19+$0xFFFFFF40];
	v50 =	vmul.f32 v14, v10;
	[tilespmem:s19+$0xFFFFFE20] =	vst v5  }
0xf5: {  	v52 =	vld [tilespmem:s19+$0xFFFFFF70];
	v51 =	vmul.f32 v15, v10;
	[tilespmem:s19+$0xFFFFFE30] =	vst v6  }
0xf6: {  	v3 =	vld [tilespmem:s19+$0xFFFFFE70];
	v1 =	vmul.f32 v10, v11;
	[tilespmem:s19+$0xFFFFFEB0] =	vst v50  }
0xf7: {  	v4 =	vld [tilespmem:s19+$0xFFFFFEE0];
	v5 =	vmul.f32 v7, v2;
	[tilespmem:s19+$0xFFFFFEC0] =	vst v51  }
0xf8: {  	v7 =	vld [tilespmem:s19+$0xFFFFFEF0];
	v6 =	vmul.f32 v8, v2;
	[tilespmem:s19+$0xFFFFFE80] =	vst v1  }
0xf9: {  	v8 =	vld [tilespmem:s19+$0xFFFFFF00];
	[tilespmem:s19+$0xFFFFFE40] =	vst v5;
	v5 =	vmul.f32 v9, v2  }
0xfa: {  	v11 =	vmul.f32 v47, v10;
	v1 =	vld.msk [tilespmem:s21+$0xFFFFFFFB ss:$0x0], $0xffff;
	[tilespmem:s19+$0xFFFFFE50] =	vst v6  }
0xfb: {  	v53 =	vld [tilespmem:s19+$0xFFFFFF80];
	[tilespmem:s19+$0xFFFFFE60] =	vst v5;
	v5 =	vmul.f32 v12, v10  }
0xfc: {  	v54 =	vld [tilespmem:s19+$0xFFFFFF90];
	[tilespmem:s19+$0xFFFFFED0] =	vst v11;
	v2 =	vmul.f32 v3, v2  }
0xfd: {  	v55 =	vld [tilespmem:s19+$0xFFFFFFA0];
	v4 =	vmul.f32 v4, v10;
	[tilespmem:s19+$0xFFFFFE90] =	vst v5  }
0xfe: {  	v6 =	vld [tilespmem:s19+$0xFFFFFF30];
	v7 =	vmul.f32 v7, v10;
	[tilespmem:s19+$0xFFFFFE70] =	vst v2  }
0xff: {  	v3 =	vld [tilespmem:s19+$0xFFFFFF20];
	v5 =	vmul.f32 v1, v8;
	[tilespmem:s19+$0xFFFFFEE0] =	vst v4  }
0x100: {  	v2 =	vmul.f32 v13, v10;
	v8 =	vld [tilespmem:s19+$0xFFFFFF50];
	[tilespmem:s19+$0xFFFFFEF0] =	vst v7  }
0x101: {  	v4 =	vmul.f32 v48, v1;
	[tilespmem:s19+$0xFFFFFF00] =	vst v5;
	v5 =	vld.msk [tilespmem:s21+$0xFFFFFFFC ss:$0x0], $0xffff  }
0x102: {  	v12 =	vmul.f32 v49, v1;
	[tilespmem:s19+$0xFFFFFEA0] =	vst v2;
	v2 =	vld [tilespmem:s19+$0xFFFFFF60]  }
0x103: {  	v56 =	vld [tilespmem:s19+$0xFFFFFFD0];
	[tilespmem:s19+$0xFFFFFF10] =	vst v4;
	v4 =	vmul.f32 v6, v1  }
0x104: {  	v57 =	vld.msk [tilespmem:s21+$0xFFFFFFFD ss:$0x0], $0xffff;
	[tilespmem:s19+$0xFFFFFF40] =	vst v12;
	v3 =	vmul.f32 v3, v1  }
0x105: {  	v58 =	vld [tilespmem:s19+$0x10];
	[tilespmem:s19+$0xFFFFFF30] =	vst v4;
	v8 =	vmul.f32 v8, v1  }
0x106: {  	v59 =	vld [tilespmem:s19+$0x20];
	[tilespmem:s19+$0xFFFFFF20] =	vst v3;
	v3 =	vmul.f32 v5, v53  }
0x107: {  	v4 =	vld [tilespmem:s19+$0xFFFFFFE0];
	v2 =	vmul.f32 v2, v1;
	[tilespmem:s19+$0xFFFFFF50] =	vst v8  }
0x108: {  	v7 =	vld [tilespmem:s19+$0xFFFFFFB0];
	v1 =	vmul.f32 v52, v1;
	[tilespmem:s19+$0xFFFFFF80] =	vst v3  }
0x109: {  	v6 =	vld [tilespmem:s19+$0xFFFFFFC0];
	v11 =	vmul.f32 v56, v5;
	[tilespmem:s19+$0xFFFFFF60] =	vst v2  }
0x10a: {  	v8 =	vld [tilespmem:s19+$0x0];
	v2 =	vmul.f32 v54, v5;
	[tilespmem:s19+$0xFFFFFF70] =	vst v1  }
0x10b: {  	v60 =	vld.msk [tilespmem:s21+$0xFFFFFFFE ss:$0x0], $0xffff;
	v1 =	vmul.f32 v55, v5;
	[tilespmem:s19+$0xFFFFFFD0] =	vst v11  }
0x10c: {  	v3 =	vld [tilespmem:s19+$0xFFFFFFF0];
	v4 =	vmul.f32 v4, v5;
	[tilespmem:s19+$0xFFFFFF90] =	vst v2  }
0x10d: {  	v2 =	vmul.f32 v7, v5;
	v7 =	vld [tilespmem:s19+$0x30];
	[tilespmem:s19+$0xFFFFFFA0] =	vst v1  }
0x10e: {  	v61 =	vld [tilespmem:s19+$0x90];
	v1 =	vmul.f32 v6, v5;
	[tilespmem:s19+$0xFFFFFFE0] =	vst v4  }
0x10f: {  	[tilespmem:s19+$0xFFFFFFB0] =	vst v2;
	v2 =	vmul.f32 v57, v8;
	v8 =	vld [tilespmem:s19+$0x50]  }
0x110: {  	v4 =	vmul.f32 v58, v57;
	[tilespmem:s19+$0xFFFFFFC0] =	vst v1;
	v1 =	vld [tilespmem:s19+$0x60]  }
0x111: {  	v6 =	vld [tilespmem:s19+$0x40];
	[tilespmem:s19+$0x0] =	vst v2;
	v2 =	vmul.f32 v3, v5  }
0x112: {  	[tilespmem:s19+$0x10] =	vst v4;
	v3 =	vld [tilespmem:s19+$0x70];
	v4 =	vmul.f32 v7, v57  }
0x113: {  	v5 =	vld [tilespmem:s19+$0x80];
	[tilespmem:s19+$0xFFFFFFF0] =	vst v2;
	v2 =	vmul.f32 v59, v57  }
0x114: {  	v62 =	vld.msk [tilespmem:s21+$0xFFFFFFFF ss:$0x0], $0xffff;
	[tilespmem:s19+$0x30] =	vst v4;
	v4 =	vmul.f32 v8, v57  }
0x115: {  	v7 =	vld [tilespmem:s19+$0xA0];
	v1 =	vmul.f32 v1, v57;
	[tilespmem:s19+$0x20] =	vst v2  }
0x116: {  	v2 =	vmul.f32 v6, v57;
	v6 =	vld [tilespmem:s19+$0xB0];
	[tilespmem:s19+$0x50] =	vst v4  }
0x117: {  	v8 =	vld [tilespmem:s19+$0xC0];
	v3 =	vmul.f32 v3, v57;
	[tilespmem:s19+$0x60] =	vst v1  }
0x118: {  	v1 =	vmul.f32 v61, v60;
	[tilespmem:s19+$0x40] =	vst v2;
	v2 =	vmul.f32 v60, v5;
	v5 =	vld [tilespmem:s19+$0xD0]  }
0x119: {  	v4 =	vld [tilespmem:s19+$0xE0];
	[tilespmem:s19+$0x70] =	vst v3  }
0x11a: {  	v3 =	vmul.f32 v7, v60;
	v7 =	vld [tilespmem:s19+$0x100];
	[tilespmem:s19+$0x90] =	vst v1  }
0x11b: {  	[tilespmem:s19+$0x80] =	vst v2;
	v2 =	vld [tilespmem:s19+$0xF0];
	v1 =	vmul.f32 v6, v60  }
0x11c: {  	v6 =	vld [tilespmem:s19+$0x110];
	[tilespmem:s19+$0xA0] =	vst v3;
	v3 =	vmul.f32 v8, v60  }
0x11d: {  	v8 =	vld [tilespmem:s19+$0x120];
	[tilespmem:s19+$0xB0] =	vst v1;
	v1 =	vmul.f32 v5, v60  }
0x11e: {  	v5 =	vld [tilespmem:s19+$0x130];
	[tilespmem:s19+$0xC0] =	vst v3;
	v3 =	vmul.f32 v4, v60  }
0x11f: {  	v4 =	vld [tilespmem:s19+$0x140];
	[tilespmem:s19+$0xD0] =	vst v1;
	v1 =	vmul.f32 v62, v7  }
0x120: {  	v7 =	vld [tilespmem:s19+$0x150];
	v2 =	vmul.f32 v2, v60;
	[tilespmem:s19+$0xE0] =	vst v3  }
0x121: {  	v63 =	vld [tilespmem:s19+$0x160];
	v3 =	vmul.f32 v6, v62;
	[tilespmem:s19+$0x100] =	vst v1  }
0x122: {  	v6 =	vld [tilespmem:s19+$0x170];
	[tilespmem:s19+$0xF0] =	vst v2;
	v1 =	vmul.f32 v8, v62  }
0x123: {  	[tilespmem:s19+$0x110] =	vst v3;
	v2 =	vmul.f32 v5, v62;
	v5 =	vld [tilespmem:s19+$0x180]  }
0x124: {  	v8 =	vld [tilespmem:s19+$0x190];
	[tilespmem:s19+$0x120] =	vst v1;
	v1 =	vmul.f32 v4, v62  }
0x125: {  	v3 =	vld [tilespmem:s19+$0x1A0];
	[tilespmem:s19+$0x130] =	vst v2;
	v4 =	vmul.f32 v7, v62  }
0x126: {  	v7 =	vmul.f32 v63, v62;
	v2 =	vld [tilespmem:s19+$0x1B0];
	[tilespmem:s19+$0x140] =	vst v1  }
0x127: {  	v6 =	vmul.f32 v6, v62;
	v1 =	vld [tilespmem:s19+$0x1C0];
	[tilespmem:s19+$0x150] =	vst v4  }
0x128: {  	[tilespmem:s19+$0x160] =	vst v7;
	v4 =	vld [tilespmem:s19+$0x1D0];
	v7 =	vmul.f32 v0, v5  }
0x129: {  	s22 =	simm.s32 $0x27DF;
	s23 =	simm.s32 $0x7A00;
	s21 =	simm.s32 $0x0;
	[tilespmem:s19+$0x170] =	vst v6;
	v6 =	vmul.f32 v8, v0;
	v5 =	vld [tilespmem:s19+$0x1E0]  }
.LBB2_4:
0x12a: {  	v8 =	vld.msk [tilespmem:s22+$0x0 ss:$0x0], $0xffff;
	s21 =	sadd.s32 $0x8, s21;
	[tilespmem:s19+$0x180] =	vst v7;
	v3 =	vmul.f32 v3, v0;
	s23 =	sadd.s32 $0x400, s23  }
0x12b: {  	v7 =	vld [tilespmem:s23+$0x1F0];
	p0 =	slt.u32 s21, $0x48;
	[tilespmem:s19+$0x190] =	vst v6;
	v2 =	vmul.f32 v2, v0  }
0x12c: {  	v6 =	vld.msk [tilespmem:s22+$0xFFFFFFFA ss:$0x0], $0xffff;
	[tilespmem:s19+$0x1A0] =	vst v3;
	v1 =	vmul.f32 v1, v0  }
0x12d: {  	v9 =	vld.msk [tilespmem:s22+$0xFFFFFFFB ss:$0x0], $0xffff;
	[tilespmem:s19+$0x1B0] =	vst v2;
	v2 =	vmul.f32 v4, v0  }
0x12e: {  	v4 =	vld.msk [tilespmem:s22+$0xFFFFFFFC ss:$0x0], $0xffff;
	[tilespmem:s19+$0x1C0] =	vst v1;
	v1 =	vmul.f32 v5, v0  }
0x12f: {  	v3 =	vld.msk [tilespmem:s22+$0xFFFFFFFD ss:$0x0], $0xffff;
	[tilespmem:s19+$0x1D0] =	vst v2  }
0x130: {  	v0 =	vmov v8;
	v2 =	vld.msk [tilespmem:s22+$0xFFFFFFFE ss:$0x0], $0xffff;
	v5 =	vmul.f32 v7, v8;
	[tilespmem:s19+$0x1E0] =	vst v1;
	s19 =	smov.u32 s23  }
0x131: {  	v1 =	vld.msk [tilespmem:s22+$0xFFFFFFFF ss:$0x0], $0xffff  }
0x132: {  	v7 =	vld.msk [tilespmem:s22+$0xFFFFFFF9 ss:$0x0], $0xffff;
	[tilespmem:s23+$0x1F0] =	vst v5  }
0x133: {  	v5 =	vld [tilespmem:s23+$0xFFFFFE00]  }
0x134: {  	v8 =	vld [tilespmem:s23+$0xFFFFFE10]  }
0x135: {  	v10 =	vld [tilespmem:s23+$0xFFFFFE20]  }
0x136: {  	v11 =	vld [tilespmem:s23+$0xFFFFFE30]  }
0x137: {  	v12 =	vld [tilespmem:s23+$0xFFFFFE40]  }
0x138: {  	v5 =	vmul.f32 v7, v5;
	v13 =	vld [tilespmem:s23+$0xFFFFFE50]  }
0x139: {  	v8 =	vmul.f32 v8, v7;
	v14 =	vld [tilespmem:s23+$0xFFFFFE60]  }
0x13a: {  	[tilespmem:s23+$0xFFFFFE00] =	vst v5;
	v5 =	vmul.f32 v10, v7;
	v10 =	vld [tilespmem:s23+$0xFFFFFE70]  }
0x13b: {  	[tilespmem:s23+$0xFFFFFE10] =	vst v8;
	v8 =	vmul.f32 v11, v7;
	v11 =	vld [tilespmem:s23+$0xFFFFFE80]  }
0x13c: {  	[tilespmem:s23+$0xFFFFFE20] =	vst v5;
	v5 =	vmul.f32 v12, v7;
	v12 =	vld [tilespmem:s23+$0xFFFFFE90]  }
0x13d: {  	[tilespmem:s23+$0xFFFFFE30] =	vst v8;
	v8 =	vmul.f32 v13, v7;
	v13 =	vld [tilespmem:s23+$0xFFFFFEA0]  }
0x13e: {  	[tilespmem:s23+$0xFFFFFE40] =	vst v5;
	v5 =	vmul.f32 v14, v7;
	v14 =	vld [tilespmem:s23+$0xFFFFFEB0]  }
0x13f: {  	[tilespmem:s23+$0xFFFFFE50] =	vst v8;
	v7 =	vmul.f32 v10, v7;
	v8 =	vld [tilespmem:s23+$0xFFFFFEC0]  }
0x140: {  	[tilespmem:s23+$0xFFFFFE60] =	vst v5;
	v5 =	vmul.f32 v6, v11;
	v10 =	vld [tilespmem:s23+$0xFFFFFED0]  }
0x141: {  	[tilespmem:s23+$0xFFFFFE70] =	vst v7;
	v7 =	vmul.f32 v12, v6;
	v11 =	vld [tilespmem:s23+$0xFFFFFEE0]  }
0x142: {  	[tilespmem:s23+$0xFFFFFE80] =	vst v5;
	v5 =	vmul.f32 v13, v6;
	v12 =	vld [tilespmem:s23+$0xFFFFFEF0]  }
0x143: {  	[tilespmem:s23+$0xFFFFFE90] =	vst v7;
	v7 =	vmul.f32 v14, v6;
	v13 =	vld [tilespmem:s23+$0xFFFFFF00]  }
0x144: {  	[tilespmem:s23+$0xFFFFFEA0] =	vst v5;
	v5 =	vmul.f32 v8, v6;
	v8 =	vld [tilespmem:s23+$0xFFFFFF10]  }
0x145: {  	[tilespmem:s23+$0xFFFFFEB0] =	vst v7;
	v7 =	vmul.f32 v10, v6;
	v10 =	vld [tilespmem:s23+$0xFFFFFF20]  }
0x146: {  	[tilespmem:s23+$0xFFFFFEC0] =	vst v5;
	v5 =	vmul.f32 v11, v6;
	v11 =	vld [tilespmem:s23+$0xFFFFFF30]  }
0x147: {  	[tilespmem:s23+$0xFFFFFED0] =	vst v7;
	v6 =	vmul.f32 v12, v6;
	v7 =	vld [tilespmem:s23+$0xFFFFFF40]  }
0x148: {  	[tilespmem:s23+$0xFFFFFEE0] =	vst v5;
	v5 =	vmul.f32 v9, v13;
	v12 =	vld [tilespmem:s23+$0xFFFFFF50]  }
0x149: {  	[tilespmem:s23+$0xFFFFFEF0] =	vst v6;
	v6 =	vmul.f32 v8, v9;
	v8 =	vld [tilespmem:s23+$0xFFFFFF60]  }
0x14a: {  	[tilespmem:s23+$0xFFFFFF00] =	vst v5;
	v5 =	vmul.f32 v10, v9;
	v10 =	vld [tilespmem:s23+$0xFFFFFF70]  }
0x14b: {  	[tilespmem:s23+$0xFFFFFF10] =	vst v6;
	v6 =	vmul.f32 v11, v9;
	v11 =	vld [tilespmem:s23+$0xFFFFFF80]  }
0x14c: {  	[tilespmem:s23+$0xFFFFFF20] =	vst v5;
	v5 =	vmul.f32 v7, v9;
	v7 =	vld [tilespmem:s23+$0xFFFFFF90]  }
0x14d: {  	[tilespmem:s23+$0xFFFFFF30] =	vst v6;
	v6 =	vmul.f32 v12, v9;
	v12 =	vld [tilespmem:s23+$0xFFFFFFA0]  }
0x14e: {  	[tilespmem:s23+$0xFFFFFF40] =	vst v5;
	v5 =	vmul.f32 v8, v9;
	v8 =	vld [tilespmem:s23+$0xFFFFFFB0]  }
0x14f: {  	[tilespmem:s23+$0xFFFFFF50] =	vst v6;
	v6 =	vmul.f32 v10, v9;
	v9 =	vld [tilespmem:s23+$0xFFFFFFC0]  }
0x150: {  	[tilespmem:s23+$0xFFFFFF60] =	vst v5;
	v5 =	vmul.f32 v4, v11;
	v10 =	vld [tilespmem:s23+$0xFFFFFFD0]  }
0x151: {  	[tilespmem:s23+$0xFFFFFF70] =	vst v6;
	v6 =	vmul.f32 v7, v4;
	v7 =	vld [tilespmem:s23+$0xFFFFFFE0]  }
0x152: {  	[tilespmem:s23+$0xFFFFFF80] =	vst v5;
	v5 =	vmul.f32 v12, v4;
	v11 =	vld [tilespmem:s23+$0xFFFFFFF0]  }
0x153: {  	[tilespmem:s23+$0xFFFFFF90] =	vst v6;
	v6 =	vmul.f32 v8, v4;
	v8 =	vld [tilespmem:s23+$0x0]  }
0x154: {  	[tilespmem:s23+$0xFFFFFFA0] =	vst v5;
	v5 =	vmul.f32 v9, v4;
	v9 =	vld [tilespmem:s23+$0x10]  }
0x155: {  	[tilespmem:s23+$0xFFFFFFB0] =	vst v6;
	v6 =	vmul.f32 v10, v4;
	v10 =	vld [tilespmem:s23+$0x20]  }
0x156: {  	[tilespmem:s23+$0xFFFFFFC0] =	vst v5;
	v5 =	vmul.f32 v7, v4;
	v7 =	vld [tilespmem:s23+$0x30]  }
0x157: {  	[tilespmem:s23+$0xFFFFFFD0] =	vst v6;
	v4 =	vmul.f32 v11, v4;
	v6 =	vld [tilespmem:s23+$0x40]  }
0x158: {  	[tilespmem:s23+$0xFFFFFFE0] =	vst v5;
	v5 =	vmul.f32 v3, v8;
	v8 =	vld [tilespmem:s23+$0x50]  }
0x159: {  	[tilespmem:s23+$0xFFFFFFF0] =	vst v4;
	v4 =	vmul.f32 v9, v3;
	v9 =	vld [tilespmem:s23+$0x60]  }
0x15a: {  	[tilespmem:s23+$0x0] =	vst v5;
	v5 =	vmul.f32 v10, v3;
	v10 =	vld [tilespmem:s23+$0x70]  }
0x15b: {  	[tilespmem:s23+$0x10] =	vst v4;
	v4 =	vmul.f32 v7, v3;
	v7 =	vld [tilespmem:s23+$0x80]  }
0x15c: {  	[tilespmem:s23+$0x20] =	vst v5;
	v5 =	vmul.f32 v6, v3;
	v6 =	vld [tilespmem:s23+$0x90]  }
0x15d: {  	[tilespmem:s23+$0x30] =	vst v4;
	v4 =	vmul.f32 v8, v3;
	v8 =	vld [tilespmem:s23+$0xA0]  }
0x15e: {  	[tilespmem:s23+$0x40] =	vst v5;
	v5 =	vmul.f32 v9, v3;
	v9 =	vld [tilespmem:s23+$0xB0]  }
0x15f: {  	[tilespmem:s23+$0x50] =	vst v4;
	v3 =	vmul.f32 v10, v3;
	v4 =	vld [tilespmem:s23+$0xC0]  }
0x160: {  	[tilespmem:s23+$0x60] =	vst v5;
	v5 =	vmul.f32 v2, v7;
	v7 =	vld [tilespmem:s23+$0xD0]  }
0x161: {  	[tilespmem:s23+$0x70] =	vst v3;
	v3 =	vmul.f32 v6, v2;
	v6 =	vld [tilespmem:s23+$0xE0]  }
0x162: {  	[tilespmem:s23+$0x80] =	vst v5;
	v5 =	vmul.f32 v8, v2;
	v8 =	vld [tilespmem:s23+$0xF0]  }
0x163: {  	[tilespmem:s23+$0x90] =	vst v3;
	v3 =	vmul.f32 v9, v2;
	v9 =	vld [tilespmem:s23+$0x100]  }
0x164: {  	[tilespmem:s23+$0xA0] =	vst v5;
	v4 =	vmul.f32 v4, v2;
	v5 =	vld [tilespmem:s23+$0x110]  }
0x165: {  	[tilespmem:s23+$0xB0] =	vst v3;
	v3 =	vmul.f32 v7, v2;
	v7 =	vld [tilespmem:s23+$0x120]  }
0x166: {  	[tilespmem:s23+$0xC0] =	vst v4;
	v4 =	vmul.f32 v6, v2;
	v6 =	vld [tilespmem:s23+$0x130]  }
0x167: {  	[tilespmem:s23+$0xD0] =	vst v3;
	v2 =	vmul.f32 v8, v2;
	v3 =	vld [tilespmem:s23+$0x140]  }
0x168: {  	[tilespmem:s23+$0xE0] =	vst v4;
	v4 =	vmul.f32 v1, v9;
	v8 =	vld [tilespmem:s23+$0x150]  }
0x169: {  	[tilespmem:s23+$0xF0] =	vst v2;
	v2 =	vmul.f32 v5, v1;
	v5 =	vld [tilespmem:s23+$0x160]  }
0x16a: {  	[tilespmem:s23+$0x100] =	vst v4;
	v4 =	vmul.f32 v7, v1;
	v7 =	vld [tilespmem:s23+$0x170]  }
0x16b: {  	[tilespmem:s23+$0x110] =	vst v2;
	v2 =	vmul.f32 v6, v1;
	v6 =	vld [tilespmem:s23+$0x180]  }
0x16c: {  	[tilespmem:s23+$0x120] =	vst v4;
	v4 =	vmul.f32 v3, v1;
	v9 =	vld [tilespmem:s23+$0x190]  }
.Ltmp1:
0x16d: {  	[tilespmem:s23+$0x130] =	vst v2;
	v8 =	vmul.f32 v8, v1;
	v3 =	vld [tilespmem:s23+$0x1A0];
	(pc) =	sbr.rel @p0 .LBB2_4-.Ltmp1, $4  }
0x16e: {  	[tilespmem:s23+$0x140] =	vst v4;
	v4 =	vmul.f32 v5, v1;
	v2 =	vld [tilespmem:s23+$0x1B0]  }
0x16f: {  	[tilespmem:s23+$0x150] =	vst v8;
	v5 =	vmul.f32 v7, v1;
	v1 =	vld [tilespmem:s23+$0x1C0]  }
0x170: {  	[tilespmem:s23+$0x160] =	vst v4;
	v7 =	vmul.f32 v0, v6;
	v4 =	vld [tilespmem:s23+$0x1D0]  }
0x171: {  	s22 =	sadd.s32 $0x8, s22;
	[tilespmem:s23+$0x170] =	vst v5;
	v6 =	vmul.f32 v9, v0;
	v5 =	vld [tilespmem:s23+$0x1E0]  }
0x172: {  	[tilespmem:s19+$0x180] =	vst v7;
	v3 =	vmul.f32 v3, v0  }
0x173: {  	[tilespmem:s19+$0x190] =	vst v6;
	v2 =	vmul.f32 v2, v0  }
0x174: {  	[tilespmem:s19+$0x1A0] =	vst v3;
	v1 =	vmul.f32 v1, v0  }
0x175: {  	[tilespmem:s19+$0x1B0] =	vst v2;
	v62 =	vmul.f32 v4, v0  }
0x176: {  	[tilespmem:s19+$0x1C0] =	vst v1;
	v63 =	vmul.f32 v5, v0  }
0x177: {  	[tilespmem:s19+$0x1D0] =	vst v62  }
0x178: {  	[tilespmem:s19+$0x1E0] =	vst v63  }
0x179: {  	_ =	swait.ge [sflag:s15], $0x50  }
0x17a: {  	s21 =	simm.s32 $0x2827;
	[sflag:s15] =	ssyncset.done $0x0  }
0x17b: {  	s22 =	simm.s32 $0x2877;
	s19 =	simm.s32 $0x1;
	[sflag:s15] =	ssyncadd.s32 $0xFFFFFFB0  }
0x17c: {  	[spmem:s4] =	stream.indirect.scatter.add.f32 [tilespmem:s11], [sflag:$0x4], $0x80, s10, s3, $0xb8;
	[tilespmem:$0x1E000] =	vst v63  }
.LBB2_6:
0x17d: {  	s23 =	smul.u32 $0xA0, s19;
	_ =	swait.ge [sflag:s9], $0x2800  }
0x17e: {  	[sflag:s9] =	ssyncset.done $0x0  }
0x17f: {  	s24 =	sadd.s32 $0x50, s23;
	[sflag:s9] =	ssyncadd.s32 $0xFFFFD800  }
0x180: {  	_ =	swait.ge [sflag:s17], $0x2800;
	s25 =	sadd.s32 s6, s24  }
0x181: {  	[sflag:s17] =	ssyncset.done $0x0;
	s25 =	sshrl.u32 s25, $0x3  }
0x182: {  	[sflag:s17] =	ssyncadd.s32 $0xFFFFD800;
	s25 =	sadd.s32 s2, s25  }
0x183: {  	[tilespmem:s10], [sflag:$0x6] =	stream.linear.gather [hbm4b:s25+s5], $0x50, $0x38;
	[tilespmem:$0x1E000] =	vst v63  }
0x184: {  	_ = 	snop  }
0x185: {  	[tilespmem:s11], [sflag:$0x2] =	stream.indirect.gather [hbm4b:s1+s3], $0x80, s24, s3, $0xb8;
	[tilespmem:$0x1E000] =	vst v63  }
0x186: {  	s24 =	simm.s32 $0x5200;
	v0 =	vld.msk [tilespmem:s21+$0x0 ss:$0x0], $0xffff  }
0x187: {  	v1 =	vld [tilespmem:s24+$0x1F0]  }
0x188: {  	v2 =	vld.msk [tilespmem:s21+$0xFFFFFFF9 ss:$0x0], $0xffff  }
0x189: {  	v3 =	vld [tilespmem:s24+$0xFFFFFE00]  }
0x18a: {  	v4 =	vld [tilespmem:s24+$0xFFFFFE10]  }
0x18b: {  	v5 =	vld [tilespmem:s24+$0xFFFFFE20]  }
0x18c: {  	v6 =	vld [tilespmem:s24+$0xFFFFFE30]  }
0x18d: {  	v7 =	vld [tilespmem:s24+$0xFFFFFE40]  }
0x18e: {  	v8 =	vld [tilespmem:s24+$0xFFFFFE50]  }
0x18f: {  	v9 =	vld [tilespmem:s24+$0xFFFFFE60]  }
0x190: {  	v10 =	vld.msk [tilespmem:s21+$0xFFFFFFFA ss:$0x0], $0xffff  }
0x191: {  	v11 =	vld [tilespmem:s24+$0xFFFFFE80]  }
0x192: {  	v12 =	vld [tilespmem:s24+$0xFFFFFE90]  }
0x193: {  	v14 =	vld [tilespmem:s24+$0xFFFFFEB0];
	v3 =	vmul.f32 v2, v3  }
0x194: {  	v15 =	vld [tilespmem:s24+$0xFFFFFEC0];
	v1 =	vmul.f32 v1, v0  }
0x195: {  	v13 =	vld [tilespmem:s24+$0xFFFFFEA0];
	v4 =	vmul.f32 v4, v2;
	[tilespmem:s24+$0xFFFFFE00] =	vst v3  }
0x196: {  	v47 =	vld [tilespmem:s24+$0xFFFFFED0];
	v5 =	vmul.f32 v5, v2;
	[tilespmem:s24+$0x1F0] =	vst v1  }
0x197: {  	v48 =	vld [tilespmem:s24+$0xFFFFFF10];
	v6 =	vmul.f32 v6, v2;
	[tilespmem:s24+$0xFFFFFE10] =	vst v4  }
0x198: {  	v49 =	vld [tilespmem:s24+$0xFFFFFF40];
	v50 =	vmul.f32 v14, v10;
	[tilespmem:s24+$0xFFFFFE20] =	vst v5  }
0x199: {  	v52 =	vld [tilespmem:s24+$0xFFFFFF70];
	v51 =	vmul.f32 v15, v10;
	[tilespmem:s24+$0xFFFFFE30] =	vst v6  }
0x19a: {  	v3 =	vld [tilespmem:s24+$0xFFFFFE70];
	v1 =	vmul.f32 v10, v11;
	[tilespmem:s24+$0xFFFFFEB0] =	vst v50  }
0x19b: {  	v4 =	vld [tilespmem:s24+$0xFFFFFEE0];
	v5 =	vmul.f32 v7, v2;
	[tilespmem:s24+$0xFFFFFEC0] =	vst v51  }
0x19c: {  	v7 =	vld [tilespmem:s24+$0xFFFFFEF0];
	v6 =	vmul.f32 v8, v2;
	[tilespmem:s24+$0xFFFFFE80] =	vst v1  }
0x19d: {  	v8 =	vld [tilespmem:s24+$0xFFFFFF00];
	[tilespmem:s24+$0xFFFFFE40] =	vst v5;
	v5 =	vmul.f32 v9, v2  }
0x19e: {  	v11 =	vmul.f32 v47, v10;
	v1 =	vld.msk [tilespmem:s21+$0xFFFFFFFB ss:$0x0], $0xffff;
	[tilespmem:s24+$0xFFFFFE50] =	vst v6  }
0x19f: {  	v53 =	vld [tilespmem:s24+$0xFFFFFF80];
	[tilespmem:s24+$0xFFFFFE60] =	vst v5;
	v5 =	vmul.f32 v12, v10  }
0x1a0: {  	v54 =	vld [tilespmem:s24+$0xFFFFFF90];
	[tilespmem:s24+$0xFFFFFED0] =	vst v11;
	v2 =	vmul.f32 v3, v2  }
0x1a1: {  	v55 =	vld [tilespmem:s24+$0xFFFFFFA0];
	v4 =	vmul.f32 v4, v10;
	[tilespmem:s24+$0xFFFFFE90] =	vst v5  }
0x1a2: {  	v6 =	vld [tilespmem:s24+$0xFFFFFF30];
	v7 =	vmul.f32 v7, v10;
	[tilespmem:s24+$0xFFFFFE70] =	vst v2  }
0x1a3: {  	v3 =	vld [tilespmem:s24+$0xFFFFFF20];
	v5 =	vmul.f32 v1, v8;
	[tilespmem:s24+$0xFFFFFEE0] =	vst v4  }
0x1a4: {  	v2 =	vmul.f32 v13, v10;
	v8 =	vld [tilespmem:s24+$0xFFFFFF50];
	[tilespmem:s24+$0xFFFFFEF0] =	vst v7  }
0x1a5: {  	v4 =	vmul.f32 v48, v1;
	[tilespmem:s24+$0xFFFFFF00] =	vst v5;
	v5 =	vld.msk [tilespmem:s21+$0xFFFFFFFC ss:$0x0], $0xffff  }
0x1a6: {  	v12 =	vmul.f32 v49, v1;
	[tilespmem:s24+$0xFFFFFEA0] =	vst v2;
	v2 =	vld [tilespmem:s24+$0xFFFFFF60]  }
0x1a7: {  	v56 =	vld [tilespmem:s24+$0xFFFFFFD0];
	[tilespmem:s24+$0xFFFFFF10] =	vst v4;
	v4 =	vmul.f32 v6, v1  }
0x1a8: {  	v57 =	vld.msk [tilespmem:s21+$0xFFFFFFFD ss:$0x0], $0xffff;
	[tilespmem:s24+$0xFFFFFF40] =	vst v12;
	v3 =	vmul.f32 v3, v1  }
0x1a9: {  	v58 =	vld [tilespmem:s24+$0x10];
	[tilespmem:s24+$0xFFFFFF30] =	vst v4;
	v8 =	vmul.f32 v8, v1  }
0x1aa: {  	v59 =	vld [tilespmem:s24+$0x20];
	[tilespmem:s24+$0xFFFFFF20] =	vst v3;
	v3 =	vmul.f32 v5, v53  }
0x1ab: {  	v4 =	vld [tilespmem:s24+$0xFFFFFFE0];
	v2 =	vmul.f32 v2, v1;
	[tilespmem:s24+$0xFFFFFF50] =	vst v8  }
0x1ac: {  	v7 =	vld [tilespmem:s24+$0xFFFFFFB0];
	v1 =	vmul.f32 v52, v1;
	[tilespmem:s24+$0xFFFFFF80] =	vst v3  }
0x1ad: {  	v6 =	vld [tilespmem:s24+$0xFFFFFFC0];
	v11 =	vmul.f32 v56, v5;
	[tilespmem:s24+$0xFFFFFF60] =	vst v2  }
0x1ae: {  	v8 =	vld [tilespmem:s24+$0x0];
	v2 =	vmul.f32 v54, v5;
	[tilespmem:s24+$0xFFFFFF70] =	vst v1  }
0x1af: {  	v60 =	vld.msk [tilespmem:s21+$0xFFFFFFFE ss:$0x0], $0xffff;
	v1 =	vmul.f32 v55, v5;
	[tilespmem:s24+$0xFFFFFFD0] =	vst v11  }
0x1b0: {  	v3 =	vld [tilespmem:s24+$0xFFFFFFF0];
	v4 =	vmul.f32 v4, v5;
	[tilespmem:s24+$0xFFFFFF90] =	vst v2  }
0x1b1: {  	v2 =	vmul.f32 v7, v5;
	v7 =	vld [tilespmem:s24+$0x30];
	[tilespmem:s24+$0xFFFFFFA0] =	vst v1  }
0x1b2: {  	v61 =	vld [tilespmem:s24+$0x90];
	v1 =	vmul.f32 v6, v5;
	[tilespmem:s24+$0xFFFFFFE0] =	vst v4  }
0x1b3: {  	[tilespmem:s24+$0xFFFFFFB0] =	vst v2;
	v2 =	vmul.f32 v57, v8;
	v8 =	vld [tilespmem:s24+$0x50]  }
0x1b4: {  	v4 =	vmul.f32 v58, v57;
	[tilespmem:s24+$0xFFFFFFC0] =	vst v1;
	v1 =	vld [tilespmem:s24+$0x60]  }
0x1b5: {  	v6 =	vld [tilespmem:s24+$0x40];
	[tilespmem:s24+$0x0] =	vst v2;
	v2 =	vmul.f32 v3, v5  }
0x1b6: {  	[tilespmem:s24+$0x10] =	vst v4;
	v3 =	vld [tilespmem:s24+$0x70];
	v4 =	vmul.f32 v7, v57  }
0x1b7: {  	v5 =	vld [tilespmem:s24+$0x80];
	[tilespmem:s24+$0xFFFFFFF0] =	vst v2;
	v2 =	vmul.f32 v59, v57  }
0x1b8: {  	v62 =	vld.msk [tilespmem:s21+$0xFFFFFFFF ss:$0x0], $0xffff;
	[tilespmem:s24+$0x30] =	vst v4;
	v4 =	vmul.f32 v8, v57  }
0x1b9: {  	v7 =	vld [tilespmem:s24+$0xA0];
	v1 =	vmul.f32 v1, v57;
	[tilespmem:s24+$0x20] =	vst v2  }
0x1ba: {  	v2 =	vmul.f32 v6, v57;
	v6 =	vld [tilespmem:s24+$0xB0];
	[tilespmem:s24+$0x50] =	vst v4  }
0x1bb: {  	v8 =	vld [tilespmem:s24+$0xC0];
	v3 =	vmul.f32 v3, v57;
	[tilespmem:s24+$0x60] =	vst v1  }
0x1bc: {  	v1 =	vmul.f32 v61, v60;
	[tilespmem:s24+$0x40] =	vst v2;
	v2 =	vmul.f32 v60, v5;
	v5 =	vld [tilespmem:s24+$0xD0]  }
0x1bd: {  	v4 =	vld [tilespmem:s24+$0xE0];
	[tilespmem:s24+$0x70] =	vst v3  }
0x1be: {  	v3 =	vmul.f32 v7, v60;
	v7 =	vld [tilespmem:s24+$0x100];
	[tilespmem:s24+$0x90] =	vst v1  }
0x1bf: {  	[tilespmem:s24+$0x80] =	vst v2;
	v2 =	vld [tilespmem:s24+$0xF0];
	v1 =	vmul.f32 v6, v60  }
0x1c0: {  	v6 =	vld [tilespmem:s24+$0x110];
	[tilespmem:s24+$0xA0] =	vst v3;
	v3 =	vmul.f32 v8, v60  }
0x1c1: {  	v8 =	vld [tilespmem:s24+$0x120];
	[tilespmem:s24+$0xB0] =	vst v1;
	v1 =	vmul.f32 v5, v60  }
0x1c2: {  	v5 =	vld [tilespmem:s24+$0x130];
	[tilespmem:s24+$0xC0] =	vst v3;
	v3 =	vmul.f32 v4, v60  }
0x1c3: {  	v4 =	vld [tilespmem:s24+$0x140];
	[tilespmem:s24+$0xD0] =	vst v1;
	v1 =	vmul.f32 v62, v7  }
0x1c4: {  	v7 =	vld [tilespmem:s24+$0x150];
	v2 =	vmul.f32 v2, v60;
	[tilespmem:s24+$0xE0] =	vst v3  }
0x1c5: {  	v63 =	vld [tilespmem:s24+$0x160];
	v3 =	vmul.f32 v6, v62;
	[tilespmem:s24+$0x100] =	vst v1  }
0x1c6: {  	v6 =	vld [tilespmem:s24+$0x170];
	[tilespmem:s24+$0xF0] =	vst v2;
	v1 =	vmul.f32 v8, v62  }
0x1c7: {  	[tilespmem:s24+$0x110] =	vst v3;
	v2 =	vmul.f32 v5, v62;
	v5 =	vld [tilespmem:s24+$0x180]  }
0x1c8: {  	v8 =	vld [tilespmem:s24+$0x190];
	[tilespmem:s24+$0x120] =	vst v1;
	v1 =	vmul.f32 v4, v62  }
0x1c9: {  	v3 =	vld [tilespmem:s24+$0x1A0];
	[tilespmem:s24+$0x130] =	vst v2;
	v4 =	vmul.f32 v7, v62  }
0x1ca: {  	v7 =	vmul.f32 v63, v62;
	v2 =	vld [tilespmem:s24+$0x1B0];
	[tilespmem:s24+$0x140] =	vst v1  }
0x1cb: {  	v6 =	vmul.f32 v6, v62;
	v1 =	vld [tilespmem:s24+$0x1C0];
	[tilespmem:s24+$0x150] =	vst v4  }
0x1cc: {  	[tilespmem:s24+$0x160] =	vst v7;
	v4 =	vld [tilespmem:s24+$0x1D0];
	v7 =	vmul.f32 v0, v5  }
0x1cd: {  	s26 =	sadd.s32 $0x8, s21;
	s28 =	simm.s32 $0x5200;
	s25 =	simm.s32 $0x0;
	[tilespmem:s24+$0x170] =	vst v6;
	v6 =	vmul.f32 v8, v0;
	v5 =	vld [tilespmem:s24+$0x1E0]  }
.LBB2_7:
0x1ce: {  	v8 =	vld.msk [tilespmem:s26+$0x0 ss:$0x0], $0xffff;
	s25 =	sadd.s32 $0x8, s25;
	[tilespmem:s24+$0x180] =	vst v7;
	v3 =	vmul.f32 v3, v0;
	s28 =	sadd.s32 $0x400, s28  }
0x1cf: {  	v7 =	vld [tilespmem:s28+$0x1F0];
	p0 =	slt.u32 s25, $0x48;
	[tilespmem:s24+$0x190] =	vst v6;
	v2 =	vmul.f32 v2, v0  }
0x1d0: {  	v6 =	vld.msk [tilespmem:s26+$0xFFFFFFFA ss:$0x0], $0xffff;
	[tilespmem:s24+$0x1A0] =	vst v3;
	v1 =	vmul.f32 v1, v0  }
0x1d1: {  	v9 =	vld.msk [tilespmem:s26+$0xFFFFFFFB ss:$0x0], $0xffff;
	[tilespmem:s24+$0x1B0] =	vst v2;
	v2 =	vmul.f32 v4, v0  }
0x1d2: {  	v4 =	vld.msk [tilespmem:s26+$0xFFFFFFFC ss:$0x0], $0xffff;
	[tilespmem:s24+$0x1C0] =	vst v1;
	v1 =	vmul.f32 v5, v0  }
0x1d3: {  	v3 =	vld.msk [tilespmem:s26+$0xFFFFFFFD ss:$0x0], $0xffff;
	[tilespmem:s24+$0x1D0] =	vst v2  }
0x1d4: {  	v0 =	vmov v8;
	v2 =	vld.msk [tilespmem:s26+$0xFFFFFFFE ss:$0x0], $0xffff;
	v5 =	vmul.f32 v7, v8;
	[tilespmem:s24+$0x1E0] =	vst v1;
	s24 =	smov.u32 s28  }
0x1d5: {  	v1 =	vld.msk [tilespmem:s26+$0xFFFFFFFF ss:$0x0], $0xffff  }
0x1d6: {  	v7 =	vld.msk [tilespmem:s26+$0xFFFFFFF9 ss:$0x0], $0xffff;
	[tilespmem:s28+$0x1F0] =	vst v5  }
0x1d7: {  	v5 =	vld [tilespmem:s28+$0xFFFFFE00]  }
0x1d8: {  	v8 =	vld [tilespmem:s28+$0xFFFFFE10]  }
0x1d9: {  	v10 =	vld [tilespmem:s28+$0xFFFFFE20]  }
0x1da: {  	v11 =	vld [tilespmem:s28+$0xFFFFFE30]  }
0x1db: {  	v12 =	vld [tilespmem:s28+$0xFFFFFE40]  }
0x1dc: {  	v5 =	vmul.f32 v7, v5;
	v13 =	vld [tilespmem:s28+$0xFFFFFE50]  }
0x1dd: {  	v8 =	vmul.f32 v8, v7;
	v14 =	vld [tilespmem:s28+$0xFFFFFE60]  }
0x1de: {  	[tilespmem:s28+$0xFFFFFE00] =	vst v5;
	v5 =	vmul.f32 v10, v7;
	v10 =	vld [tilespmem:s28+$0xFFFFFE70]  }
0x1df: {  	[tilespmem:s28+$0xFFFFFE10] =	vst v8;
	v8 =	vmul.f32 v11, v7;
	v11 =	vld [tilespmem:s28+$0xFFFFFE80]  }
0x1e0: {  	[tilespmem:s28+$0xFFFFFE20] =	vst v5;
	v5 =	vmul.f32 v12, v7;
	v12 =	vld [tilespmem:s28+$0xFFFFFE90]  }
0x1e1: {  	[tilespmem:s28+$0xFFFFFE30] =	vst v8;
	v8 =	vmul.f32 v13, v7;
	v13 =	vld [tilespmem:s28+$0xFFFFFEA0]  }
0x1e2: {  	[tilespmem:s28+$0xFFFFFE40] =	vst v5;
	v5 =	vmul.f32 v14, v7;
	v14 =	vld [tilespmem:s28+$0xFFFFFEB0]  }
0x1e3: {  	[tilespmem:s28+$0xFFFFFE50] =	vst v8;
	v7 =	vmul.f32 v10, v7;
	v8 =	vld [tilespmem:s28+$0xFFFFFEC0]  }
0x1e4: {  	[tilespmem:s28+$0xFFFFFE60] =	vst v5;
	v5 =	vmul.f32 v6, v11;
	v10 =	vld [tilespmem:s28+$0xFFFFFED0]  }
0x1e5: {  	[tilespmem:s28+$0xFFFFFE70] =	vst v7;
	v7 =	vmul.f32 v12, v6;
	v11 =	vld [tilespmem:s28+$0xFFFFFEE0]  }
0x1e6: {  	[tilespmem:s28+$0xFFFFFE80] =	vst v5;
	v5 =	vmul.f32 v13, v6;
	v12 =	vld [tilespmem:s28+$0xFFFFFEF0]  }
0x1e7: {  	[tilespmem:s28+$0xFFFFFE90] =	vst v7;
	v7 =	vmul.f32 v14, v6;
	v13 =	vld [tilespmem:s28+$0xFFFFFF00]  }
0x1e8: {  	[tilespmem:s28+$0xFFFFFEA0] =	vst v5;
	v5 =	vmul.f32 v8, v6;
	v8 =	vld [tilespmem:s28+$0xFFFFFF10]  }
0x1e9: {  	[tilespmem:s28+$0xFFFFFEB0] =	vst v7;
	v7 =	vmul.f32 v10, v6;
	v10 =	vld [tilespmem:s28+$0xFFFFFF20]  }
0x1ea: {  	[tilespmem:s28+$0xFFFFFEC0] =	vst v5;
	v5 =	vmul.f32 v11, v6;
	v11 =	vld [tilespmem:s28+$0xFFFFFF30]  }
0x1eb: {  	[tilespmem:s28+$0xFFFFFED0] =	vst v7;
	v6 =	vmul.f32 v12, v6;
	v7 =	vld [tilespmem:s28+$0xFFFFFF40]  }
0x1ec: {  	[tilespmem:s28+$0xFFFFFEE0] =	vst v5;
	v5 =	vmul.f32 v9, v13;
	v12 =	vld [tilespmem:s28+$0xFFFFFF50]  }
0x1ed: {  	[tilespmem:s28+$0xFFFFFEF0] =	vst v6;
	v6 =	vmul.f32 v8, v9;
	v8 =	vld [tilespmem:s28+$0xFFFFFF60]  }
0x1ee: {  	[tilespmem:s28+$0xFFFFFF00] =	vst v5;
	v5 =	vmul.f32 v10, v9;
	v10 =	vld [tilespmem:s28+$0xFFFFFF70]  }
0x1ef: {  	[tilespmem:s28+$0xFFFFFF10] =	vst v6;
	v6 =	vmul.f32 v11, v9;
	v11 =	vld [tilespmem:s28+$0xFFFFFF80]  }
0x1f0: {  	[tilespmem:s28+$0xFFFFFF20] =	vst v5;
	v5 =	vmul.f32 v7, v9;
	v7 =	vld [tilespmem:s28+$0xFFFFFF90]  }
0x1f1: {  	[tilespmem:s28+$0xFFFFFF30] =	vst v6;
	v6 =	vmul.f32 v12, v9;
	v12 =	vld [tilespmem:s28+$0xFFFFFFA0]  }
0x1f2: {  	[tilespmem:s28+$0xFFFFFF40] =	vst v5;
	v5 =	vmul.f32 v8, v9;
	v8 =	vld [tilespmem:s28+$0xFFFFFFB0]  }
0x1f3: {  	[tilespmem:s28+$0xFFFFFF50] =	vst v6;
	v6 =	vmul.f32 v10, v9;
	v9 =	vld [tilespmem:s28+$0xFFFFFFC0]  }
0x1f4: {  	[tilespmem:s28+$0xFFFFFF60] =	vst v5;
	v5 =	vmul.f32 v4, v11;
	v10 =	vld [tilespmem:s28+$0xFFFFFFD0]  }
0x1f5: {  	[tilespmem:s28+$0xFFFFFF70] =	vst v6;
	v6 =	vmul.f32 v7, v4;
	v7 =	vld [tilespmem:s28+$0xFFFFFFE0]  }
0x1f6: {  	[tilespmem:s28+$0xFFFFFF80] =	vst v5;
	v5 =	vmul.f32 v12, v4;
	v11 =	vld [tilespmem:s28+$0xFFFFFFF0]  }
0x1f7: {  	[tilespmem:s28+$0xFFFFFF90] =	vst v6;
	v6 =	vmul.f32 v8, v4;
	v8 =	vld [tilespmem:s28+$0x0]  }
0x1f8: {  	[tilespmem:s28+$0xFFFFFFA0] =	vst v5;
	v5 =	vmul.f32 v9, v4;
	v9 =	vld [tilespmem:s28+$0x10]  }
0x1f9: {  	[tilespmem:s28+$0xFFFFFFB0] =	vst v6;
	v6 =	vmul.f32 v10, v4;
	v10 =	vld [tilespmem:s28+$0x20]  }
0x1fa: {  	[tilespmem:s28+$0xFFFFFFC0] =	vst v5;
	v5 =	vmul.f32 v7, v4;
	v7 =	vld [tilespmem:s28+$0x30]  }
0x1fb: {  	[tilespmem:s28+$0xFFFFFFD0] =	vst v6;
	v4 =	vmul.f32 v11, v4;
	v6 =	vld [tilespmem:s28+$0x40]  }
0x1fc: {  	[tilespmem:s28+$0xFFFFFFE0] =	vst v5;
	v5 =	vmul.f32 v3, v8;
	v8 =	vld [tilespmem:s28+$0x50]  }
0x1fd: {  	[tilespmem:s28+$0xFFFFFFF0] =	vst v4;
	v4 =	vmul.f32 v9, v3;
	v9 =	vld [tilespmem:s28+$0x60]  }
0x1fe: {  	[tilespmem:s28+$0x0] =	vst v5;
	v5 =	vmul.f32 v10, v3;
	v10 =	vld [tilespmem:s28+$0x70]  }
0x1ff: {  	[tilespmem:s28+$0x10] =	vst v4;
	v4 =	vmul.f32 v7, v3;
	v7 =	vld [tilespmem:s28+$0x80]  }
0x200: {  	[tilespmem:s28+$0x20] =	vst v5;
	v5 =	vmul.f32 v6, v3;
	v6 =	vld [tilespmem:s28+$0x90]  }
0x201: {  	[tilespmem:s28+$0x30] =	vst v4;
	v4 =	vmul.f32 v8, v3;
	v8 =	vld [tilespmem:s28+$0xA0]  }
0x202: {  	[tilespmem:s28+$0x40] =	vst v5;
	v5 =	vmul.f32 v9, v3;
	v9 =	vld [tilespmem:s28+$0xB0]  }
0x203: {  	[tilespmem:s28+$0x50] =	vst v4;
	v3 =	vmul.f32 v10, v3;
	v4 =	vld [tilespmem:s28+$0xC0]  }
0x204: {  	[tilespmem:s28+$0x60] =	vst v5;
	v5 =	vmul.f32 v2, v7;
	v7 =	vld [tilespmem:s28+$0xD0]  }
0x205: {  	[tilespmem:s28+$0x70] =	vst v3;
	v3 =	vmul.f32 v6, v2;
	v6 =	vld [tilespmem:s28+$0xE0]  }
0x206: {  	[tilespmem:s28+$0x80] =	vst v5;
	v5 =	vmul.f32 v8, v2;
	v8 =	vld [tilespmem:s28+$0xF0]  }
0x207: {  	[tilespmem:s28+$0x90] =	vst v3;
	v3 =	vmul.f32 v9, v2;
	v9 =	vld [tilespmem:s28+$0x100]  }
0x208: {  	[tilespmem:s28+$0xA0] =	vst v5;
	v4 =	vmul.f32 v4, v2;
	v5 =	vld [tilespmem:s28+$0x110]  }
0x209: {  	[tilespmem:s28+$0xB0] =	vst v3;
	v3 =	vmul.f32 v7, v2;
	v7 =	vld [tilespmem:s28+$0x120]  }
0x20a: {  	[tilespmem:s28+$0xC0] =	vst v4;
	v4 =	vmul.f32 v6, v2;
	v6 =	vld [tilespmem:s28+$0x130]  }
0x20b: {  	[tilespmem:s28+$0xD0] =	vst v3;
	v2 =	vmul.f32 v8, v2;
	v3 =	vld [tilespmem:s28+$0x140]  }
0x20c: {  	[tilespmem:s28+$0xE0] =	vst v4;
	v4 =	vmul.f32 v1, v9;
	v8 =	vld [tilespmem:s28+$0x150]  }
0x20d: {  	[tilespmem:s28+$0xF0] =	vst v2;
	v2 =	vmul.f32 v5, v1;
	v5 =	vld [tilespmem:s28+$0x160]  }
0x20e: {  	[tilespmem:s28+$0x100] =	vst v4;
	v4 =	vmul.f32 v7, v1;
	v7 =	vld [tilespmem:s28+$0x170]  }
0x20f: {  	[tilespmem:s28+$0x110] =	vst v2;
	v2 =	vmul.f32 v6, v1;
	v6 =	vld [tilespmem:s28+$0x180]  }
0x210: {  	[tilespmem:s28+$0x120] =	vst v4;
	v4 =	vmul.f32 v3, v1;
	v9 =	vld [tilespmem:s28+$0x190]  }
.Ltmp2:
0x211: {  	[tilespmem:s28+$0x130] =	vst v2;
	v8 =	vmul.f32 v8, v1;
	v3 =	vld [tilespmem:s28+$0x1A0];
	(pc) =	sbr.rel @p0 .LBB2_7-.Ltmp2, $4  }
0x212: {  	[tilespmem:s28+$0x140] =	vst v4;
	v4 =	vmul.f32 v5, v1;
	v2 =	vld [tilespmem:s28+$0x1B0]  }
0x213: {  	[tilespmem:s28+$0x150] =	vst v8;
	v5 =	vmul.f32 v7, v1;
	v1 =	vld [tilespmem:s28+$0x1C0]  }
0x214: {  	[tilespmem:s28+$0x160] =	vst v4;
	v7 =	vmul.f32 v0, v6;
	v4 =	vld [tilespmem:s28+$0x1D0]  }
0x215: {  	s26 =	sadd.s32 $0x8, s26;
	[tilespmem:s28+$0x170] =	vst v5;
	v6 =	vmul.f32 v9, v0;
	v5 =	vld [tilespmem:s28+$0x1E0]  }
0x216: {  	[tilespmem:s24+$0x180] =	vst v7;
	v3 =	vmul.f32 v3, v0  }
0x217: {  	[tilespmem:s24+$0x190] =	vst v6;
	v2 =	vmul.f32 v2, v0  }
0x218: {  	[tilespmem:s24+$0x1A0] =	vst v3;
	v1 =	vmul.f32 v1, v0  }
0x219: {  	[tilespmem:s24+$0x1B0] =	vst v2;
	v2 =	vmul.f32 v4, v0  }
0x21a: {  	[tilespmem:s24+$0x1C0] =	vst v1;
	v0 =	vmul.f32 v5, v0  }
0x21b: {  	[tilespmem:s24+$0x1D0] =	vst v2  }
0x21c: {  	[tilespmem:s24+$0x1E0] =	vst v0  }
0x21d: {  	_ =	swait.ge [sflag:s12], $0x50  }
0x21e: {  	[sflag:s12] =	ssyncset.done $0x0  }
0x21f: {  	[sflag:s12] =	ssyncadd.s32 $0xFFFFFFB0  }
0x220: {  	[spmem:s4] =	stream.indirect.scatter.add.f32 [tilespmem:s7], [sflag:$0x3], $0x80, s8, s3, $0xb8;
	[tilespmem:$0x1E000] =	vst v63  }
0x221: {  	_ =	swait.ge [sflag:s13], $0x2800  }
0x222: {  	[sflag:s13] =	ssyncset.done $0x0  }
0x223: {  	s23 =	sadd.s32 $0xA0, s23;
	[sflag:s13] =	ssyncadd.s32 $0xFFFFD800  }
0x224: {  	s28 =	sadd.s32 s6, s23;
	_ =	swait.ge [sflag:s14], $0x2800  }
0x225: {  	s24 =	sshrl.u32 s28, $0x3;
	[sflag:s14] =	ssyncset.done $0x0  }
0x226: {  	s24 =	sadd.s32 s2, s24;
	[sflag:s14] =	ssyncadd.s32 $0xFFFFD800  }
0x227: {  	[tilespmem:s8], [sflag:$0x5] =	stream.linear.gather [hbm4b:s24+s5], $0x50, $0x38;
	[tilespmem:$0x1E000] =	vst v63  }
0x228: {  	_ = 	snop  }
0x229: {  	[tilespmem:s7], [sflag:$0x1] =	stream.indirect.gather [hbm4b:s1+s3], $0x80, s23, s3, $0xb8;
	[tilespmem:$0x1E000] =	vst v63  }
0x22a: {  	s23 =	simm.s32 $0x7A00;
	v0 =	vld.msk [tilespmem:s22+$0x0 ss:$0x0], $0xffff  }
0x22b: {  	v1 =	vld [tilespmem:s23+$0x1F0]  }
0x22c: {  	v2 =	vld.msk [tilespmem:s22+$0xFFFFFFF9 ss:$0x0], $0xffff  }
0x22d: {  	v3 =	vld [tilespmem:s23+$0xFFFFFE00]  }
0x22e: {  	v4 =	vld [tilespmem:s23+$0xFFFFFE10]  }
0x22f: {  	v5 =	vld [tilespmem:s23+$0xFFFFFE20]  }
0x230: {  	v6 =	vld [tilespmem:s23+$0xFFFFFE30]  }
0x231: {  	v7 =	vld [tilespmem:s23+$0xFFFFFE40]  }
0x232: {  	v8 =	vld [tilespmem:s23+$0xFFFFFE50]  }
0x233: {  	v9 =	vld [tilespmem:s23+$0xFFFFFE60]  }
0x234: {  	v10 =	vld.msk [tilespmem:s22+$0xFFFFFFFA ss:$0x0], $0xffff  }
0x235: {  	v11 =	vld [tilespmem:s23+$0xFFFFFE80]  }
0x236: {  	v12 =	vld [tilespmem:s23+$0xFFFFFE90]  }
0x237: {  	v14 =	vld [tilespmem:s23+$0xFFFFFEB0];
	v3 =	vmul.f32 v2, v3  }
0x238: {  	v15 =	vld [tilespmem:s23+$0xFFFFFEC0];
	v1 =	vmul.f32 v1, v0  }
0x239: {  	v13 =	vld [tilespmem:s23+$0xFFFFFEA0];
	v4 =	vmul.f32 v4, v2;
	[tilespmem:s23+$0xFFFFFE00] =	vst v3  }
0x23a: {  	v47 =	vld [tilespmem:s23+$0xFFFFFED0];
	v5 =	vmul.f32 v5, v2;
	[tilespmem:s23+$0x1F0] =	vst v1  }
0x23b: {  	v48 =	vld [tilespmem:s23+$0xFFFFFF10];
	v6 =	vmul.f32 v6, v2;
	[tilespmem:s23+$0xFFFFFE10] =	vst v4  }
0x23c: {  	v49 =	vld [tilespmem:s23+$0xFFFFFF40];
	v50 =	vmul.f32 v14, v10;
	[tilespmem:s23+$0xFFFFFE20] =	vst v5  }
0x23d: {  	v52 =	vld [tilespmem:s23+$0xFFFFFF70];
	v51 =	vmul.f32 v15, v10;
	[tilespmem:s23+$0xFFFFFE30] =	vst v6  }
0x23e: {  	v3 =	vld [tilespmem:s23+$0xFFFFFE70];
	v1 =	vmul.f32 v10, v11;
	[tilespmem:s23+$0xFFFFFEB0] =	vst v50  }
0x23f: {  	v4 =	vld [tilespmem:s23+$0xFFFFFEE0];
	v5 =	vmul.f32 v7, v2;
	[tilespmem:s23+$0xFFFFFEC0] =	vst v51  }
0x240: {  	v7 =	vld [tilespmem:s23+$0xFFFFFEF0];
	v6 =	vmul.f32 v8, v2;
	[tilespmem:s23+$0xFFFFFE80] =	vst v1  }
0x241: {  	v8 =	vld [tilespmem:s23+$0xFFFFFF00];
	[tilespmem:s23+$0xFFFFFE40] =	vst v5;
	v5 =	vmul.f32 v9, v2  }
0x242: {  	v11 =	vmul.f32 v47, v10;
	v1 =	vld.msk [tilespmem:s22+$0xFFFFFFFB ss:$0x0], $0xffff;
	[tilespmem:s23+$0xFFFFFE50] =	vst v6  }
0x243: {  	v53 =	vld [tilespmem:s23+$0xFFFFFF80];
	[tilespmem:s23+$0xFFFFFE60] =	vst v5;
	v5 =	vmul.f32 v12, v10  }
0x244: {  	v54 =	vld [tilespmem:s23+$0xFFFFFF90];
	[tilespmem:s23+$0xFFFFFED0] =	vst v11;
	v2 =	vmul.f32 v3, v2  }
0x245: {  	v55 =	vld [tilespmem:s23+$0xFFFFFFA0];
	v4 =	vmul.f32 v4, v10;
	[tilespmem:s23+$0xFFFFFE90] =	vst v5  }
0x246: {  	v6 =	vld [tilespmem:s23+$0xFFFFFF30];
	v7 =	vmul.f32 v7, v10;
	[tilespmem:s23+$0xFFFFFE70] =	vst v2  }
0x247: {  	v3 =	vld [tilespmem:s23+$0xFFFFFF20];
	v5 =	vmul.f32 v1, v8;
	[tilespmem:s23+$0xFFFFFEE0] =	vst v4  }
0x248: {  	v2 =	vmul.f32 v13, v10;
	v8 =	vld [tilespmem:s23+$0xFFFFFF50];
	[tilespmem:s23+$0xFFFFFEF0] =	vst v7  }
0x249: {  	v4 =	vmul.f32 v48, v1;
	[tilespmem:s23+$0xFFFFFF00] =	vst v5;
	v5 =	vld.msk [tilespmem:s22+$0xFFFFFFFC ss:$0x0], $0xffff  }
0x24a: {  	v12 =	vmul.f32 v49, v1;
	[tilespmem:s23+$0xFFFFFEA0] =	vst v2;
	v2 =	vld [tilespmem:s23+$0xFFFFFF60]  }
0x24b: {  	v56 =	vld [tilespmem:s23+$0xFFFFFFD0];
	[tilespmem:s23+$0xFFFFFF10] =	vst v4;
	v4 =	vmul.f32 v6, v1  }
0x24c: {  	v57 =	vld.msk [tilespmem:s22+$0xFFFFFFFD ss:$0x0], $0xffff;
	[tilespmem:s23+$0xFFFFFF40] =	vst v12;
	v3 =	vmul.f32 v3, v1  }
0x24d: {  	v58 =	vld [tilespmem:s23+$0x10];
	[tilespmem:s23+$0xFFFFFF30] =	vst v4;
	v8 =	vmul.f32 v8, v1  }
0x24e: {  	v59 =	vld [tilespmem:s23+$0x20];
	[tilespmem:s23+$0xFFFFFF20] =	vst v3;
	v3 =	vmul.f32 v5, v53  }
0x24f: {  	v4 =	vld [tilespmem:s23+$0xFFFFFFE0];
	v2 =	vmul.f32 v2, v1;
	[tilespmem:s23+$0xFFFFFF50] =	vst v8  }
0x250: {  	v7 =	vld [tilespmem:s23+$0xFFFFFFB0];
	v1 =	vmul.f32 v52, v1;
	[tilespmem:s23+$0xFFFFFF80] =	vst v3  }
0x251: {  	v6 =	vld [tilespmem:s23+$0xFFFFFFC0];
	v11 =	vmul.f32 v56, v5;
	[tilespmem:s23+$0xFFFFFF60] =	vst v2  }
0x252: {  	v8 =	vld [tilespmem:s23+$0x0];
	v2 =	vmul.f32 v54, v5;
	[tilespmem:s23+$0xFFFFFF70] =	vst v1  }
0x253: {  	v60 =	vld.msk [tilespmem:s22+$0xFFFFFFFE ss:$0x0], $0xffff;
	v1 =	vmul.f32 v55, v5;
	[tilespmem:s23+$0xFFFFFFD0] =	vst v11  }
0x254: {  	v3 =	vld [tilespmem:s23+$0xFFFFFFF0];
	v4 =	vmul.f32 v4, v5;
	[tilespmem:s23+$0xFFFFFF90] =	vst v2  }
0x255: {  	v2 =	vmul.f32 v7, v5;
	v7 =	vld [tilespmem:s23+$0x30];
	[tilespmem:s23+$0xFFFFFFA0] =	vst v1  }
0x256: {  	v61 =	vld [tilespmem:s23+$0x90];
	v1 =	vmul.f32 v6, v5;
	[tilespmem:s23+$0xFFFFFFE0] =	vst v4  }
0x257: {  	[tilespmem:s23+$0xFFFFFFB0] =	vst v2;
	v2 =	vmul.f32 v57, v8;
	v8 =	vld [tilespmem:s23+$0x50]  }
0x258: {  	v4 =	vmul.f32 v58, v57;
	[tilespmem:s23+$0xFFFFFFC0] =	vst v1;
	v1 =	vld [tilespmem:s23+$0x60]  }
0x259: {  	v6 =	vld [tilespmem:s23+$0x40];
	[tilespmem:s23+$0x0] =	vst v2;
	v2 =	vmul.f32 v3, v5  }
0x25a: {  	[tilespmem:s23+$0x10] =	vst v4;
	v3 =	vld [tilespmem:s23+$0x70];
	v4 =	vmul.f32 v7, v57  }
0x25b: {  	v5 =	vld [tilespmem:s23+$0x80];
	[tilespmem:s23+$0xFFFFFFF0] =	vst v2;
	v2 =	vmul.f32 v59, v57  }
0x25c: {  	v62 =	vld.msk [tilespmem:s22+$0xFFFFFFFF ss:$0x0], $0xffff;
	[tilespmem:s23+$0x30] =	vst v4;
	v4 =	vmul.f32 v8, v57  }
0x25d: {  	v7 =	vld [tilespmem:s23+$0xA0];
	v1 =	vmul.f32 v1, v57;
	[tilespmem:s23+$0x20] =	vst v2  }
0x25e: {  	v2 =	vmul.f32 v6, v57;
	v6 =	vld [tilespmem:s23+$0xB0];
	[tilespmem:s23+$0x50] =	vst v4  }
0x25f: {  	v8 =	vld [tilespmem:s23+$0xC0];
	v3 =	vmul.f32 v3, v57;
	[tilespmem:s23+$0x60] =	vst v1  }
0x260: {  	v1 =	vmul.f32 v61, v60;
	[tilespmem:s23+$0x40] =	vst v2;
	v2 =	vmul.f32 v60, v5;
	v5 =	vld [tilespmem:s23+$0xD0]  }
0x261: {  	v4 =	vld [tilespmem:s23+$0xE0];
	[tilespmem:s23+$0x70] =	vst v3  }
0x262: {  	v3 =	vmul.f32 v7, v60;
	v7 =	vld [tilespmem:s23+$0x100];
	[tilespmem:s23+$0x90] =	vst v1  }
0x263: {  	[tilespmem:s23+$0x80] =	vst v2;
	v2 =	vld [tilespmem:s23+$0xF0];
	v1 =	vmul.f32 v6, v60  }
0x264: {  	v6 =	vld [tilespmem:s23+$0x110];
	[tilespmem:s23+$0xA0] =	vst v3;
	v3 =	vmul.f32 v8, v60  }
0x265: {  	v8 =	vld [tilespmem:s23+$0x120];
	[tilespmem:s23+$0xB0] =	vst v1;
	v1 =	vmul.f32 v5, v60  }
0x266: {  	v5 =	vld [tilespmem:s23+$0x130];
	[tilespmem:s23+$0xC0] =	vst v3;
	v3 =	vmul.f32 v4, v60  }
0x267: {  	v4 =	vld [tilespmem:s23+$0x140];
	[tilespmem:s23+$0xD0] =	vst v1;
	v1 =	vmul.f32 v62, v7  }
0x268: {  	v7 =	vld [tilespmem:s23+$0x150];
	v2 =	vmul.f32 v2, v60;
	[tilespmem:s23+$0xE0] =	vst v3  }
0x269: {  	v63 =	vld [tilespmem:s23+$0x160];
	v3 =	vmul.f32 v6, v62;
	[tilespmem:s23+$0x100] =	vst v1  }
0x26a: {  	v6 =	vld [tilespmem:s23+$0x170];
	[tilespmem:s23+$0xF0] =	vst v2;
	v1 =	vmul.f32 v8, v62  }
0x26b: {  	[tilespmem:s23+$0x110] =	vst v3;
	v2 =	vmul.f32 v5, v62;
	v5 =	vld [tilespmem:s23+$0x180]  }
0x26c: {  	v8 =	vld [tilespmem:s23+$0x190];
	[tilespmem:s23+$0x120] =	vst v1;
	v1 =	vmul.f32 v4, v62  }
0x26d: {  	v3 =	vld [tilespmem:s23+$0x1A0];
	[tilespmem:s23+$0x130] =	vst v2;
	v4 =	vmul.f32 v7, v62  }
0x26e: {  	v7 =	vmul.f32 v63, v62;
	v2 =	vld [tilespmem:s23+$0x1B0];
	[tilespmem:s23+$0x140] =	vst v1  }
0x26f: {  	v6 =	vmul.f32 v6, v62;
	v1 =	vld [tilespmem:s23+$0x1C0];
	[tilespmem:s23+$0x150] =	vst v4  }
0x270: {  	[tilespmem:s23+$0x160] =	vst v7;
	v4 =	vld [tilespmem:s23+$0x1D0];
	v7 =	vmul.f32 v0, v5  }
0x271: {  	s25 =	sadd.s32 $0x8, s22;
	s26 =	simm.s32 $0x7A00;
	s24 =	simm.s32 $0x0;
	[tilespmem:s23+$0x170] =	vst v6;
	v6 =	vmul.f32 v8, v0;
	v5 =	vld [tilespmem:s23+$0x1E0]  }
.LBB2_9:
0x272: {  	v8 =	vld.msk [tilespmem:s25+$0x0 ss:$0x0], $0xffff;
	s24 =	sadd.s32 $0x8, s24;
	[tilespmem:s23+$0x180] =	vst v7;
	v3 =	vmul.f32 v3, v0;
	s26 =	sadd.s32 $0x400, s26  }
0x273: {  	v7 =	vld [tilespmem:s26+$0x1F0];
	p0 =	slt.u32 s24, $0x48;
	[tilespmem:s23+$0x190] =	vst v6;
	v2 =	vmul.f32 v2, v0  }
0x274: {  	v6 =	vld.msk [tilespmem:s25+$0xFFFFFFFA ss:$0x0], $0xffff;
	[tilespmem:s23+$0x1A0] =	vst v3;
	v1 =	vmul.f32 v1, v0  }
0x275: {  	v9 =	vld.msk [tilespmem:s25+$0xFFFFFFFB ss:$0x0], $0xffff;
	[tilespmem:s23+$0x1B0] =	vst v2;
	v2 =	vmul.f32 v4, v0  }
0x276: {  	v4 =	vld.msk [tilespmem:s25+$0xFFFFFFFC ss:$0x0], $0xffff;
	[tilespmem:s23+$0x1C0] =	vst v1;
	v1 =	vmul.f32 v5, v0  }
0x277: {  	v3 =	vld.msk [tilespmem:s25+$0xFFFFFFFD ss:$0x0], $0xffff;
	[tilespmem:s23+$0x1D0] =	vst v2  }
0x278: {  	v0 =	vmov v8;
	v2 =	vld.msk [tilespmem:s25+$0xFFFFFFFE ss:$0x0], $0xffff;
	v5 =	vmul.f32 v7, v8;
	[tilespmem:s23+$0x1E0] =	vst v1;
	s23 =	smov.u32 s26  }
0x279: {  	v1 =	vld.msk [tilespmem:s25+$0xFFFFFFFF ss:$0x0], $0xffff  }
0x27a: {  	v7 =	vld.msk [tilespmem:s25+$0xFFFFFFF9 ss:$0x0], $0xffff;
	[tilespmem:s26+$0x1F0] =	vst v5  }
0x27b: {  	v5 =	vld [tilespmem:s26+$0xFFFFFE00]  }
0x27c: {  	v8 =	vld [tilespmem:s26+$0xFFFFFE10]  }
0x27d: {  	v10 =	vld [tilespmem:s26+$0xFFFFFE20]  }
0x27e: {  	v11 =	vld [tilespmem:s26+$0xFFFFFE30]  }
0x27f: {  	v12 =	vld [tilespmem:s26+$0xFFFFFE40]  }
0x280: {  	v5 =	vmul.f32 v7, v5;
	v13 =	vld [tilespmem:s26+$0xFFFFFE50]  }
0x281: {  	v8 =	vmul.f32 v8, v7;
	v14 =	vld [tilespmem:s26+$0xFFFFFE60]  }
0x282: {  	[tilespmem:s26+$0xFFFFFE00] =	vst v5;
	v5 =	vmul.f32 v10, v7;
	v10 =	vld [tilespmem:s26+$0xFFFFFE70]  }
0x283: {  	[tilespmem:s26+$0xFFFFFE10] =	vst v8;
	v8 =	vmul.f32 v11, v7;
	v11 =	vld [tilespmem:s26+$0xFFFFFE80]  }
0x284: {  	[tilespmem:s26+$0xFFFFFE20] =	vst v5;
	v5 =	vmul.f32 v12, v7;
	v12 =	vld [tilespmem:s26+$0xFFFFFE90]  }
0x285: {  	[tilespmem:s26+$0xFFFFFE30] =	vst v8;
	v8 =	vmul.f32 v13, v7;
	v13 =	vld [tilespmem:s26+$0xFFFFFEA0]  }
0x286: {  	[tilespmem:s26+$0xFFFFFE40] =	vst v5;
	v5 =	vmul.f32 v14, v7;
	v14 =	vld [tilespmem:s26+$0xFFFFFEB0]  }
0x287: {  	[tilespmem:s26+$0xFFFFFE50] =	vst v8;
	v7 =	vmul.f32 v10, v7;
	v8 =	vld [tilespmem:s26+$0xFFFFFEC0]  }
0x288: {  	[tilespmem:s26+$0xFFFFFE60] =	vst v5;
	v5 =	vmul.f32 v6, v11;
	v10 =	vld [tilespmem:s26+$0xFFFFFED0]  }
0x289: {  	[tilespmem:s26+$0xFFFFFE70] =	vst v7;
	v7 =	vmul.f32 v12, v6;
	v11 =	vld [tilespmem:s26+$0xFFFFFEE0]  }
0x28a: {  	[tilespmem:s26+$0xFFFFFE80] =	vst v5;
	v5 =	vmul.f32 v13, v6;
	v12 =	vld [tilespmem:s26+$0xFFFFFEF0]  }
0x28b: {  	[tilespmem:s26+$0xFFFFFE90] =	vst v7;
	v7 =	vmul.f32 v14, v6;
	v13 =	vld [tilespmem:s26+$0xFFFFFF00]  }
0x28c: {  	[tilespmem:s26+$0xFFFFFEA0] =	vst v5;
	v5 =	vmul.f32 v8, v6;
	v8 =	vld [tilespmem:s26+$0xFFFFFF10]  }
0x28d: {  	[tilespmem:s26+$0xFFFFFEB0] =	vst v7;
	v7 =	vmul.f32 v10, v6;
	v10 =	vld [tilespmem:s26+$0xFFFFFF20]  }
0x28e: {  	[tilespmem:s26+$0xFFFFFEC0] =	vst v5;
	v5 =	vmul.f32 v11, v6;
	v11 =	vld [tilespmem:s26+$0xFFFFFF30]  }
0x28f: {  	[tilespmem:s26+$0xFFFFFED0] =	vst v7;
	v6 =	vmul.f32 v12, v6;
	v7 =	vld [tilespmem:s26+$0xFFFFFF40]  }
0x290: {  	[tilespmem:s26+$0xFFFFFEE0] =	vst v5;
	v5 =	vmul.f32 v9, v13;
	v12 =	vld [tilespmem:s26+$0xFFFFFF50]  }
0x291: {  	[tilespmem:s26+$0xFFFFFEF0] =	vst v6;
	v6 =	vmul.f32 v8, v9;
	v8 =	vld [tilespmem:s26+$0xFFFFFF60]  }
0x292: {  	[tilespmem:s26+$0xFFFFFF00] =	vst v5;
	v5 =	vmul.f32 v10, v9;
	v10 =	vld [tilespmem:s26+$0xFFFFFF70]  }
0x293: {  	[tilespmem:s26+$0xFFFFFF10] =	vst v6;
	v6 =	vmul.f32 v11, v9;
	v11 =	vld [tilespmem:s26+$0xFFFFFF80]  }
0x294: {  	[tilespmem:s26+$0xFFFFFF20] =	vst v5;
	v5 =	vmul.f32 v7, v9;
	v7 =	vld [tilespmem:s26+$0xFFFFFF90]  }
0x295: {  	[tilespmem:s26+$0xFFFFFF30] =	vst v6;
	v6 =	vmul.f32 v12, v9;
	v12 =	vld [tilespmem:s26+$0xFFFFFFA0]  }
0x296: {  	[tilespmem:s26+$0xFFFFFF40] =	vst v5;
	v5 =	vmul.f32 v8, v9;
	v8 =	vld [tilespmem:s26+$0xFFFFFFB0]  }
0x297: {  	[tilespmem:s26+$0xFFFFFF50] =	vst v6;
	v6 =	vmul.f32 v10, v9;
	v9 =	vld [tilespmem:s26+$0xFFFFFFC0]  }
0x298: {  	[tilespmem:s26+$0xFFFFFF60] =	vst v5;
	v5 =	vmul.f32 v4, v11;
	v10 =	vld [tilespmem:s26+$0xFFFFFFD0]  }
0x299: {  	[tilespmem:s26+$0xFFFFFF70] =	vst v6;
	v6 =	vmul.f32 v7, v4;
	v7 =	vld [tilespmem:s26+$0xFFFFFFE0]  }
0x29a: {  	[tilespmem:s26+$0xFFFFFF80] =	vst v5;
	v5 =	vmul.f32 v12, v4;
	v11 =	vld [tilespmem:s26+$0xFFFFFFF0]  }
0x29b: {  	[tilespmem:s26+$0xFFFFFF90] =	vst v6;
	v6 =	vmul.f32 v8, v4;
	v8 =	vld [tilespmem:s26+$0x0]  }
0x29c: {  	[tilespmem:s26+$0xFFFFFFA0] =	vst v5;
	v5 =	vmul.f32 v9, v4;
	v9 =	vld [tilespmem:s26+$0x10]  }
0x29d: {  	[tilespmem:s26+$0xFFFFFFB0] =	vst v6;
	v6 =	vmul.f32 v10, v4;
	v10 =	vld [tilespmem:s26+$0x20]  }
0x29e: {  	[tilespmem:s26+$0xFFFFFFC0] =	vst v5;
	v5 =	vmul.f32 v7, v4;
	v7 =	vld [tilespmem:s26+$0x30]  }
0x29f: {  	[tilespmem:s26+$0xFFFFFFD0] =	vst v6;
	v4 =	vmul.f32 v11, v4;
	v6 =	vld [tilespmem:s26+$0x40]  }
0x2a0: {  	[tilespmem:s26+$0xFFFFFFE0] =	vst v5;
	v5 =	vmul.f32 v3, v8;
	v8 =	vld [tilespmem:s26+$0x50]  }
0x2a1: {  	[tilespmem:s26+$0xFFFFFFF0] =	vst v4;
	v4 =	vmul.f32 v9, v3;
	v9 =	vld [tilespmem:s26+$0x60]  }
0x2a2: {  	[tilespmem:s26+$0x0] =	vst v5;
	v5 =	vmul.f32 v10, v3;
	v10 =	vld [tilespmem:s26+$0x70]  }
0x2a3: {  	[tilespmem:s26+$0x10] =	vst v4;
	v4 =	vmul.f32 v7, v3;
	v7 =	vld [tilespmem:s26+$0x80]  }
0x2a4: {  	[tilespmem:s26+$0x20] =	vst v5;
	v5 =	vmul.f32 v6, v3;
	v6 =	vld [tilespmem:s26+$0x90]  }
0x2a5: {  	[tilespmem:s26+$0x30] =	vst v4;
	v4 =	vmul.f32 v8, v3;
	v8 =	vld [tilespmem:s26+$0xA0]  }
0x2a6: {  	[tilespmem:s26+$0x40] =	vst v5;
	v5 =	vmul.f32 v9, v3;
	v9 =	vld [tilespmem:s26+$0xB0]  }
0x2a7: {  	[tilespmem:s26+$0x50] =	vst v4;
	v3 =	vmul.f32 v10, v3;
	v4 =	vld [tilespmem:s26+$0xC0]  }
0x2a8: {  	[tilespmem:s26+$0x60] =	vst v5;
	v5 =	vmul.f32 v2, v7;
	v7 =	vld [tilespmem:s26+$0xD0]  }
0x2a9: {  	[tilespmem:s26+$0x70] =	vst v3;
	v3 =	vmul.f32 v6, v2;
	v6 =	vld [tilespmem:s26+$0xE0]  }
0x2aa: {  	[tilespmem:s26+$0x80] =	vst v5;
	v5 =	vmul.f32 v8, v2;
	v8 =	vld [tilespmem:s26+$0xF0]  }
0x2ab: {  	[tilespmem:s26+$0x90] =	vst v3;
	v3 =	vmul.f32 v9, v2;
	v9 =	vld [tilespmem:s26+$0x100]  }
0x2ac: {  	[tilespmem:s26+$0xA0] =	vst v5;
	v4 =	vmul.f32 v4, v2;
	v5 =	vld [tilespmem:s26+$0x110]  }
0x2ad: {  	[tilespmem:s26+$0xB0] =	vst v3;
	v3 =	vmul.f32 v7, v2;
	v7 =	vld [tilespmem:s26+$0x120]  }
0x2ae: {  	[tilespmem:s26+$0xC0] =	vst v4;
	v4 =	vmul.f32 v6, v2;
	v6 =	vld [tilespmem:s26+$0x130]  }
0x2af: {  	[tilespmem:s26+$0xD0] =	vst v3;
	v2 =	vmul.f32 v8, v2;
	v3 =	vld [tilespmem:s26+$0x140]  }
0x2b0: {  	[tilespmem:s26+$0xE0] =	vst v4;
	v4 =	vmul.f32 v1, v9;
	v8 =	vld [tilespmem:s26+$0x150]  }
0x2b1: {  	[tilespmem:s26+$0xF0] =	vst v2;
	v2 =	vmul.f32 v5, v1;
	v5 =	vld [tilespmem:s26+$0x160]  }
0x2b2: {  	[tilespmem:s26+$0x100] =	vst v4;
	v4 =	vmul.f32 v7, v1;
	v7 =	vld [tilespmem:s26+$0x170]  }
0x2b3: {  	[tilespmem:s26+$0x110] =	vst v2;
	v2 =	vmul.f32 v6, v1;
	v6 =	vld [tilespmem:s26+$0x180]  }
0x2b4: {  	[tilespmem:s26+$0x120] =	vst v4;
	v4 =	vmul.f32 v3, v1;
	v9 =	vld [tilespmem:s26+$0x190]  }
.Ltmp3:
0x2b5: {  	[tilespmem:s26+$0x130] =	vst v2;
	v8 =	vmul.f32 v8, v1;
	v3 =	vld [tilespmem:s26+$0x1A0];
	(pc) =	sbr.rel @p0 .LBB2_9-.Ltmp3, $4  }
0x2b6: {  	[tilespmem:s26+$0x140] =	vst v4;
	v4 =	vmul.f32 v5, v1;
	v2 =	vld [tilespmem:s26+$0x1B0]  }
0x2b7: {  	[tilespmem:s26+$0x150] =	vst v8;
	v5 =	vmul.f32 v7, v1;
	v1 =	vld [tilespmem:s26+$0x1C0]  }
0x2b8: {  	[tilespmem:s26+$0x160] =	vst v4;
	v7 =	vmul.f32 v0, v6;
	v4 =	vld [tilespmem:s26+$0x1D0]  }
0x2b9: {  	s25 =	sadd.s32 $0x8, s25;
	[tilespmem:s26+$0x170] =	vst v5;
	v6 =	vmul.f32 v9, v0;
	v5 =	vld [tilespmem:s26+$0x1E0]  }
0x2ba: {  	[tilespmem:s23+$0x180] =	vst v7;
	v3 =	vmul.f32 v3, v0  }
0x2bb: {  	[tilespmem:s23+$0x190] =	vst v6;
	v2 =	vmul.f32 v2, v0  }
0x2bc: {  	[tilespmem:s23+$0x1A0] =	vst v3;
	v1 =	vmul.f32 v1, v0  }
0x2bd: {  	[tilespmem:s23+$0x1B0] =	vst v2;
	v62 =	vmul.f32 v4, v0  }
0x2be: {  	s19 =	sadd.s32 $0x1, s19;
	[tilespmem:s23+$0x1C0] =	vst v1;
	v63 =	vmul.f32 v5, v0  }
0x2bf: {  	p0 =	sne.s32 s19, $0x3E;
	[tilespmem:s23+$0x1D0] =	vst v62  }
.Ltmp4:
0x2c0: {  	[tilespmem:s23+$0x1E0] =	vst v63;
	(pc) =	sbr.rel @p0 .LBB2_6-.Ltmp4, $4  }
0x2c1: {  	_ =	swait.ge [sflag:s15], $0x50  }
0x2c2: {  	[sflag:s15] =	ssyncset.done $0x0  }
0x2c3: {  	s21 =	sadd.s32 $0xA0, s21;
	s22 =	sadd.s32 $0xA0, s22;
	[sflag:s15] =	ssyncadd.s32 $0xFFFFFFB0  }
0x2c4: {  	[spmem:s4] =	stream.indirect.scatter.add.f32 [tilespmem:s11], [sflag:$0x4], $0x80, s10, s3, $0xb8;
	[tilespmem:$0x1E000] =	vst v63  }
0x2c5: {  	_ =	swait.ge [sflag:s9], $0x2800  }
0x2c6: {  	[sflag:s9] =	ssyncset.done $0x0  }
0x2c7: {  	[sflag:s9] =	ssyncadd.s32 $0xFFFFD800  }
0x2c8: {  	_ =	swait.ge [sflag:s17], $0x2800  }
0x2c9: {  	[sflag:s17] =	ssyncset.done $0x0  }
0x2ca: {  	s21 =	simm.s32 $0x4E47;
	[sflag:s17] =	ssyncadd.s32 $0xFFFFD800  }
0x2cb: {  	s19 =	simm.s32 $0x5200;
	v0 =	vld.msk [tilespmem:s21+$0x0 ss:$0x0], $0xffff  }
0x2cc: {  	v1 =	vld [tilespmem:s19+$0x1F0]  }
0x2cd: {  	v2 =	vld.msk [tilespmem:s21+$0xFFFFFFF9 ss:$0x0], $0xffff  }
0x2ce: {  	v3 =	vld [tilespmem:s19+$0xFFFFFE00]  }
0x2cf: {  	v4 =	vld [tilespmem:s19+$0xFFFFFE10]  }
0x2d0: {  	v5 =	vld [tilespmem:s19+$0xFFFFFE20]  }
0x2d1: {  	v6 =	vld [tilespmem:s19+$0xFFFFFE30]  }
0x2d2: {  	v7 =	vld [tilespmem:s19+$0xFFFFFE40]  }
0x2d3: {  	v8 =	vld [tilespmem:s19+$0xFFFFFE50]  }
0x2d4: {  	v9 =	vld [tilespmem:s19+$0xFFFFFE60]  }
0x2d5: {  	v10 =	vld.msk [tilespmem:s21+$0xFFFFFFFA ss:$0x0], $0xffff  }
0x2d6: {  	v11 =	vld [tilespmem:s19+$0xFFFFFE80]  }
0x2d7: {  	v12 =	vld [tilespmem:s19+$0xFFFFFE90]  }
0x2d8: {  	v14 =	vld [tilespmem:s19+$0xFFFFFEB0];
	v3 =	vmul.f32 v2, v3  }
0x2d9: {  	v15 =	vld [tilespmem:s19+$0xFFFFFEC0];
	v1 =	vmul.f32 v1, v0  }
0x2da: {  	v13 =	vld [tilespmem:s19+$0xFFFFFEA0];
	v4 =	vmul.f32 v4, v2;
	[tilespmem:s19+$0xFFFFFE00] =	vst v3  }
0x2db: {  	v47 =	vld [tilespmem:s19+$0xFFFFFED0];
	v5 =	vmul.f32 v5, v2;
	[tilespmem:s19+$0x1F0] =	vst v1  }
0x2dc: {  	v48 =	vld [tilespmem:s19+$0xFFFFFF10];
	v6 =	vmul.f32 v6, v2;
	[tilespmem:s19+$0xFFFFFE10] =	vst v4  }
0x2dd: {  	v49 =	vld [tilespmem:s19+$0xFFFFFF40];
	v50 =	vmul.f32 v14, v10;
	[tilespmem:s19+$0xFFFFFE20] =	vst v5  }
0x2de: {  	v52 =	vld [tilespmem:s19+$0xFFFFFF70];
	v51 =	vmul.f32 v15, v10;
	[tilespmem:s19+$0xFFFFFE30] =	vst v6  }
0x2df: {  	v3 =	vld [tilespmem:s19+$0xFFFFFE70];
	v1 =	vmul.f32 v10, v11;
	[tilespmem:s19+$0xFFFFFEB0] =	vst v50  }
0x2e0: {  	v4 =	vld [tilespmem:s19+$0xFFFFFEE0];
	v5 =	vmul.f32 v7, v2;
	[tilespmem:s19+$0xFFFFFEC0] =	vst v51  }
0x2e1: {  	v7 =	vld [tilespmem:s19+$0xFFFFFEF0];
	v6 =	vmul.f32 v8, v2;
	[tilespmem:s19+$0xFFFFFE80] =	vst v1  }
0x2e2: {  	v8 =	vld [tilespmem:s19+$0xFFFFFF00];
	[tilespmem:s19+$0xFFFFFE40] =	vst v5;
	v5 =	vmul.f32 v9, v2  }
0x2e3: {  	v11 =	vmul.f32 v47, v10;
	v1 =	vld.msk [tilespmem:s21+$0xFFFFFFFB ss:$0x0], $0xffff;
	[tilespmem:s19+$0xFFFFFE50] =	vst v6  }
0x2e4: {  	v53 =	vld [tilespmem:s19+$0xFFFFFF80];
	[tilespmem:s19+$0xFFFFFE60] =	vst v5;
	v5 =	vmul.f32 v12, v10  }
0x2e5: {  	v54 =	vld [tilespmem:s19+$0xFFFFFF90];
	[tilespmem:s19+$0xFFFFFED0] =	vst v11;
	v2 =	vmul.f32 v3, v2  }
0x2e6: {  	v55 =	vld [tilespmem:s19+$0xFFFFFFA0];
	v4 =	vmul.f32 v4, v10;
	[tilespmem:s19+$0xFFFFFE90] =	vst v5  }
0x2e7: {  	v6 =	vld [tilespmem:s19+$0xFFFFFF30];
	v7 =	vmul.f32 v7, v10;
	[tilespmem:s19+$0xFFFFFE70] =	vst v2  }
0x2e8: {  	v3 =	vld [tilespmem:s19+$0xFFFFFF20];
	v5 =	vmul.f32 v1, v8;
	[tilespmem:s19+$0xFFFFFEE0] =	vst v4  }
0x2e9: {  	v2 =	vmul.f32 v13, v10;
	v8 =	vld [tilespmem:s19+$0xFFFFFF50];
	[tilespmem:s19+$0xFFFFFEF0] =	vst v7  }
0x2ea: {  	v4 =	vmul.f32 v48, v1;
	[tilespmem:s19+$0xFFFFFF00] =	vst v5;
	v5 =	vld.msk [tilespmem:s21+$0xFFFFFFFC ss:$0x0], $0xffff  }
0x2eb: {  	v12 =	vmul.f32 v49, v1;
	[tilespmem:s19+$0xFFFFFEA0] =	vst v2;
	v2 =	vld [tilespmem:s19+$0xFFFFFF60]  }
0x2ec: {  	v56 =	vld [tilespmem:s19+$0xFFFFFFD0];
	[tilespmem:s19+$0xFFFFFF10] =	vst v4;
	v4 =	vmul.f32 v6, v1  }
0x2ed: {  	v57 =	vld.msk [tilespmem:s21+$0xFFFFFFFD ss:$0x0], $0xffff;
	[tilespmem:s19+$0xFFFFFF40] =	vst v12;
	v3 =	vmul.f32 v3, v1  }
0x2ee: {  	v58 =	vld [tilespmem:s19+$0x10];
	[tilespmem:s19+$0xFFFFFF30] =	vst v4;
	v8 =	vmul.f32 v8, v1  }
0x2ef: {  	v59 =	vld [tilespmem:s19+$0x20];
	[tilespmem:s19+$0xFFFFFF20] =	vst v3;
	v3 =	vmul.f32 v5, v53  }
0x2f0: {  	v4 =	vld [tilespmem:s19+$0xFFFFFFE0];
	v2 =	vmul.f32 v2, v1;
	[tilespmem:s19+$0xFFFFFF50] =	vst v8  }
0x2f1: {  	v7 =	vld [tilespmem:s19+$0xFFFFFFB0];
	v1 =	vmul.f32 v52, v1;
	[tilespmem:s19+$0xFFFFFF80] =	vst v3  }
0x2f2: {  	v6 =	vld [tilespmem:s19+$0xFFFFFFC0];
	v11 =	vmul.f32 v56, v5;
	[tilespmem:s19+$0xFFFFFF60] =	vst v2  }
0x2f3: {  	v8 =	vld [tilespmem:s19+$0x0];
	v2 =	vmul.f32 v54, v5;
	[tilespmem:s19+$0xFFFFFF70] =	vst v1  }
0x2f4: {  	v60 =	vld.msk [tilespmem:s21+$0xFFFFFFFE ss:$0x0], $0xffff;
	v1 =	vmul.f32 v55, v5;
	[tilespmem:s19+$0xFFFFFFD0] =	vst v11  }
0x2f5: {  	v3 =	vld [tilespmem:s19+$0xFFFFFFF0];
	v4 =	vmul.f32 v4, v5;
	[tilespmem:s19+$0xFFFFFF90] =	vst v2  }
0x2f6: {  	v2 =	vmul.f32 v7, v5;
	v7 =	vld [tilespmem:s19+$0x30];
	[tilespmem:s19+$0xFFFFFFA0] =	vst v1  }
0x2f7: {  	v61 =	vld [tilespmem:s19+$0x90];
	v1 =	vmul.f32 v6, v5;
	[tilespmem:s19+$0xFFFFFFE0] =	vst v4  }
0x2f8: {  	[tilespmem:s19+$0xFFFFFFB0] =	vst v2;
	v2 =	vmul.f32 v57, v8;
	v8 =	vld [tilespmem:s19+$0x50]  }
0x2f9: {  	v4 =	vmul.f32 v58, v57;
	[tilespmem:s19+$0xFFFFFFC0] =	vst v1;
	v1 =	vld [tilespmem:s19+$0x60]  }
0x2fa: {  	v6 =	vld [tilespmem:s19+$0x40];
	[tilespmem:s19+$0x0] =	vst v2;
	v2 =	vmul.f32 v3, v5  }
0x2fb: {  	[tilespmem:s19+$0x10] =	vst v4;
	v3 =	vld [tilespmem:s19+$0x70];
	v4 =	vmul.f32 v7, v57  }
0x2fc: {  	v5 =	vld [tilespmem:s19+$0x80];
	[tilespmem:s19+$0xFFFFFFF0] =	vst v2;
	v2 =	vmul.f32 v59, v57  }
0x2fd: {  	v62 =	vld.msk [tilespmem:s21+$0xFFFFFFFF ss:$0x0], $0xffff;
	[tilespmem:s19+$0x30] =	vst v4;
	v4 =	vmul.f32 v8, v57  }
0x2fe: {  	v7 =	vld [tilespmem:s19+$0xA0];
	v1 =	vmul.f32 v1, v57;
	[tilespmem:s19+$0x20] =	vst v2  }
0x2ff: {  	v2 =	vmul.f32 v6, v57;
	v6 =	vld [tilespmem:s19+$0xB0];
	[tilespmem:s19+$0x50] =	vst v4  }
0x300: {  	v8 =	vld [tilespmem:s19+$0xC0];
	v3 =	vmul.f32 v3, v57;
	[tilespmem:s19+$0x60] =	vst v1  }
0x301: {  	v1 =	vmul.f32 v61, v60;
	[tilespmem:s19+$0x40] =	vst v2;
	v2 =	vmul.f32 v60, v5;
	v5 =	vld [tilespmem:s19+$0xD0]  }
0x302: {  	v4 =	vld [tilespmem:s19+$0xE0];
	[tilespmem:s19+$0x70] =	vst v3  }
0x303: {  	v3 =	vmul.f32 v7, v60;
	v7 =	vld [tilespmem:s19+$0x100];
	[tilespmem:s19+$0x90] =	vst v1  }
0x304: {  	[tilespmem:s19+$0x80] =	vst v2;
	v2 =	vld [tilespmem:s19+$0xF0];
	v1 =	vmul.f32 v6, v60  }
0x305: {  	v6 =	vld [tilespmem:s19+$0x110];
	[tilespmem:s19+$0xA0] =	vst v3;
	v3 =	vmul.f32 v8, v60  }
0x306: {  	v8 =	vld [tilespmem:s19+$0x120];
	[tilespmem:s19+$0xB0] =	vst v1;
	v1 =	vmul.f32 v5, v60  }
0x307: {  	v5 =	vld [tilespmem:s19+$0x130];
	[tilespmem:s19+$0xC0] =	vst v3;
	v3 =	vmul.f32 v4, v60  }
0x308: {  	v4 =	vld [tilespmem:s19+$0x140];
	[tilespmem:s19+$0xD0] =	vst v1;
	v1 =	vmul.f32 v62, v7  }
0x309: {  	v7 =	vld [tilespmem:s19+$0x150];
	v2 =	vmul.f32 v2, v60;
	[tilespmem:s19+$0xE0] =	vst v3  }
0x30a: {  	v63 =	vld [tilespmem:s19+$0x160];
	v3 =	vmul.f32 v6, v62;
	[tilespmem:s19+$0x100] =	vst v1  }
0x30b: {  	v6 =	vld [tilespmem:s19+$0x170];
	[tilespmem:s19+$0xF0] =	vst v2;
	v1 =	vmul.f32 v8, v62  }
0x30c: {  	[tilespmem:s19+$0x110] =	vst v3;
	v2 =	vmul.f32 v5, v62;
	v5 =	vld [tilespmem:s19+$0x180]  }
0x30d: {  	v8 =	vld [tilespmem:s19+$0x190];
	[tilespmem:s19+$0x120] =	vst v1;
	v1 =	vmul.f32 v4, v62  }
0x30e: {  	v3 =	vld [tilespmem:s19+$0x1A0];
	[tilespmem:s19+$0x130] =	vst v2;
	v4 =	vmul.f32 v7, v62  }
0x30f: {  	v7 =	vmul.f32 v63, v62;
	v2 =	vld [tilespmem:s19+$0x1B0];
	[tilespmem:s19+$0x140] =	vst v1  }
0x310: {  	v6 =	vmul.f32 v6, v62;
	v1 =	vld [tilespmem:s19+$0x1C0];
	[tilespmem:s19+$0x150] =	vst v4  }
0x311: {  	[tilespmem:s19+$0x160] =	vst v7;
	v4 =	vld [tilespmem:s19+$0x1D0];
	v7 =	vmul.f32 v0, v5  }
0x312: {  	s22 =	simm.s32 $0x4E4F;
	s23 =	simm.s32 $0x5200;
	s21 =	simm.s32 $0x0;
	[tilespmem:s19+$0x170] =	vst v6;
	v6 =	vmul.f32 v8, v0;
	v5 =	vld [tilespmem:s19+$0x1E0]  }
.LBB2_12:
0x313: {  	v8 =	vld.msk [tilespmem:s22+$0x0 ss:$0x0], $0xffff;
	s21 =	sadd.s32 $0x8, s21;
	[tilespmem:s19+$0x180] =	vst v7;
	v3 =	vmul.f32 v3, v0;
	s23 =	sadd.s32 $0x400, s23  }
0x314: {  	v7 =	vld [tilespmem:s23+$0x1F0];
	p0 =	slt.u32 s21, $0x48;
	[tilespmem:s19+$0x190] =	vst v6;
	v2 =	vmul.f32 v2, v0  }
0x315: {  	v6 =	vld.msk [tilespmem:s22+$0xFFFFFFFA ss:$0x0], $0xffff;
	[tilespmem:s19+$0x1A0] =	vst v3;
	v1 =	vmul.f32 v1, v0  }
0x316: {  	v9 =	vld.msk [tilespmem:s22+$0xFFFFFFFB ss:$0x0], $0xffff;
	[tilespmem:s19+$0x1B0] =	vst v2;
	v2 =	vmul.f32 v4, v0  }
0x317: {  	v4 =	vld.msk [tilespmem:s22+$0xFFFFFFFC ss:$0x0], $0xffff;
	[tilespmem:s19+$0x1C0] =	vst v1;
	v1 =	vmul.f32 v5, v0  }
0x318: {  	v3 =	vld.msk [tilespmem:s22+$0xFFFFFFFD ss:$0x0], $0xffff;
	[tilespmem:s19+$0x1D0] =	vst v2  }
0x319: {  	v0 =	vmov v8;
	v2 =	vld.msk [tilespmem:s22+$0xFFFFFFFE ss:$0x0], $0xffff;
	v5 =	vmul.f32 v7, v8;
	[tilespmem:s19+$0x1E0] =	vst v1;
	s19 =	smov.u32 s23  }
0x31a: {  	v1 =	vld.msk [tilespmem:s22+$0xFFFFFFFF ss:$0x0], $0xffff  }
0x31b: {  	v7 =	vld.msk [tilespmem:s22+$0xFFFFFFF9 ss:$0x0], $0xffff;
	[tilespmem:s23+$0x1F0] =	vst v5  }
0x31c: {  	v5 =	vld [tilespmem:s23+$0xFFFFFE00]  }
0x31d: {  	v8 =	vld [tilespmem:s23+$0xFFFFFE10]  }
0x31e: {  	v10 =	vld [tilespmem:s23+$0xFFFFFE20]  }
0x31f: {  	v11 =	vld [tilespmem:s23+$0xFFFFFE30]  }
0x320: {  	v12 =	vld [tilespmem:s23+$0xFFFFFE40]  }
0x321: {  	v5 =	vmul.f32 v7, v5;
	v13 =	vld [tilespmem:s23+$0xFFFFFE50]  }
0x322: {  	v8 =	vmul.f32 v8, v7;
	v14 =	vld [tilespmem:s23+$0xFFFFFE60]  }
0x323: {  	[tilespmem:s23+$0xFFFFFE00] =	vst v5;
	v5 =	vmul.f32 v10, v7;
	v10 =	vld [tilespmem:s23+$0xFFFFFE70]  }
0x324: {  	[tilespmem:s23+$0xFFFFFE10] =	vst v8;
	v8 =	vmul.f32 v11, v7;
	v11 =	vld [tilespmem:s23+$0xFFFFFE80]  }
0x325: {  	[tilespmem:s23+$0xFFFFFE20] =	vst v5;
	v5 =	vmul.f32 v12, v7;
	v12 =	vld [tilespmem:s23+$0xFFFFFE90]  }
0x326: {  	[tilespmem:s23+$0xFFFFFE30] =	vst v8;
	v8 =	vmul.f32 v13, v7;
	v13 =	vld [tilespmem:s23+$0xFFFFFEA0]  }
0x327: {  	[tilespmem:s23+$0xFFFFFE40] =	vst v5;
	v5 =	vmul.f32 v14, v7;
	v14 =	vld [tilespmem:s23+$0xFFFFFEB0]  }
0x328: {  	[tilespmem:s23+$0xFFFFFE50] =	vst v8;
	v7 =	vmul.f32 v10, v7;
	v8 =	vld [tilespmem:s23+$0xFFFFFEC0]  }
0x329: {  	[tilespmem:s23+$0xFFFFFE60] =	vst v5;
	v5 =	vmul.f32 v6, v11;
	v10 =	vld [tilespmem:s23+$0xFFFFFED0]  }
0x32a: {  	[tilespmem:s23+$0xFFFFFE70] =	vst v7;
	v7 =	vmul.f32 v12, v6;
	v11 =	vld [tilespmem:s23+$0xFFFFFEE0]  }
0x32b: {  	[tilespmem:s23+$0xFFFFFE80] =	vst v5;
	v5 =	vmul.f32 v13, v6;
	v12 =	vld [tilespmem:s23+$0xFFFFFEF0]  }
0x32c: {  	[tilespmem:s23+$0xFFFFFE90] =	vst v7;
	v7 =	vmul.f32 v14, v6;
	v13 =	vld [tilespmem:s23+$0xFFFFFF00]  }
0x32d: {  	[tilespmem:s23+$0xFFFFFEA0] =	vst v5;
	v5 =	vmul.f32 v8, v6;
	v8 =	vld [tilespmem:s23+$0xFFFFFF10]  }
0x32e: {  	[tilespmem:s23+$0xFFFFFEB0] =	vst v7;
	v7 =	vmul.f32 v10, v6;
	v10 =	vld [tilespmem:s23+$0xFFFFFF20]  }
0x32f: {  	[tilespmem:s23+$0xFFFFFEC0] =	vst v5;
	v5 =	vmul.f32 v11, v6;
	v11 =	vld [tilespmem:s23+$0xFFFFFF30]  }
0x330: {  	[tilespmem:s23+$0xFFFFFED0] =	vst v7;
	v6 =	vmul.f32 v12, v6;
	v7 =	vld [tilespmem:s23+$0xFFFFFF40]  }
0x331: {  	[tilespmem:s23+$0xFFFFFEE0] =	vst v5;
	v5 =	vmul.f32 v9, v13;
	v12 =	vld [tilespmem:s23+$0xFFFFFF50]  }
0x332: {  	[tilespmem:s23+$0xFFFFFEF0] =	vst v6;
	v6 =	vmul.f32 v8, v9;
	v8 =	vld [tilespmem:s23+$0xFFFFFF60]  }
0x333: {  	[tilespmem:s23+$0xFFFFFF00] =	vst v5;
	v5 =	vmul.f32 v10, v9;
	v10 =	vld [tilespmem:s23+$0xFFFFFF70]  }
0x334: {  	[tilespmem:s23+$0xFFFFFF10] =	vst v6;
	v6 =	vmul.f32 v11, v9;
	v11 =	vld [tilespmem:s23+$0xFFFFFF80]  }
0x335: {  	[tilespmem:s23+$0xFFFFFF20] =	vst v5;
	v5 =	vmul.f32 v7, v9;
	v7 =	vld [tilespmem:s23+$0xFFFFFF90]  }
0x336: {  	[tilespmem:s23+$0xFFFFFF30] =	vst v6;
	v6 =	vmul.f32 v12, v9;
	v12 =	vld [tilespmem:s23+$0xFFFFFFA0]  }
0x337: {  	[tilespmem:s23+$0xFFFFFF40] =	vst v5;
	v5 =	vmul.f32 v8, v9;
	v8 =	vld [tilespmem:s23+$0xFFFFFFB0]  }
0x338: {  	[tilespmem:s23+$0xFFFFFF50] =	vst v6;
	v6 =	vmul.f32 v10, v9;
	v9 =	vld [tilespmem:s23+$0xFFFFFFC0]  }
0x339: {  	[tilespmem:s23+$0xFFFFFF60] =	vst v5;
	v5 =	vmul.f32 v4, v11;
	v10 =	vld [tilespmem:s23+$0xFFFFFFD0]  }
0x33a: {  	[tilespmem:s23+$0xFFFFFF70] =	vst v6;
	v6 =	vmul.f32 v7, v4;
	v7 =	vld [tilespmem:s23+$0xFFFFFFE0]  }
0x33b: {  	[tilespmem:s23+$0xFFFFFF80] =	vst v5;
	v5 =	vmul.f32 v12, v4;
	v11 =	vld [tilespmem:s23+$0xFFFFFFF0]  }
0x33c: {  	[tilespmem:s23+$0xFFFFFF90] =	vst v6;
	v6 =	vmul.f32 v8, v4;
	v8 =	vld [tilespmem:s23+$0x0]  }
0x33d: {  	[tilespmem:s23+$0xFFFFFFA0] =	vst v5;
	v5 =	vmul.f32 v9, v4;
	v9 =	vld [tilespmem:s23+$0x10]  }
0x33e: {  	[tilespmem:s23+$0xFFFFFFB0] =	vst v6;
	v6 =	vmul.f32 v10, v4;
	v10 =	vld [tilespmem:s23+$0x20]  }
0x33f: {  	[tilespmem:s23+$0xFFFFFFC0] =	vst v5;
	v5 =	vmul.f32 v7, v4;
	v7 =	vld [tilespmem:s23+$0x30]  }
0x340: {  	[tilespmem:s23+$0xFFFFFFD0] =	vst v6;
	v4 =	vmul.f32 v11, v4;
	v6 =	vld [tilespmem:s23+$0x40]  }
0x341: {  	[tilespmem:s23+$0xFFFFFFE0] =	vst v5;
	v5 =	vmul.f32 v3, v8;
	v8 =	vld [tilespmem:s23+$0x50]  }
0x342: {  	[tilespmem:s23+$0xFFFFFFF0] =	vst v4;
	v4 =	vmul.f32 v9, v3;
	v9 =	vld [tilespmem:s23+$0x60]  }
0x343: {  	[tilespmem:s23+$0x0] =	vst v5;
	v5 =	vmul.f32 v10, v3;
	v10 =	vld [tilespmem:s23+$0x70]  }
0x344: {  	[tilespmem:s23+$0x10] =	vst v4;
	v4 =	vmul.f32 v7, v3;
	v7 =	vld [tilespmem:s23+$0x80]  }
0x345: {  	[tilespmem:s23+$0x20] =	vst v5;
	v5 =	vmul.f32 v6, v3;
	v6 =	vld [tilespmem:s23+$0x90]  }
0x346: {  	[tilespmem:s23+$0x30] =	vst v4;
	v4 =	vmul.f32 v8, v3;
	v8 =	vld [tilespmem:s23+$0xA0]  }
0x347: {  	[tilespmem:s23+$0x40] =	vst v5;
	v5 =	vmul.f32 v9, v3;
	v9 =	vld [tilespmem:s23+$0xB0]  }
0x348: {  	[tilespmem:s23+$0x50] =	vst v4;
	v3 =	vmul.f32 v10, v3;
	v4 =	vld [tilespmem:s23+$0xC0]  }
0x349: {  	[tilespmem:s23+$0x60] =	vst v5;
	v5 =	vmul.f32 v2, v7;
	v7 =	vld [tilespmem:s23+$0xD0]  }
0x34a: {  	[tilespmem:s23+$0x70] =	vst v3;
	v3 =	vmul.f32 v6, v2;
	v6 =	vld [tilespmem:s23+$0xE0]  }
0x34b: {  	[tilespmem:s23+$0x80] =	vst v5;
	v5 =	vmul.f32 v8, v2;
	v8 =	vld [tilespmem:s23+$0xF0]  }
0x34c: {  	[tilespmem:s23+$0x90] =	vst v3;
	v3 =	vmul.f32 v9, v2;
	v9 =	vld [tilespmem:s23+$0x100]  }
0x34d: {  	[tilespmem:s23+$0xA0] =	vst v5;
	v4 =	vmul.f32 v4, v2;
	v5 =	vld [tilespmem:s23+$0x110]  }
0x34e: {  	[tilespmem:s23+$0xB0] =	vst v3;
	v3 =	vmul.f32 v7, v2;
	v7 =	vld [tilespmem:s23+$0x120]  }
0x34f: {  	[tilespmem:s23+$0xC0] =	vst v4;
	v4 =	vmul.f32 v6, v2;
	v6 =	vld [tilespmem:s23+$0x130]  }
0x350: {  	[tilespmem:s23+$0xD0] =	vst v3;
	v2 =	vmul.f32 v8, v2;
	v3 =	vld [tilespmem:s23+$0x140]  }
0x351: {  	[tilespmem:s23+$0xE0] =	vst v4;
	v4 =	vmul.f32 v1, v9;
	v8 =	vld [tilespmem:s23+$0x150]  }
0x352: {  	[tilespmem:s23+$0xF0] =	vst v2;
	v2 =	vmul.f32 v5, v1;
	v5 =	vld [tilespmem:s23+$0x160]  }
0x353: {  	[tilespmem:s23+$0x100] =	vst v4;
	v4 =	vmul.f32 v7, v1;
	v7 =	vld [tilespmem:s23+$0x170]  }
0x354: {  	[tilespmem:s23+$0x110] =	vst v2;
	v2 =	vmul.f32 v6, v1;
	v6 =	vld [tilespmem:s23+$0x180]  }
0x355: {  	[tilespmem:s23+$0x120] =	vst v4;
	v4 =	vmul.f32 v3, v1;
	v9 =	vld [tilespmem:s23+$0x190]  }
.Ltmp5:
0x356: {  	[tilespmem:s23+$0x130] =	vst v2;
	v8 =	vmul.f32 v8, v1;
	v3 =	vld [tilespmem:s23+$0x1A0];
	(pc) =	sbr.rel @p0 .LBB2_12-.Ltmp5, $4  }
0x357: {  	[tilespmem:s23+$0x140] =	vst v4;
	v4 =	vmul.f32 v5, v1;
	v2 =	vld [tilespmem:s23+$0x1B0]  }
0x358: {  	[tilespmem:s23+$0x150] =	vst v8;
	v5 =	vmul.f32 v7, v1;
	v1 =	vld [tilespmem:s23+$0x1C0]  }
0x359: {  	[tilespmem:s23+$0x160] =	vst v4;
	v7 =	vmul.f32 v0, v6;
	v4 =	vld [tilespmem:s23+$0x1D0]  }
0x35a: {  	s22 =	sadd.s32 $0x8, s22;
	[tilespmem:s23+$0x170] =	vst v5;
	v6 =	vmul.f32 v9, v0;
	v5 =	vld [tilespmem:s23+$0x1E0]  }
0x35b: {  	[tilespmem:s19+$0x180] =	vst v7;
	v3 =	vmul.f32 v3, v0  }
0x35c: {  	[tilespmem:s19+$0x190] =	vst v6;
	v2 =	vmul.f32 v2, v0  }
0x35d: {  	[tilespmem:s19+$0x1A0] =	vst v3;
	v1 =	vmul.f32 v1, v0  }
0x35e: {  	[tilespmem:s19+$0x1B0] =	vst v2;
	v62 =	vmul.f32 v4, v0  }
0x35f: {  	[tilespmem:s19+$0x1C0] =	vst v1;
	v63 =	vmul.f32 v5, v0  }
0x360: {  	[tilespmem:s19+$0x1D0] =	vst v62  }
0x361: {  	[tilespmem:s19+$0x1E0] =	vst v63  }
0x362: {  	_ =	swait.ge [sflag:s12], $0x50  }
0x363: {  	[sflag:s12] =	ssyncset.done $0x0  }
0x364: {  	[sflag:s12] =	ssyncadd.s32 $0xFFFFFFB0  }
0x365: {  	[spmem:s4] =	stream.indirect.scatter.add.f32 [tilespmem:s7], [sflag:$0x7], $0x80, s8, s3, $0xb8;
	[tilespmem:$0x1E000] =	vst v63  }
0x366: {  	_ =	swait.ge [sflag:s0], $0x2800  }
0x367: {  	[sflag:s0] =	ssyncset.done $0x0  }
0x368: {  	[sflag:s0] =	ssyncadd.s32 $0xFFFFD800  }
0x369: {  	[bflag:$0x0] =	sbarrier.arrive $0xFFFF  }
0x36a: {  	[tilespmem:s7], [sflag:$0x7] =	stream.linear.gather [spmem:s16], $0x2800, $0x38;
	[tilespmem:$0x1E000] =	vst v63  }
0x36b: {  	_ =	swait.ge [sflag:s0], $0x2800  }
0x36c: {  	[sflag:s0] =	ssyncset.done $0x0  }
0x36d: {  	s28 =	rddreg [dreg:$0x6];
	[sflag:s0] =	ssyncadd.s32 $0xFFFFD800  }
0x36e: {  	[hbm4b:s28+s5] =	stream.linear.scatter [tilespmem:s7], [sflag:$0x3], $0x2800, $0x38;
	[tilespmem:$0x1E000] =	vst v63  }
0x36f: {  	s21 =	rddreg [dreg:$0x12]  }
0x370: {  	[tilespmem:s11], [sflag:$0x7] =	stream.linear.gather [spmem:s21], $0x2800, $0x38;
	[tilespmem:$0x1E000] =	vst v63  }
0x371: {  	_ =	swait.ge [sflag:s0], $0x2800  }
0x372: {  	[sflag:s0] =	ssyncset.done $0x0  }
0x373: {  	[sflag:s0] =	ssyncadd.s32 $0xFFFFD800  }
0x374: {  	_ =	swait.ge [sflag:s14], $0x2800  }
0x375: {  	[sflag:s14] =	ssyncset.done $0x0  }
0x376: {  	s22 =	rddreg [dreg:$0x7];
	[sflag:s14] =	ssyncadd.s32 $0xFFFFD800  }
0x377: {  	[hbm4b:s22+s5] =	stream.linear.scatter [tilespmem:s11], [sflag:$0x4], $0x2800, $0x38;
	[tilespmem:$0x1E000] =	vst v63  }
0x378: {  	s23 =	rddreg [dreg:$0x13]  }
0x379: {  	[tilespmem:s7], [sflag:$0x7] =	stream.linear.gather [spmem:s23], $0x2800, $0x38;
	[tilespmem:$0x1E000] =	vst v63  }
0x37a: {  	_ =	swait.ge [sflag:s0], $0x2800  }
0x37b: {  	[sflag:s0] =	ssyncset.done $0x0  }
0x37c: {  	[sflag:s0] =	ssyncadd.s32 $0xFFFFD800  }
0x37d: {  	_ =	swait.ge [sflag:s17], $0x2800  }
0x37e: {  	[sflag:s17] =	ssyncset.done $0x0  }
0x37f: {  	s24 =	rddreg [dreg:$0x8];
	[sflag:s17] =	ssyncadd.s32 $0xFFFFD800  }
0x380: {  	[hbm4b:s24+s5] =	stream.linear.scatter [tilespmem:s7], [sflag:$0x3], $0x2800, $0x38;
	[tilespmem:$0x1E000] =	vst v63  }
0x381: {  	s25 =	rddreg [dreg:$0x14]  }
0x382: {  	[tilespmem:s11], [sflag:$0x7] =	stream.linear.gather [spmem:s25], $0x2800, $0x38;
	[tilespmem:$0x1E000] =	vst v63  }
0x383: {  	_ =	swait.ge [sflag:s0], $0x2800  }
0x384: {  	[sflag:s0] =	ssyncset.done $0x0  }
0x385: {  	[sflag:s0] =	ssyncadd.s32 $0xFFFFD800  }
0x386: {  	_ =	swait.ge [sflag:s14], $0x2800  }
0x387: {  	[sflag:s14] =	ssyncset.done $0x0  }
0x388: {  	s26 =	rddreg [dreg:$0x9];
	[sflag:s14] =	ssyncadd.s32 $0xFFFFD800  }
0x389: {  	[hbm4b:s26+s5] =	stream.linear.scatter [tilespmem:s11], [sflag:$0x4], $0x2800, $0x38;
	[tilespmem:$0x1E000] =	vst v63  }
0x38a: {  	s28 =	rddreg [dreg:$0x15]  }
0x38b: {  	[tilespmem:s7], [sflag:$0x7] =	stream.linear.gather [spmem:s28], $0x2800, $0x38;
	[tilespmem:$0x1E000] =	vst v63  }
0x38c: {  	_ =	swait.ge [sflag:s0], $0x2800  }
0x38d: {  	[sflag:s0] =	ssyncset.done $0x0  }
0x38e: {  	[sflag:s0] =	ssyncadd.s32 $0xFFFFD800  }
0x38f: {  	_ =	swait.ge [sflag:s17], $0x2800  }
0x390: {  	[sflag:s17] =	ssyncset.done $0x0  }
0x391: {  	s21 =	rddreg [dreg:$0xa];
	[sflag:s17] =	ssyncadd.s32 $0xFFFFD800  }
0x392: {  	[hbm4b:s21+s5] =	stream.linear.scatter [tilespmem:s7], [sflag:$0x3], $0x2800, $0x38;
	[tilespmem:$0x1E000] =	vst v63  }
0x393: {  	s22 =	rddreg [dreg:$0x16]  }
0x394: {  	[tilespmem:s11], [sflag:$0x7] =	stream.linear.gather [spmem:s22], $0x2800, $0x38;
	[tilespmem:$0x1E000] =	vst v63  }
0x395: {  	_ =	swait.ge [sflag:s0], $0x2800  }
0x396: {  	[sflag:s0] =	ssyncset.done $0x0  }
0x397: {  	[sflag:s0] =	ssyncadd.s32 $0xFFFFD800  }
0x398: {  	_ =	swait.ge [sflag:s14], $0x2800  }
0x399: {  	[sflag:s14] =	ssyncset.done $0x0  }
0x39a: {  	s23 =	rddreg [dreg:$0xb];
	[sflag:s14] =	ssyncadd.s32 $0xFFFFD800  }
0x39b: {  	[hbm4b:s23+s5] =	stream.linear.scatter [tilespmem:s11], [sflag:$0x4], $0x2800, $0x38;
	[tilespmem:$0x1E000] =	vst v63  }
0x39c: {  	s24 =	rddreg [dreg:$0x17]  }
0x39d: {  	[tilespmem:s7], [sflag:$0x7] =	stream.linear.gather [spmem:s24], $0x2800, $0x38;
	[tilespmem:$0x1E000] =	vst v63  }
0x39e: {  	_ =	swait.ge [sflag:s0], $0x2800  }
0x39f: {  	[sflag:s0] =	ssyncset.done $0x0  }
0x3a0: {  	[sflag:s0] =	ssyncadd.s32 $0xFFFFD800  }
0x3a1: {  	_ =	swait.ge [sflag:s17], $0x2800  }
0x3a2: {  	[sflag:s17] =	ssyncset.done $0x0  }
0x3a3: {  	s25 =	rddreg [dreg:$0xc];
	[sflag:s17] =	ssyncadd.s32 $0xFFFFD800  }
0x3a4: {  	[hbm4b:s25+s5] =	stream.linear.scatter [tilespmem:s7], [sflag:$0x3], $0x2800, $0x38;
	[tilespmem:$0x1E000] =	vst v63  }
0x3a5: {  	s26 =	rddreg [dreg:$0x18]  }
0x3a6: {  	[tilespmem:s11], [sflag:$0x7] =	stream.linear.gather [spmem:s26], $0x2800, $0x38;
	[tilespmem:$0x1E000] =	vst v63  }
0x3a7: {  	_ =	swait.ge [sflag:s0], $0x2800  }
0x3a8: {  	[sflag:s0] =	ssyncset.done $0x0  }
0x3a9: {  	[sflag:s0] =	ssyncadd.s32 $0xFFFFD800  }
0x3aa: {  	s18 =	sadd.s32 $0x1, s18;
	_ =	swait.ge [sflag:s14], $0x2800  }
0x3ab: {  	p0 =	sne.s32 s18, s29;
	[sflag:s14] =	ssyncset.done $0x0  }
.Ltmp6:
0x3ac: {  	s28 =	rddreg [dreg:$0xd];
	[sflag:s14] =	ssyncadd.s32 $0xFFFFD800;
	(pc) =	sbr.rel @p0 .LBB2_1-.Ltmp6, $4  }
0x3ad: {  	[hbm4b:s28+s5] =	stream.linear.scatter [tilespmem:s11], [sflag:$0x4], $0x2800, $0x38;
	[tilespmem:$0x1E000] =	vst v63  }
0x3ae: {  	_ =	swait.ge [sflag:s17], $0x2800  }
0x3af: {  	[sflag:s17] =	ssyncset.done $0x0  }
0x3b0: {  	[sflag:s17] =	ssyncadd.s32 $0xFFFFD800  }
0x3b1: {  	_ =	sfence.sel $0x180000  }
0x3b2: {  	[bflag:$0x0] =	sbarrier.arrive $0xFFFF  }
0x3b3: {  	_ =	strace $0x90000047  }
0x3b4: {  	s0 =	stileid.u32;
	[bflag:$0x2] =	sbarrier.arrive $0xFFFF  }
0x3b5: {  	p0 =	sne.s32 s0, $0x0;
	s0 =	rddreg [dreg:$0x5]  }
0x3b6: {  	s0 =	sadd.s32 @!p0 $0x100000, s0  }
0x3b7: {  	[sflag:s0] =	ssyncadd.tile.s32 @!p0 $0x1;
	_ =	shalt  }
.Lfunc_end2:
_tile_overlayer_lowered:
.L_overlay_start_2:
0x3b8: {  	(tag) =	ssettag $0x2  }
0x3b9: {  	s0 =	rddreg [dreg:$0x0];
	s2 =	stileid.u32  }
0x3ba: {  	s1 =	rddreg [dreg:$0x1];
	p0 =	sne.s32 s2, $0x0  }
0x3bb: {  	s3 =	rddreg [dreg:$0x2];
	[bflag:$0x3] =	sbarrier.arrive $0xFFFF;
	s2 =	simm.s32 @!p0 $0x1C07  }
0x3bc: {  	[timem:s3], [sflag:s2] =	dma.local @!p0 [hbm:s0], s1  }
0x3bd: {  	s0 =	simm.s32 @!p0 $0x7  }
0x3be: {  	_ =	swait.ge @!p0 [sflag:s0], s1  }
0x3bf: {  	s1 =	ssub.s32 @!p0 $0x0, s1;
	[sflag:s0] =	ssyncset.done @!p0 $0x0  }
0x3c0: {  	[sflag:s0] =	ssyncadd.s32 @!p0 s1  }
0x3c1: {  	[bflag:$0x3] =	sbarrier.arrive $0xFFFF  }
0x3c2: {  	_ =	shalt  }

</sc_bundles>
